<compile_context>
chip_gen: v7x
topology: tpu7x:2x2x1
jax: 0.10.2.dev20260603
libtpu: 0.0.44.dev20260713+nightly
codegen_flags: <defaults>
</compile_context>

<pallas_src>
import jax
import jax.numpy as jnp
from jax import lax
from jax.experimental import pallas as pl
from jax.experimental.pallas import tpu as pltpu
from jax.experimental.pallas import tpu_sc as plsc

N_NODES = 10000
D_FEAT = 256
N_EDGES = 160000
NC, NS = 2, 16
NW = NC * NS
CPW = D_FEAT // NW
ECH = 640
NCH = N_EDGES // ECH
SUB = 128
NSUB = ECH // SUB
ACC = N_NODES * CPW

NEG_INF = float("-inf")

_GATHER_DNUMS = lax.GatherDimensionNumbers(
    offset_dims=(), collapsed_slice_dims=(0,), start_index_map=(0,))


def _swap_halves(v, perm):
    return lax.gather(v, perm, _GATHER_DNUMS, (1,),
                      mode=lax.GatherScatterMode.PROMISE_IN_BOUNDS)


def _body(x2, srcs, dsts, out, src_b, gsrc_b, dst_b, vals, acc, scr,
          sl0, sl1, sg0, sg1):
    wid = lax.axis_index("c") * NS + lax.axis_index("s")
    lane = lax.iota(jnp.int32, 16)
    col8 = lane & 7
    half = lane >> 3
    perm = jnp.reshape(lane ^ 8, (16, 1))

    def init(i, carry):
        acc[pl.ds(i * 16, 16)] = jnp.full((16,), NEG_INF, jnp.float32)
        return carry
    lax.fori_loop(0, ACC // 16, init, 0, unroll=4)

    sem_l = (sl0, sl1)
    sem_g = (sg0, sg1)

    def issue_linear(c, s):
        pltpu.async_copy(srcs.at[c], src_b.at[pl.ds(s * ECH, ECH)], sem_l[s])
        pltpu.async_copy(dsts.at[c], dst_b.at[pl.ds(s * ECH, ECH)], sem_l[s])

    def wait_linear(s):
        pltpu.make_async_copy(
            srcs.at[0], src_b.at[pl.ds(s * ECH, ECH)], sem_l[s]).wait()
        pltpu.make_async_copy(
            dsts.at[0], dst_b.at[pl.ds(s * ECH, ECH)], sem_l[s]).wait()

    def scale_srcs(s):
        def scale(i, carry):
            off = s * ECH + i * 16
            v = src_b[pl.ds(off, 16)]
            gsrc_b[pl.ds(off, 16)] = (v << 5) + wid
            return carry
        lax.fori_loop(0, ECH // 16, scale, 0, unroll=4)

    def issue_gathers(s):
        for j in range(NSUB):
            pltpu.async_copy(
                x2.at[gsrc_b.at[pl.ds(s * ECH + j * SUB, SUB)]],
                vals.at[pl.ds(s * ECH + j * SUB, SUB)], sem_g[s])

    def wait_gathers(s):
        pltpu.make_async_copy(x2.at[pl.ds(0, ECH)],
                              vals.at[pl.ds(s * ECH, ECH)], sem_g[s]).wait()

    pats = [jnp.reshape(2 * k + half, (16, 1)) for k in range(8)]
    lane16 = lane + 16

    def detect2(dA, dB):
        kA = dA & 16383
        kB = dB & 16383
        plsc.store_scatter(scr, [kA], lane)
        plsc.store_scatter(scr, [kB], lane16)
        gA = plsc.load_gather(scr, [kA])
        gB = plsc.load_gather(scr, [kB])
        bad = (gA != lane) | (gB != lane16)
        return jnp.max(jnp.where(bad, jnp.int32(1), jnp.int32(0)))

    def compute(s):
        dbase = s * ECH
        dA0 = dst_b[pl.ds(dbase, 16)]
        dB0 = dst_b[pl.ds(dbase + 16, 16)]
        dup0 = detect2(dA0, dB0)

        def block(g, carry):
            dup, dA, dB = carry
            e0 = dbase + 32 * g
            avA = dA * CPW
            avB = dB * CPW
            addrs = []
            vvals = []
            for k in range(16):
                av = avA if k < 8 else avB
                a_k = lax.gather(av, pats[k % 8], _GATHER_DNUMS, (1,),
                                 mode=lax.GatherScatterMode.PROMISE_IN_BOUNDS)
                a_k = a_k | col8
                rows = (e0 + 2 * k) + half
                v_k = plsc.load_gather(vals, [rows, col8])
                addrs.append(a_k)
                vvals.append(v_k)
            dA_n = dst_b[pl.ds(e0 + 32, 16)]
            dB_n = dst_b[pl.ds(e0 + 48, 16)]
            dup_n = detect2(dA_n, dB_n)

            def fast():
                for h in (0, 8):
                    accs = [plsc.load_gather(acc, [addrs[h + k]])
                            for k in range(8)]
                    for k in range(8):
                        plsc.store_scatter(acc, [addrs[h + k]],
                                           jnp.maximum(accs[k], vvals[h + k]))

            def slow():
                for k in range(16):
                    vs = _swap_halves(vvals[k], perm)
                    asw = _swap_halves(addrs[k], perm)
                    merged = jnp.where(addrs[k] == asw,
                                       jnp.maximum(vvals[k], vs), vvals[k])
                    a = plsc.load_gather(acc, [addrs[k]])
                    plsc.store_scatter(acc, [addrs[k]], jnp.maximum(a, merged))

            lax.cond(dup > 0, slow, fast)
            return (dup_n, dA_n, dB_n)

        lax.fori_loop(0, ECH // 32, block, (dup0, dA0, dB0))

    issue_linear(0, 0)
    issue_linear(1, 1)
    wait_linear(0)
    scale_srcs(0)
    issue_gathers(0)

    def two_chunks(t, carry):
        for s in (0, 1):
            c = 2 * t + s
            wait_gathers(s)
            wait_linear(1 - s)
            scale_srcs(1 - s)
            issue_gathers(1 - s)
            compute(s)
            issue_linear(jnp.minimum(c + 2, NCH - 1), s)
        return carry
    lax.fori_loop(0, NCH // 2, two_chunks, 0)

    wait_gathers(0)
    wait_linear(1)

    def fix(i, carry):
        v = acc[pl.ds(i * 16, 16)]
        acc[pl.ds(i * 16, 16)] = jnp.where(v == NEG_INF, jnp.float32(0.0), v)
        return carry
    lax.fori_loop(0, ACC // 16, fix, 0, unroll=4)
    pltpu.sync_copy(acc, out.at[wid])


def _sc_agg(x, src, dst):
    x2 = x.reshape(N_NODES * NW, CPW)
    srcs = src.reshape(NCH, ECH)
    dsts = dst.reshape(NCH, ECH)
    mesh = plsc.VectorSubcoreMesh(core_axis_name="c", subcore_axis_name="s")
    f = pl.kernel(
        _body,
        out_type=jax.ShapeDtypeStruct((NW, ACC), jnp.float32),
        mesh=mesh,
        scratch_types=[
            pltpu.VMEM((2 * ECH,), jnp.int32),
            pltpu.VMEM((2 * ECH,), jnp.int32),
            pltpu.VMEM((2 * ECH + 48,), jnp.int32),
            pltpu.VMEM((2 * ECH, CPW), jnp.float32),
            pltpu.VMEM((ACC,), jnp.float32),
            pltpu.VMEM((16384,), jnp.int32),
            pltpu.SemaphoreType.DMA,
            pltpu.SemaphoreType.DMA,
            pltpu.SemaphoreType.DMA,
            pltpu.SemaphoreType.DMA,
        ],
        compiler_params=pltpu.CompilerParams(
            needs_layout_passes=False, use_tc_tiling_on_sc=False),
    )
    agg32 = f(x2, srcs, dsts)
    return agg32.reshape(NW, N_NODES, CPW).transpose(1, 0, 2).reshape(
        N_NODES, D_FEAT)


def kernel(x, edge_index):
    src = edge_index[0].astype(jnp.int32)
    dst = edge_index[1].astype(jnp.int32)
    agg = _sc_agg(x, src, dst)
    return jnp.concatenate([x, agg], axis=-1)

# --- scband reference (transcript-rebuilt; emitter-appended) ---
"""Pipeline reference for scband-graph-max-aggregation-module-60773787238620 (READ-ONLY COPY).

The authoritative reference and input builder live on the scoring server;
editing this copy changes nothing except your own understanding.
"""

import jax, jax.numpy as jnp
import numpy as np

N_NODES = 10000
N_EDGES = 160000
D_FEAT = 256


def setup_inputs(seed: int = 0) -> dict:
    key = jax.random.key(seed)
    k1, k2 = jax.random.split(key, 2)
    x = jax.random.normal(k1, (N_NODES, D_FEAT), dtype=jnp.float32)
    edge_index = jax.random.randint(k2, (2, N_EDGES), 0, N_NODES)
    return {"x": x, "edge_index": edge_index}


def reference(x, edge_index):
    # GraphMaxAggregationModule with sep=True and a single (homogeneous) edge type.
    # DGL ops.copy_u_max: for each dst node, max over incoming edges of x[src].
    src = edge_index[0]
    dst = edge_index[1]
    # gather source node features per edge, then segment-max reduce onto dst nodes
    agg = jax.ops.segment_max(x[src], dst, num_segments=N_NODES)
    # sep=True: prepend the original features before the per-etype aggregations
    out = jnp.concatenate([x, agg], axis=-1)
    # dgl fills isolated destination nodes with -inf; module zeroes those out
    out = jnp.where(jnp.isinf(out), jnp.zeros_like(out), out)
    return out

if __name__ == "__main__":
    import jax
    _d = setup_inputs()
    print(jax.jit(kernel)(*tuple(_d.values())))

</pallas_src>

<mosaic_0001>
#map = affine_map<(d0, d1) -> (0, 0)>
module attributes {stable_mosaic.version = 14 : i64} {
  func.func @_body(%arg0: i32, %arg1: i32, %arg2: memref<320000x8xf32, #tpu.memory_space<hbm>>, %arg3: memref<250x640xi32, #tpu.memory_space<hbm>>, %arg4: memref<250x640xi32, #tpu.memory_space<hbm>>, %arg5: memref<32x80000xf32, #tpu.memory_space<hbm>>, %arg6: memref<1280xi32, #tpu.memory_space<vmem>>, %arg7: memref<1280xi32, #tpu.memory_space<vmem>>, %arg8: memref<1328xi32, #tpu.memory_space<vmem>>, %arg9: memref<1280x8xf32, #tpu.memory_space<vmem>>, %arg10: memref<80000xf32, #tpu.memory_space<vmem>>, %arg11: memref<16384xi32, #tpu.memory_space<vmem>>, %arg12: memref<!tpu.dma_semaphore, #tpu.memory_space<semaphore_mem>>, %arg13: memref<!tpu.dma_semaphore, #tpu.memory_space<semaphore_mem>>, %arg14: memref<!tpu.dma_semaphore, #tpu.memory_space<semaphore_mem>>, %arg15: memref<!tpu.dma_semaphore, #tpu.memory_space<semaphore_mem>>) attributes {dimension_semantics = [#tpu.dimension_semantics<core_parallel>, #tpu.dimension_semantics<subcore_parallel>], iteration_bounds = array<i64: 2, 16>, scalar_prefetch = 0 : i64, scratch_operands = 10 : i64, tpu.core_type = #tpu.core_type<sc_vector_subcore>, window_params = [{transform_indices = #map}, {transform_indices = #map}, {transform_indices = #map}, {transform_indices = #map}]} {
    %mul3A = arith.constant 16 : i32
    %mul3A_0 = arith.muli %arg0, %mul3A : i32
    %add3A = arith.addi %mul3A_0, %arg1 : i32
    %iota3A = tpu.iota {dimensions = array<i32: 0>} : vector<16xi32>
    %and3A = arith.constant 7 : i32
    %and3A_1 = vector.broadcast %and3A : i32 to vector<16xi32>
    %and3A_2 = arith.andi %iota3A, %and3A_1 : vector<16xi32>
    %shift_right_arithmetic3A = arith.constant 3 : i32
    %shift_right_arithmetic3A_3 = vector.broadcast %shift_right_arithmetic3A : i32 to vector<16xi32>
    %shift_right_arithmetic3A_4 = arith.shrsi %iota3A, %shift_right_arithmetic3A_3 : vector<16xi32>
    %xor3A = arith.constant 8 : i32
    %xor3A_5 = vector.broadcast %xor3A : i32 to vector<16xi32>
    %xor3A_6 = arith.xori %iota3A, %xor3A_5 : vector<16xi32>
    %reshape3A = vector.shape_cast %xor3A_6 : vector<16xi32> to vector<16x1xi32>
    %scan3A = arith.constant 0 : i32
    %scan3A_7 = arith.constant 0 : i32
    %scan3A_8 = arith.constant 5000 : i32
    %scan3A_9 = arith.addi %scan3A_7, %scan3A_8 : i32
    %scan3A_10 = arith.constant 4 : i32
    scf.for %scan3A_203 = %scan3A_7 to %scan3A_9 step %scan3A_10  : i32 {
      %broadcast_in_dim3A = arith.constant 0xFF800000 : f32
      %broadcast_in_dim3A_204 = vector.broadcast %broadcast_in_dim3A : f32 to vector<16xf32>
      %mul3A_205 = arith.constant 16 : i32
      %mul3A_206 = arith.muli %scan3A_203, %mul3A_205 : i32
      %swap3A = arith.index_cast %mul3A_206 : i32 to index
      %swap3A_207 = tpu.vector_load %arg10[%swap3A] {strides = array<i32>} : memref<80000xf32, #tpu.memory_space<vmem>>, vector<16xf32>,
      tpu.vector_store %arg10[%swap3A], %broadcast_in_dim3A_204 {strides = array<i32>} : memref<80000xf32, #tpu.memory_space<vmem>>, vector<16xf32>,
      %scan3A_208 = arith.constant 1 : i32
      %scan3A_209 = arith.addi %scan3A_203, %scan3A_208 : i32
      %broadcast_in_dim3A_210 = arith.constant 0xFF800000 : f32
      %broadcast_in_dim3A_211 = vector.broadcast %broadcast_in_dim3A_210 : f32 to vector<16xf32>
      %mul3A_212 = arith.constant 16 : i32
      %mul3A_213 = arith.muli %scan3A_209, %mul3A_212 : i32
      %swap3A_214 = arith.index_cast %mul3A_213 : i32 to index
      %swap3A_215 = tpu.vector_load %arg10[%swap3A_214] {strides = array<i32>} : memref<80000xf32, #tpu.memory_space<vmem>>, vector<16xf32>,
      tpu.vector_store %arg10[%swap3A_214], %broadcast_in_dim3A_211 {strides = array<i32>} : memref<80000xf32, #tpu.memory_space<vmem>>, vector<16xf32>,
      %scan3A_216 = arith.constant 2 : i32
      %scan3A_217 = arith.addi %scan3A_203, %scan3A_216 : i32
      %broadcast_in_dim3A_218 = arith.constant 0xFF800000 : f32
      %broadcast_in_dim3A_219 = vector.broadcast %broadcast_in_dim3A_218 : f32 to vector<16xf32>
      %mul3A_220 = arith.constant 16 : i32
      %mul3A_221 = arith.muli %scan3A_217, %mul3A_220 : i32
      %swap3A_222 = arith.index_cast %mul3A_221 : i32 to index
      %swap3A_223 = tpu.vector_load %arg10[%swap3A_222] {strides = array<i32>} : memref<80000xf32, #tpu.memory_space<vmem>>, vector<16xf32>,
      tpu.vector_store %arg10[%swap3A_222], %broadcast_in_dim3A_219 {strides = array<i32>} : memref<80000xf32, #tpu.memory_space<vmem>>, vector<16xf32>,
      %scan3A_224 = arith.constant 3 : i32
      %scan3A_225 = arith.addi %scan3A_203, %scan3A_224 : i32
      %broadcast_in_dim3A_226 = arith.constant 0xFF800000 : f32
      %broadcast_in_dim3A_227 = vector.broadcast %broadcast_in_dim3A_226 : f32 to vector<16xf32>
      %mul3A_228 = arith.constant 16 : i32
      %mul3A_229 = arith.muli %scan3A_225, %mul3A_228 : i32
      %swap3A_230 = arith.index_cast %mul3A_229 : i32 to index
      %swap3A_231 = tpu.vector_load %arg10[%swap3A_230] {strides = array<i32>} : memref<80000xf32, #tpu.memory_space<vmem>>, vector<16xf32>,
      tpu.vector_store %arg10[%swap3A_230], %broadcast_in_dim3A_227 {strides = array<i32>} : memref<80000xf32, #tpu.memory_space<vmem>>, vector<16xf32>,
    }
    %scan3A_11 = arith.constant 5000 : i32
    %add3A_12 = arith.constant 0 : i32
    %add3A_13 = vector.broadcast %add3A_12 : i32 to vector<16xi32>
    %add3A_14 = arith.addi %add3A_13, %shift_right_arithmetic3A_4 : vector<16xi32>
    %reshape3A_15 = vector.shape_cast %add3A_14 : vector<16xi32> to vector<16x1xi32>
    %add3A_16 = arith.constant 2 : i32
    %add3A_17 = vector.broadcast %add3A_16 : i32 to vector<16xi32>
    %add3A_18 = arith.addi %add3A_17, %shift_right_arithmetic3A_4 : vector<16xi32>
    %reshape3A_19 = vector.shape_cast %add3A_18 : vector<16xi32> to vector<16x1xi32>
    %add3A_20 = arith.constant 4 : i32
    %add3A_21 = vector.broadcast %add3A_20 : i32 to vector<16xi32>
    %add3A_22 = arith.addi %add3A_21, %shift_right_arithmetic3A_4 : vector<16xi32>
    %reshape3A_23 = vector.shape_cast %add3A_22 : vector<16xi32> to vector<16x1xi32>
    %add3A_24 = arith.constant 6 : i32
    %add3A_25 = vector.broadcast %add3A_24 : i32 to vector<16xi32>
    %add3A_26 = arith.addi %add3A_25, %shift_right_arithmetic3A_4 : vector<16xi32>
    %reshape3A_27 = vector.shape_cast %add3A_26 : vector<16xi32> to vector<16x1xi32>
    %add3A_28 = arith.constant 8 : i32
    %add3A_29 = vector.broadcast %add3A_28 : i32 to vector<16xi32>
    %add3A_30 = arith.addi %add3A_29, %shift_right_arithmetic3A_4 : vector<16xi32>
    %reshape3A_31 = vector.shape_cast %add3A_30 : vector<16xi32> to vector<16x1xi32>
    %add3A_32 = arith.constant 10 : i32
    %add3A_33 = vector.broadcast %add3A_32 : i32 to vector<16xi32>
    %add3A_34 = arith.addi %add3A_33, %shift_right_arithmetic3A_4 : vector<16xi32>
    %reshape3A_35 = vector.shape_cast %add3A_34 : vector<16xi32> to vector<16x1xi32>
    %add3A_36 = arith.constant 12 : i32
    %add3A_37 = vector.broadcast %add3A_36 : i32 to vector<16xi32>
    %add3A_38 = arith.addi %add3A_37, %shift_right_arithmetic3A_4 : vector<16xi32>
    %reshape3A_39 = vector.shape_cast %add3A_38 : vector<16xi32> to vector<16x1xi32>
    %add3A_40 = arith.constant 14 : i32
    %add3A_41 = vector.broadcast %add3A_40 : i32 to vector<16xi32>
    %add3A_42 = arith.addi %add3A_41, %shift_right_arithmetic3A_4 : vector<16xi32>
    %reshape3A_43 = vector.shape_cast %add3A_42 : vector<16xi32> to vector<16x1xi32>
    %add3A_44 = arith.constant 16 : i32
    %add3A_45 = vector.broadcast %add3A_44 : i32 to vector<16xi32>
    %add3A_46 = arith.addi %iota3A, %add3A_45 : vector<16xi32>
    %dma_start3A = arith.constant 0 : i32
    %dma_start3A_47 = arith.constant 0 : i32
    %dma_start3A_48 = tpu.memref_slice %arg6[%dma_start3A_47] : memref<1280xi32, #tpu.memory_space<vmem>> -> memref<640xi32, #tpu.memory_space<vmem>>
    %dma_start3A_49 = arith.constant 0 : i32
    %dma_start3A_50 = tpu.memref_slice %arg3[%dma_start3A, %dma_start3A_49] : memref<250x640xi32, #tpu.memory_space<hbm>> -> memref<1x640xi32, #tpu.memory_space<hbm>>
    %dma_start3A_51 = tpu.memref_squeeze %dma_start3A_50 : memref<1x640xi32, #tpu.memory_space<hbm>> -> memref<640xi32, #tpu.memory_space<hbm>>
    %dma_start3A_52 = arith.constant 0 : i32
    %dma_start3A_53 = tpu.memref_slice %arg6[%dma_start3A_52] : memref<1280xi32, #tpu.memory_space<vmem>> -> memref<640xi32, #tpu.memory_space<vmem>>
    %dma_start3A_54 = arith.constant 0 : i32
    %dma_start3A_55 = tpu.memref_slice %arg3[%dma_start3A, %dma_start3A_54] : memref<250x640xi32, #tpu.memory_space<hbm>> -> memref<1x640xi32, #tpu.memory_space<hbm>>
    %dma_start3A_56 = tpu.memref_squeeze %dma_start3A_55 : memref<1x640xi32, #tpu.memory_space<hbm>> -> memref<640xi32, #tpu.memory_space<hbm>>
    tpu.enqueue_dma source(%dma_start3A_56 : memref<640xi32, #tpu.memory_space<hbm>>) target(%dma_start3A_53 : memref<640xi32, #tpu.memory_space<vmem>>) target_semaphore(%arg12 : memref<!tpu.dma_semaphore, #tpu.memory_space<semaphore_mem>>)
    %dma_start3A_57 = arith.constant 0 : i32
    %dma_start3A_58 = arith.constant 0 : i32
    %dma_start3A_59 = tpu.memref_slice %arg8[%dma_start3A_58] : memref<1328xi32, #tpu.memory_space<vmem>> -> memref<640xi32, #tpu.memory_space<vmem>>
    %dma_start3A_60 = arith.constant 0 : i32
    %dma_start3A_61 = tpu.memref_slice %arg4[%dma_start3A_57, %dma_start3A_60] : memref<250x640xi32, #tpu.memory_space<hbm>> -> memref<1x640xi32, #tpu.memory_space<hbm>>
    %dma_start3A_62 = tpu.memref_squeeze %dma_start3A_61 : memref<1x640xi32, #tpu.memory_space<hbm>> -> memref<640xi32, #tpu.memory_space<hbm>>
    %dma_start3A_63 = arith.constant 0 : i32
    %dma_start3A_64 = tpu.memref_slice %arg8[%dma_start3A_63] : memref<1328xi32, #tpu.memory_space<vmem>> -> memref<640xi32, #tpu.memory_space<vmem>>
    %dma_start3A_65 = arith.constant 0 : i32
    %dma_start3A_66 = tpu.memref_slice %arg4[%dma_start3A_57, %dma_start3A_65] : memref<250x640xi32, #tpu.memory_space<hbm>> -> memref<1x640xi32, #tpu.memory_space<hbm>>
    %dma_start3A_67 = tpu.memref_squeeze %dma_start3A_66 : memref<1x640xi32, #tpu.memory_space<hbm>> -> memref<640xi32, #tpu.memory_space<hbm>>
    tpu.enqueue_dma source(%dma_start3A_67 : memref<640xi32, #tpu.memory_space<hbm>>) target(%dma_start3A_64 : memref<640xi32, #tpu.memory_space<vmem>>) target_semaphore(%arg12 : memref<!tpu.dma_semaphore, #tpu.memory_space<semaphore_mem>>)
    %dma_start3A_68 = arith.constant 1 : i32
    %dma_start3A_69 = arith.constant 640 : i32
    %dma_start3A_70 = tpu.memref_slice %arg6[%dma_start3A_69] : memref<1280xi32, #tpu.memory_space<vmem>> -> memref<640xi32, #tpu.memory_space<vmem>>
    %dma_start3A_71 = arith.constant 0 : i32
    %dma_start3A_72 = tpu.memref_slice %arg3[%dma_start3A_68, %dma_start3A_71] : memref<250x640xi32, #tpu.memory_space<hbm>> -> memref<1x640xi32, #tpu.memory_space<hbm>>
    %dma_start3A_73 = tpu.memref_squeeze %dma_start3A_72 : memref<1x640xi32, #tpu.memory_space<hbm>> -> memref<640xi32, #tpu.memory_space<hbm>>
    %dma_start3A_74 = arith.constant 640 : i32
    %dma_start3A_75 = tpu.memref_slice %arg6[%dma_start3A_74] : memref<1280xi32, #tpu.memory_space<vmem>> -> memref<640xi32, #tpu.memory_space<vmem>>
    %dma_start3A_76 = arith.constant 0 : i32
    %dma_start3A_77 = tpu.memref_slice %arg3[%dma_start3A_68, %dma_start3A_76] : memref<250x640xi32, #tpu.memory_space<hbm>> -> memref<1x640xi32, #tpu.memory_space<hbm>>
    %dma_start3A_78 = tpu.memref_squeeze %dma_start3A_77 : memref<1x640xi32, #tpu.memory_space<hbm>> -> memref<640xi32, #tpu.memory_space<hbm>>
    tpu.enqueue_dma source(%dma_start3A_78 : memref<640xi32, #tpu.memory_space<hbm>>) target(%dma_start3A_75 : memref<640xi32, #tpu.memory_space<vmem>>) target_semaphore(%arg13 : memref<!tpu.dma_semaphore, #tpu.memory_space<semaphore_mem>>)
    %dma_start3A_79 = arith.constant 1 : i32
    %dma_start3A_80 = arith.constant 640 : i32
    %dma_start3A_81 = tpu.memref_slice %arg8[%dma_start3A_80] : memref<1328xi32, #tpu.memory_space<vmem>> -> memref<640xi32, #tpu.memory_space<vmem>>
    %dma_start3A_82 = arith.constant 0 : i32
    %dma_start3A_83 = tpu.memref_slice %arg4[%dma_start3A_79, %dma_start3A_82] : memref<250x640xi32, #tpu.memory_space<hbm>> -> memref<1x640xi32, #tpu.memory_space<hbm>>
    %dma_start3A_84 = tpu.memref_squeeze %dma_start3A_83 : memref<1x640xi32, #tpu.memory_space<hbm>> -> memref<640xi32, #tpu.memory_space<hbm>>
    %dma_start3A_85 = arith.constant 640 : i32
    %dma_start3A_86 = tpu.memref_slice %arg8[%dma_start3A_85] : memref<1328xi32, #tpu.memory_space<vmem>> -> memref<640xi32, #tpu.memory_space<vmem>>
    %dma_start3A_87 = arith.constant 0 : i32
    %dma_start3A_88 = tpu.memref_slice %arg4[%dma_start3A_79, %dma_start3A_87] : memref<250x640xi32, #tpu.memory_space<hbm>> -> memref<1x640xi32, #tpu.memory_space<hbm>>
    %dma_start3A_89 = tpu.memref_squeeze %dma_start3A_88 : memref<1x640xi32, #tpu.memory_space<hbm>> -> memref<640xi32, #tpu.memory_space<hbm>>
    tpu.enqueue_dma source(%dma_start3A_89 : memref<640xi32, #tpu.memory_space<hbm>>) target(%dma_start3A_86 : memref<640xi32, #tpu.memory_space<vmem>>) target_semaphore(%arg13 : memref<!tpu.dma_semaphore, #tpu.memory_space<semaphore_mem>>)
    %dma_wait3A = arith.constant 0 : i32
    %dma_wait3A_90 = arith.constant 0 : i32
    %dma_wait3A_91 = tpu.memref_slice %arg6[%dma_wait3A_90] : memref<1280xi32, #tpu.memory_space<vmem>> -> memref<640xi32, #tpu.memory_space<vmem>>
    %dma_wait3A_92 = arith.constant 0 : i32
    %dma_wait3A_93 = tpu.memref_slice %arg3[%dma_wait3A, %dma_wait3A_92] : memref<250x640xi32, #tpu.memory_space<hbm>> -> memref<1x640xi32, #tpu.memory_space<hbm>>
    %dma_wait3A_94 = tpu.memref_squeeze %dma_wait3A_93 : memref<1x640xi32, #tpu.memory_space<hbm>> -> memref<640xi32, #tpu.memory_space<hbm>>
    %dma_wait3A_95 = arith.constant 0 : i32
    %dma_wait3A_96 = tpu.memref_slice %arg6[%dma_wait3A_95] : memref<1280xi32, #tpu.memory_space<vmem>> -> memref<640xi32, #tpu.memory_space<vmem>>
    %dma_wait3A_97 = arith.constant 0 : i32
    %dma_wait3A_98 = tpu.memref_slice %arg3[%dma_wait3A, %dma_wait3A_97] : memref<250x640xi32, #tpu.memory_space<hbm>> -> memref<1x640xi32, #tpu.memory_space<hbm>>
    %dma_wait3A_99 = tpu.memref_squeeze %dma_wait3A_98 : memref<1x640xi32, #tpu.memory_space<hbm>> -> memref<640xi32, #tpu.memory_space<hbm>>
    tpu.wait_dma2 semaphore(%arg12 : memref<!tpu.dma_semaphore, #tpu.memory_space<semaphore_mem>>) src(%dma_wait3A_99 : memref<640xi32, #tpu.memory_space<hbm>>) dst(%dma_wait3A_96 : memref<640xi32, #tpu.memory_space<vmem>>)
    %dma_wait3A_100 = arith.constant 0 : i32
    %dma_wait3A_101 = arith.constant 0 : i32
    %dma_wait3A_102 = tpu.memref_slice %arg8[%dma_wait3A_101] : memref<1328xi32, #tpu.memory_space<vmem>> -> memref<640xi32, #tpu.memory_space<vmem>>
    %dma_wait3A_103 = arith.constant 0 : i32
    %dma_wait3A_104 = tpu.memref_slice %arg4[%dma_wait3A_100, %dma_wait3A_103] : memref<250x640xi32, #tpu.memory_space<hbm>> -> memref<1x640xi32, #tpu.memory_space<hbm>>
    %dma_wait3A_105 = tpu.memref_squeeze %dma_wait3A_104 : memref<1x640xi32, #tpu.memory_space<hbm>> -> memref<640xi32, #tpu.memory_space<hbm>>
    %dma_wait3A_106 = arith.constant 0 : i32
    %dma_wait3A_107 = tpu.memref_slice %arg8[%dma_wait3A_106] : memref<1328xi32, #tpu.memory_space<vmem>> -> memref<640xi32, #tpu.memory_space<vmem>>
    %dma_wait3A_108 = arith.constant 0 : i32
    %dma_wait3A_109 = tpu.memref_slice %arg4[%dma_wait3A_100, %dma_wait3A_108] : memref<250x640xi32, #tpu.memory_space<hbm>> -> memref<1x640xi32, #tpu.memory_space<hbm>>
    %dma_wait3A_110 = tpu.memref_squeeze %dma_wait3A_109 : memref<1x640xi32, #tpu.memory_space<hbm>> -> memref<640xi32, #tpu.memory_space<hbm>>
    tpu.wait_dma2 semaphore(%arg12 : memref<!tpu.dma_semaphore, #tpu.memory_space<semaphore_mem>>) src(%dma_wait3A_110 : memref<640xi32, #tpu.memory_space<hbm>>) dst(%dma_wait3A_107 : memref<640xi32, #tpu.memory_space<vmem>>)
    %scan3A_111 = arith.constant 0 : i32
    %scan3A_112 = arith.constant 0 : i32
    %scan3A_113 = arith.constant 40 : i32
    %scan3A_114 = arith.addi %scan3A_112, %scan3A_113 : i32
    %scan3A_115 = arith.constant 4 : i32
    scf.for %scan3A_203 = %scan3A_112 to %scan3A_114 step %scan3A_115  : i32 {
      %mul3A_204 = arith.constant 16 : i32
      %mul3A_205 = arith.muli %scan3A_203, %mul3A_204 : i32
      %add3A_206 = arith.constant 0 : i32
      %add3A_207 = arith.addi %add3A_206, %mul3A_205 : i32
      %get3A = arith.index_cast %add3A_207 : i32 to index
      %get3A_208 = tpu.vector_load %arg6[%get3A] {strides = array<i32>} : memref<1280xi32, #tpu.memory_space<vmem>>, vector<16xi32>,
      %shift_left3A = arith.constant 5 : i32
      %shift_left3A_209 = vector.broadcast %shift_left3A : i32 to vector<16xi32>
      %shift_left3A_210 = arith.shli %get3A_208, %shift_left3A_209 : vector<16xi32>
      %add3A_211 = vector.broadcast %add3A : i32 to vector<16xi32>
      %add3A_212 = arith.addi %shift_left3A_210, %add3A_211 : vector<16xi32>
      %swap3A = arith.index_cast %add3A_207 : i32 to index
      %swap3A_213 = tpu.vector_load %arg7[%swap3A] {strides = array<i32>} : memref<1280xi32, #tpu.memory_space<vmem>>, vector<16xi32>,
      tpu.vector_store %arg7[%swap3A], %add3A_212 {strides = array<i32>} : memref<1280xi32, #tpu.memory_space<vmem>>, vector<16xi32>,
      %scan3A_214 = arith.constant 1 : i32
      %scan3A_215 = arith.addi %scan3A_203, %scan3A_214 : i32
      %mul3A_216 = arith.constant 16 : i32
      %mul3A_217 = arith.muli %scan3A_215, %mul3A_216 : i32
      %add3A_218 = arith.constant 0 : i32
      %add3A_219 = arith.addi %add3A_218, %mul3A_217 : i32
      %get3A_220 = arith.index_cast %add3A_219 : i32 to index
      %get3A_221 = tpu.vector_load %arg6[%get3A_220] {strides = array<i32>} : memref<1280xi32, #tpu.memory_space<vmem>>, vector<16xi32>,
      %shift_left3A_222 = arith.constant 5 : i32
      %shift_left3A_223 = vector.broadcast %shift_left3A_222 : i32 to vector<16xi32>
      %shift_left3A_224 = arith.shli %get3A_221, %shift_left3A_223 : vector<16xi32>
      %add3A_225 = vector.broadcast %add3A : i32 to vector<16xi32>
      %add3A_226 = arith.addi %shift_left3A_224, %add3A_225 : vector<16xi32>
      %swap3A_227 = arith.index_cast %add3A_219 : i32 to index
      %swap3A_228 = tpu.vector_load %arg7[%swap3A_227] {strides = array<i32>} : memref<1280xi32, #tpu.memory_space<vmem>>, vector<16xi32>,
      tpu.vector_store %arg7[%swap3A_227], %add3A_226 {strides = array<i32>} : memref<1280xi32, #tpu.memory_space<vmem>>, vector<16xi32>,
      %scan3A_229 = arith.constant 2 : i32
      %scan3A_230 = arith.addi %scan3A_203, %scan3A_229 : i32
      %mul3A_231 = arith.constant 16 : i32
      %mul3A_232 = arith.muli %scan3A_230, %mul3A_231 : i32
      %add3A_233 = arith.constant 0 : i32
      %add3A_234 = arith.addi %add3A_233, %mul3A_232 : i32
      %get3A_235 = arith.index_cast %add3A_234 : i32 to index
      %get3A_236 = tpu.vector_load %arg6[%get3A_235] {strides = array<i32>} : memref<1280xi32, #tpu.memory_space<vmem>>, vector<16xi32>,
      %shift_left3A_237 = arith.constant 5 : i32
      %shift_left3A_238 = vector.broadcast %shift_left3A_237 : i32 to vector<16xi32>
      %shift_left3A_239 = arith.shli %get3A_236, %shift_left3A_238 : vector<16xi32>
      %add3A_240 = vector.broadcast %add3A : i32 to vector<16xi32>
      %add3A_241 = arith.addi %shift_left3A_239, %add3A_240 : vector<16xi32>
      %swap3A_242 = arith.index_cast %add3A_234 : i32 to index
      %swap3A_243 = tpu.vector_load %arg7[%swap3A_242] {strides = array<i32>} : memref<1280xi32, #tpu.memory_space<vmem>>, vector<16xi32>,
      tpu.vector_store %arg7[%swap3A_242], %add3A_241 {strides = array<i32>} : memref<1280xi32, #tpu.memory_space<vmem>>, vector<16xi32>,
      %scan3A_244 = arith.constant 3 : i32
      %scan3A_245 = arith.addi %scan3A_203, %scan3A_244 : i32
      %mul3A_246 = arith.constant 16 : i32
      %mul3A_247 = arith.muli %scan3A_245, %mul3A_246 : i32
      %add3A_248 = arith.constant 0 : i32
      %add3A_249 = arith.addi %add3A_248, %mul3A_247 : i32
      %get3A_250 = arith.index_cast %add3A_249 : i32 to index
      %get3A_251 = tpu.vector_load %arg6[%get3A_250] {strides = array<i32>} : memref<1280xi32, #tpu.memory_space<vmem>>, vector<16xi32>,
      %shift_left3A_252 = arith.constant 5 : i32
      %shift_left3A_253 = vector.broadcast %shift_left3A_252 : i32 to vector<16xi32>
      %shift_left3A_254 = arith.shli %get3A_251, %shift_left3A_253 : vector<16xi32>
      %add3A_255 = vector.broadcast %add3A : i32 to vector<16xi32>
      %add3A_256 = arith.addi %shift_left3A_254, %add3A_255 : vector<16xi32>
      %swap3A_257 = arith.index_cast %add3A_249 : i32 to index
      %swap3A_258 = tpu.vector_load %arg7[%swap3A_257] {strides = array<i32>} : memref<1280xi32, #tpu.memory_space<vmem>>, vector<16xi32>,
      tpu.vector_store %arg7[%swap3A_257], %add3A_256 {strides = array<i32>} : memref<1280xi32, #tpu.memory_space<vmem>>, vector<16xi32>,
    }
    %scan3A_116 = arith.constant 40 : i32
    %dma_start3A_117 = arith.constant 0 : i32
    %dma_start3A_118 = arith.constant 0 : i32
    %dma_start3A_119 = tpu.memref_slice %arg9[%dma_start3A_117, %dma_start3A_118] : memref<1280x8xf32, #tpu.memory_space<vmem>> -> memref<128x8xf32, #tpu.memory_space<vmem>>
    %dma_start3A_120 = arith.constant 0 : i32
    %dma_start3A_121 = tpu.memref_slice %arg7[%dma_start3A_120] : memref<1280xi32, #tpu.memory_space<vmem>> -> memref<128xi32, #tpu.memory_space<vmem>>
    %dma_start3A_122 = arith.constant 0 : i32
    %dma_start3A_123 = arith.constant 0 : i32
    %dma_start3A_124 = tpu.memref_slice %arg2[%dma_start3A_122, %dma_start3A_123] : memref<320000x8xf32, #tpu.memory_space<hbm>> -> memref<320000x8xf32, #tpu.memory_space<hbm>>
    tpu.enqueue_indirect_dma source(%dma_start3A_124 : memref<320000x8xf32, #tpu.memory_space<hbm>>) target(%dma_start3A_119 : memref<128x8xf32, #tpu.memory_space<vmem>>) offsets(%dma_start3A_121 : memref<128xi32, #tpu.memory_space<vmem>>) semaphore(%arg14 : memref<!tpu.dma_semaphore, #tpu.memory_space<semaphore_mem>>)
    %dma_start3A_125 = arith.constant 128 : i32
    %dma_start3A_126 = arith.constant 0 : i32
    %dma_start3A_127 = tpu.memref_slice %arg9[%dma_start3A_125, %dma_start3A_126] : memref<1280x8xf32, #tpu.memory_space<vmem>> -> memref<128x8xf32, #tpu.memory_space<vmem>>
    %dma_start3A_128 = arith.constant 128 : i32
    %dma_start3A_129 = tpu.memref_slice %arg7[%dma_start3A_128] : memref<1280xi32, #tpu.memory_space<vmem>> -> memref<128xi32, #tpu.memory_space<vmem>>
    %dma_start3A_130 = arith.constant 0 : i32
    %dma_start3A_131 = arith.constant 0 : i32
    %dma_start3A_132 = tpu.memref_slice %arg2[%dma_start3A_130, %dma_start3A_131] : memref<320000x8xf32, #tpu.memory_space<hbm>> -> memref<320000x8xf32, #tpu.memory_space<hbm>>
    tpu.enqueue_indirect_dma source(%dma_start3A_132 : memref<320000x8xf32, #tpu.memory_space<hbm>>) target(%dma_start3A_127 : memref<128x8xf32, #tpu.memory_space<vmem>>) offsets(%dma_start3A_129 : memref<128xi32, #tpu.memory_space<vmem>>) semaphore(%arg14 : memref<!tpu.dma_semaphore, #tpu.memory_space<semaphore_mem>>)
    %dma_start3A_133 = arith.constant 256 : i32
    %dma_start3A_134 = arith.constant 0 : i32
    %dma_start3A_135 = tpu.memref_slice %arg9[%dma_start3A_133, %dma_start3A_134] : memref<1280x8xf32, #tpu.memory_space<vmem>> -> memref<128x8xf32, #tpu.memory_space<vmem>>
    %dma_start3A_136 = arith.constant 256 : i32
    %dma_start3A_137 = tpu.memref_slice %arg7[%dma_start3A_136] : memref<1280xi32, #tpu.memory_space<vmem>> -> memref<128xi32, #tpu.memory_space<vmem>>
    %dma_start3A_138 = arith.constant 0 : i32
    %dma_start3A_139 = arith.constant 0 : i32
    %dma_start3A_140 = tpu.memref_slice %arg2[%dma_start3A_138, %dma_start3A_139] : memref<320000x8xf32, #tpu.memory_space<hbm>> -> memref<320000x8xf32, #tpu.memory_space<hbm>>
    tpu.enqueue_indirect_dma source(%dma_start3A_140 : memref<320000x8xf32, #tpu.memory_space<hbm>>) target(%dma_start3A_135 : memref<128x8xf32, #tpu.memory_space<vmem>>) offsets(%dma_start3A_137 : memref<128xi32, #tpu.memory_space<vmem>>) semaphore(%arg14 : memref<!tpu.dma_semaphore, #tpu.memory_space<semaphore_mem>>)
    %dma_start3A_141 = arith.constant 384 : i32
    %dma_start3A_142 = arith.constant 0 : i32
    %dma_start3A_143 = tpu.memref_slice %arg9[%dma_start3A_141, %dma_start3A_142] : memref<1280x8xf32, #tpu.memory_space<vmem>> -> memref<128x8xf32, #tpu.memory_space<vmem>>
    %dma_start3A_144 = arith.constant 384 : i32
    %dma_start3A_145 = tpu.memref_slice %arg7[%dma_start3A_144] : memref<1280xi32, #tpu.memory_space<vmem>> -> memref<128xi32, #tpu.memory_space<vmem>>
    %dma_start3A_146 = arith.constant 0 : i32
    %dma_start3A_147 = arith.constant 0 : i32
    %dma_start3A_148 = tpu.memref_slice %arg2[%dma_start3A_146, %dma_start3A_147] : memref<320000x8xf32, #tpu.memory_space<hbm>> -> memref<320000x8xf32, #tpu.memory_space<hbm>>
    tpu.enqueue_indirect_dma source(%dma_start3A_148 : memref<320000x8xf32, #tpu.memory_space<hbm>>) target(%dma_start3A_143 : memref<128x8xf32, #tpu.memory_space<vmem>>) offsets(%dma_start3A_145 : memref<128xi32, #tpu.memory_space<vmem>>) semaphore(%arg14 : memref<!tpu.dma_semaphore, #tpu.memory_space<semaphore_mem>>)
    %dma_start3A_149 = arith.constant 512 : i32
    %dma_start3A_150 = arith.constant 0 : i32
    %dma_start3A_151 = tpu.memref_slice %arg9[%dma_start3A_149, %dma_start3A_150] : memref<1280x8xf32, #tpu.memory_space<vmem>> -> memref<128x8xf32, #tpu.memory_space<vmem>>
    %dma_start3A_152 = arith.constant 512 : i32
    %dma_start3A_153 = tpu.memref_slice %arg7[%dma_start3A_152] : memref<1280xi32, #tpu.memory_space<vmem>> -> memref<128xi32, #tpu.memory_space<vmem>>
    %dma_start3A_154 = arith.constant 0 : i32
    %dma_start3A_155 = arith.constant 0 : i32
    %dma_start3A_156 = tpu.memref_slice %arg2[%dma_start3A_154, %dma_start3A_155] : memref<320000x8xf32, #tpu.memory_space<hbm>> -> memref<320000x8xf32, #tpu.memory_space<hbm>>
    tpu.enqueue_indirect_dma source(%dma_start3A_156 : memref<320000x8xf32, #tpu.memory_space<hbm>>) target(%dma_start3A_151 : memref<128x8xf32, #tpu.memory_space<vmem>>) offsets(%dma_start3A_153 : memref<128xi32, #tpu.memory_space<vmem>>) semaphore(%arg14 : memref<!tpu.dma_semaphore, #tpu.memory_space<semaphore_mem>>)
    %scan3A_157 = arith.constant 0 : i32
    %scan3A_158 = arith.constant 0 : i32
    %scan3A_159 = arith.constant 125 : i32
    %scan3A_160 = arith.addi %scan3A_158, %scan3A_159 : i32
    %scan3A_161 = arith.constant 1 : i32
    scf.for %scan3A_203 = %scan3A_158 to %scan3A_160 step %scan3A_161  : i32 {
      %mul3A_204 = arith.constant 2 : i32
      %mul3A_205 = arith.muli %mul3A_204, %scan3A_203 : i32
      %add3A_206 = arith.constant 0 : i32
      %add3A_207 = arith.addi %mul3A_205, %add3A_206 : i32
      %dma_wait3A_208 = arith.constant 0 : i32
      %dma_wait3A_209 = arith.constant 0 : i32
      %dma_wait3A_210 = tpu.memref_slice %arg9[%dma_wait3A_208, %dma_wait3A_209] : memref<1280x8xf32, #tpu.memory_space<vmem>> -> memref<640x8xf32, #tpu.memory_space<vmem>>
      %dma_wait3A_211 = arith.constant 0 : i32
      %dma_wait3A_212 = arith.constant 0 : i32
      %dma_wait3A_213 = tpu.memref_slice %arg2[%dma_wait3A_211, %dma_wait3A_212] : memref<320000x8xf32, #tpu.memory_space<hbm>> -> memref<640x8xf32, #tpu.memory_space<hbm>>
      %dma_wait3A_214 = arith.constant 0 : i32
      %dma_wait3A_215 = arith.constant 0 : i32
      %dma_wait3A_216 = tpu.memref_slice %arg9[%dma_wait3A_214, %dma_wait3A_215] : memref<1280x8xf32, #tpu.memory_space<vmem>> -> memref<640x8xf32, #tpu.memory_space<vmem>>
      %dma_wait3A_217 = arith.constant 0 : i32
      %dma_wait3A_218 = arith.constant 0 : i32
      %dma_wait3A_219 = tpu.memref_slice %arg2[%dma_wait3A_217, %dma_wait3A_218] : memref<320000x8xf32, #tpu.memory_space<hbm>> -> memref<640x8xf32, #tpu.memory_space<hbm>>
      tpu.wait_dma2 semaphore(%arg14 : memref<!tpu.dma_semaphore, #tpu.memory_space<semaphore_mem>>) src(%dma_wait3A_219 : memref<640x8xf32, #tpu.memory_space<hbm>>) dst(%dma_wait3A_216 : memref<640x8xf32, #tpu.memory_space<vmem>>)
      %dma_wait3A_220 = arith.constant 0 : i32
      %dma_wait3A_221 = arith.constant 640 : i32
      %dma_wait3A_222 = tpu.memref_slice %arg6[%dma_wait3A_221] : memref<1280xi32, #tpu.memory_space<vmem>> -> memref<640xi32, #tpu.memory_space<vmem>>
      %dma_wait3A_223 = arith.constant 0 : i32
      %dma_wait3A_224 = tpu.memref_slice %arg3[%dma_wait3A_220, %dma_wait3A_223] : memref<250x640xi32, #tpu.memory_space<hbm>> -> memref<1x640xi32, #tpu.memory_space<hbm>>
      %dma_wait3A_225 = tpu.memref_squeeze %dma_wait3A_224 : memref<1x640xi32, #tpu.memory_space<hbm>> -> memref<640xi32, #tpu.memory_space<hbm>>
      %dma_wait3A_226 = arith.constant 640 : i32
      %dma_wait3A_227 = tpu.memref_slice %arg6[%dma_wait3A_226] : memref<1280xi32, #tpu.memory_space<vmem>> -> memref<640xi32, #tpu.memory_space<vmem>>
      %dma_wait3A_228 = arith.constant 0 : i32
      %dma_wait3A_229 = tpu.memref_slice %arg3[%dma_wait3A_220, %dma_wait3A_228] : memref<250x640xi32, #tpu.memory_space<hbm>> -> memref<1x640xi32, #tpu.memory_space<hbm>>
      %dma_wait3A_230 = tpu.memref_squeeze %dma_wait3A_229 : memref<1x640xi32, #tpu.memory_space<hbm>> -> memref<640xi32, #tpu.memory_space<hbm>>
      tpu.wait_dma2 semaphore(%arg13 : memref<!tpu.dma_semaphore, #tpu.memory_space<semaphore_mem>>) src(%dma_wait3A_230 : memref<640xi32, #tpu.memory_space<hbm>>) dst(%dma_wait3A_227 : memref<640xi32, #tpu.memory_space<vmem>>)
      %dma_wait3A_231 = arith.constant 0 : i32
      %dma_wait3A_232 = arith.constant 640 : i32
      %dma_wait3A_233 = tpu.memref_slice %arg8[%dma_wait3A_232] : memref<1328xi32, #tpu.memory_space<vmem>> -> memref<640xi32, #tpu.memory_space<vmem>>
      %dma_wait3A_234 = arith.constant 0 : i32
      %dma_wait3A_235 = tpu.memref_slice %arg4[%dma_wait3A_231, %dma_wait3A_234] : memref<250x640xi32, #tpu.memory_space<hbm>> -> memref<1x640xi32, #tpu.memory_space<hbm>>
      %dma_wait3A_236 = tpu.memref_squeeze %dma_wait3A_235 : memref<1x640xi32, #tpu.memory_space<hbm>> -> memref<640xi32, #tpu.memory_space<hbm>>
      %dma_wait3A_237 = arith.constant 640 : i32
      %dma_wait3A_238 = tpu.memref_slice %arg8[%dma_wait3A_237] : memref<1328xi32, #tpu.memory_space<vmem>> -> memref<640xi32, #tpu.memory_space<vmem>>
      %dma_wait3A_239 = arith.constant 0 : i32
      %dma_wait3A_240 = tpu.memref_slice %arg4[%dma_wait3A_231, %dma_wait3A_239] : memref<250x640xi32, #tpu.memory_space<hbm>> -> memref<1x640xi32, #tpu.memory_space<hbm>>
      %dma_wait3A_241 = tpu.memref_squeeze %dma_wait3A_240 : memref<1x640xi32, #tpu.memory_space<hbm>> -> memref<640xi32, #tpu.memory_space<hbm>>
      tpu.wait_dma2 semaphore(%arg13 : memref<!tpu.dma_semaphore, #tpu.memory_space<semaphore_mem>>) src(%dma_wait3A_241 : memref<640xi32, #tpu.memory_space<hbm>>) dst(%dma_wait3A_238 : memref<640xi32, #tpu.memory_space<vmem>>)
      %scan3A_242 = arith.constant 0 : i32
      %scan3A_243 = arith.constant 0 : i32
      %scan3A_244 = arith.constant 40 : i32
      %scan3A_245 = arith.addi %scan3A_243, %scan3A_244 : i32
      %scan3A_246 = arith.constant 4 : i32
      scf.for %scan3A_479 = %scan3A_243 to %scan3A_245 step %scan3A_246  : i32 {
        %mul3A_480 = arith.constant 16 : i32
        %mul3A_481 = arith.muli %scan3A_479, %mul3A_480 : i32
        %add3A_482 = arith.constant 640 : i32
        %add3A_483 = arith.addi %add3A_482, %mul3A_481 : i32
        %get3A_484 = arith.index_cast %add3A_483 : i32 to index
        %get3A_485 = tpu.vector_load %arg6[%get3A_484] {strides = array<i32>} : memref<1280xi32, #tpu.memory_space<vmem>>, vector<16xi32>,
        %shift_left3A = arith.constant 5 : i32
        %shift_left3A_486 = vector.broadcast %shift_left3A : i32 to vector<16xi32>
        %shift_left3A_487 = arith.shli %get3A_485, %shift_left3A_486 : vector<16xi32>
        %add3A_488 = vector.broadcast %add3A : i32 to vector<16xi32>
        %add3A_489 = arith.addi %shift_left3A_487, %add3A_488 : vector<16xi32>
        %swap3A = arith.index_cast %add3A_483 : i32 to index
        %swap3A_490 = tpu.vector_load %arg7[%swap3A] {strides = array<i32>} : memref<1280xi32, #tpu.memory_space<vmem>>, vector<16xi32>,
        tpu.vector_store %arg7[%swap3A], %add3A_489 {strides = array<i32>} : memref<1280xi32, #tpu.memory_space<vmem>>, vector<16xi32>,
        %scan3A_491 = arith.constant 1 : i32
        %scan3A_492 = arith.addi %scan3A_479, %scan3A_491 : i32
        %mul3A_493 = arith.constant 16 : i32
        %mul3A_494 = arith.muli %scan3A_492, %mul3A_493 : i32
        %add3A_495 = arith.constant 640 : i32
        %add3A_496 = arith.addi %add3A_495, %mul3A_494 : i32
        %get3A_497 = arith.index_cast %add3A_496 : i32 to index
        %get3A_498 = tpu.vector_load %arg6[%get3A_497] {strides = array<i32>} : memref<1280xi32, #tpu.memory_space<vmem>>, vector<16xi32>,
        %shift_left3A_499 = arith.constant 5 : i32
        %shift_left3A_500 = vector.broadcast %shift_left3A_499 : i32 to vector<16xi32>
        %shift_left3A_501 = arith.shli %get3A_498, %shift_left3A_500 : vector<16xi32>
        %add3A_502 = vector.broadcast %add3A : i32 to vector<16xi32>
        %add3A_503 = arith.addi %shift_left3A_501, %add3A_502 : vector<16xi32>
        %swap3A_504 = arith.index_cast %add3A_496 : i32 to index
        %swap3A_505 = tpu.vector_load %arg7[%swap3A_504] {strides = array<i32>} : memref<1280xi32, #tpu.memory_space<vmem>>, vector<16xi32>,
        tpu.vector_store %arg7[%swap3A_504], %add3A_503 {strides = array<i32>} : memref<1280xi32, #tpu.memory_space<vmem>>, vector<16xi32>,
        %scan3A_506 = arith.constant 2 : i32
        %scan3A_507 = arith.addi %scan3A_479, %scan3A_506 : i32
        %mul3A_508 = arith.constant 16 : i32
        %mul3A_509 = arith.muli %scan3A_507, %mul3A_508 : i32
        %add3A_510 = arith.constant 640 : i32
        %add3A_511 = arith.addi %add3A_510, %mul3A_509 : i32
        %get3A_512 = arith.index_cast %add3A_511 : i32 to index
        %get3A_513 = tpu.vector_load %arg6[%get3A_512] {strides = array<i32>} : memref<1280xi32, #tpu.memory_space<vmem>>, vector<16xi32>,
        %shift_left3A_514 = arith.constant 5 : i32
        %shift_left3A_515 = vector.broadcast %shift_left3A_514 : i32 to vector<16xi32>
        %shift_left3A_516 = arith.shli %get3A_513, %shift_left3A_515 : vector<16xi32>
        %add3A_517 = vector.broadcast %add3A : i32 to vector<16xi32>
        %add3A_518 = arith.addi %shift_left3A_516, %add3A_517 : vector<16xi32>
        %swap3A_519 = arith.index_cast %add3A_511 : i32 to index
        %swap3A_520 = tpu.vector_load %arg7[%swap3A_519] {strides = array<i32>} : memref<1280xi32, #tpu.memory_space<vmem>>, vector<16xi32>,
        tpu.vector_store %arg7[%swap3A_519], %add3A_518 {strides = array<i32>} : memref<1280xi32, #tpu.memory_space<vmem>>, vector<16xi32>,
        %scan3A_521 = arith.constant 3 : i32
        %scan3A_522 = arith.addi %scan3A_479, %scan3A_521 : i32
        %mul3A_523 = arith.constant 16 : i32
        %mul3A_524 = arith.muli %scan3A_522, %mul3A_523 : i32
        %add3A_525 = arith.constant 640 : i32
        %add3A_526 = arith.addi %add3A_525, %mul3A_524 : i32
        %get3A_527 = arith.index_cast %add3A_526 : i32 to index
        %get3A_528 = tpu.vector_load %arg6[%get3A_527] {strides = array<i32>} : memref<1280xi32, #tpu.memory_space<vmem>>, vector<16xi32>,
        %shift_left3A_529 = arith.constant 5 : i32
        %shift_left3A_530 = vector.broadcast %shift_left3A_529 : i32 to vector<16xi32>
        %shift_left3A_531 = arith.shli %get3A_528, %shift_left3A_530 : vector<16xi32>
        %add3A_532 = vector.broadcast %add3A : i32 to vector<16xi32>
        %add3A_533 = arith.addi %shift_left3A_531, %add3A_532 : vector<16xi32>
        %swap3A_534 = arith.index_cast %add3A_526 : i32 to index
        %swap3A_535 = tpu.vector_load %arg7[%swap3A_534] {strides = array<i32>} : memref<1280xi32, #tpu.memory_space<vmem>>, vector<16xi32>,
        tpu.vector_store %arg7[%swap3A_534], %add3A_533 {strides = array<i32>} : memref<1280xi32, #tpu.memory_space<vmem>>, vector<16xi32>,
      }
      %scan3A_247 = arith.constant 40 : i32
      %dma_start3A_248 = arith.constant 640 : i32
      %dma_start3A_249 = arith.constant 0 : i32
      %dma_start3A_250 = tpu.memref_slice %arg9[%dma_start3A_248, %dma_start3A_249] : memref<1280x8xf32, #tpu.memory_space<vmem>> -> memref<128x8xf32, #tpu.memory_space<vmem>>
      %dma_start3A_251 = arith.constant 640 : i32
      %dma_start3A_252 = tpu.memref_slice %arg7[%dma_start3A_251] : memref<1280xi32, #tpu.memory_space<vmem>> -> memref<128xi32, #tpu.memory_space<vmem>>
      %dma_start3A_253 = arith.constant 0 : i32
      %dma_start3A_254 = arith.constant 0 : i32
      %dma_start3A_255 = tpu.memref_slice %arg2[%dma_start3A_253, %dma_start3A_254] : memref<320000x8xf32, #tpu.memory_space<hbm>> -> memref<320000x8xf32, #tpu.memory_space<hbm>>
      tpu.enqueue_indirect_dma source(%dma_start3A_255 : memref<320000x8xf32, #tpu.memory_space<hbm>>) target(%dma_start3A_250 : memref<128x8xf32, #tpu.memory_space<vmem>>) offsets(%dma_start3A_252 : memref<128xi32, #tpu.memory_space<vmem>>) semaphore(%arg15 : memref<!tpu.dma_semaphore, #tpu.memory_space<semaphore_mem>>)
      %dma_start3A_256 = arith.constant 768 : i32
      %dma_start3A_257 = arith.constant 0 : i32
      %dma_start3A_258 = tpu.memref_slice %arg9[%dma_start3A_256, %dma_start3A_257] : memref<1280x8xf32, #tpu.memory_space<vmem>> -> memref<128x8xf32, #tpu.memory_space<vmem>>
      %dma_start3A_259 = arith.constant 768 : i32
      %dma_start3A_260 = tpu.memref_slice %arg7[%dma_start3A_259] : memref<1280xi32, #tpu.memory_space<vmem>> -> memref<128xi32, #tpu.memory_space<vmem>>
      %dma_start3A_261 = arith.constant 0 : i32
      %dma_start3A_262 = arith.constant 0 : i32
      %dma_start3A_263 = tpu.memref_slice %arg2[%dma_start3A_261, %dma_start3A_262] : memref<320000x8xf32, #tpu.memory_space<hbm>> -> memref<320000x8xf32, #tpu.memory_space<hbm>>
      tpu.enqueue_indirect_dma source(%dma_start3A_263 : memref<320000x8xf32, #tpu.memory_space<hbm>>) target(%dma_start3A_258 : memref<128x8xf32, #tpu.memory_space<vmem>>) offsets(%dma_start3A_260 : memref<128xi32, #tpu.memory_space<vmem>>) semaphore(%arg15 : memref<!tpu.dma_semaphore, #tpu.memory_space<semaphore_mem>>)
      %dma_start3A_264 = arith.constant 896 : i32
      %dma_start3A_265 = arith.constant 0 : i32
      %dma_start3A_266 = tpu.memref_slice %arg9[%dma_start3A_264, %dma_start3A_265] : memref<1280x8xf32, #tpu.memory_space<vmem>> -> memref<128x8xf32, #tpu.memory_space<vmem>>
      %dma_start3A_267 = arith.constant 896 : i32
      %dma_start3A_268 = tpu.memref_slice %arg7[%dma_start3A_267] : memref<1280xi32, #tpu.memory_space<vmem>> -> memref<128xi32, #tpu.memory_space<vmem>>
      %dma_start3A_269 = arith.constant 0 : i32
      %dma_start3A_270 = arith.constant 0 : i32
      %dma_start3A_271 = tpu.memref_slice %arg2[%dma_start3A_269, %dma_start3A_270] : memref<320000x8xf32, #tpu.memory_space<hbm>> -> memref<320000x8xf32, #tpu.memory_space<hbm>>
      tpu.enqueue_indirect_dma source(%dma_start3A_271 : memref<320000x8xf32, #tpu.memory_space<hbm>>) target(%dma_start3A_266 : memref<128x8xf32, #tpu.memory_space<vmem>>) offsets(%dma_start3A_268 : memref<128xi32, #tpu.memory_space<vmem>>) semaphore(%arg15 : memref<!tpu.dma_semaphore, #tpu.memory_space<semaphore_mem>>)
      %dma_start3A_272 = arith.constant 1024 : i32
      %dma_start3A_273 = arith.constant 0 : i32
      %dma_start3A_274 = tpu.memref_slice %arg9[%dma_start3A_272, %dma_start3A_273] : memref<1280x8xf32, #tpu.memory_space<vmem>> -> memref<128x8xf32, #tpu.memory_space<vmem>>
      %dma_start3A_275 = arith.constant 1024 : i32
      %dma_start3A_276 = tpu.memref_slice %arg7[%dma_start3A_275] : memref<1280xi32, #tpu.memory_space<vmem>> -> memref<128xi32, #tpu.memory_space<vmem>>
      %dma_start3A_277 = arith.constant 0 : i32
      %dma_start3A_278 = arith.constant 0 : i32
      %dma_start3A_279 = tpu.memref_slice %arg2[%dma_start3A_277, %dma_start3A_278] : memref<320000x8xf32, #tpu.memory_space<hbm>> -> memref<320000x8xf32, #tpu.memory_space<hbm>>
      tpu.enqueue_indirect_dma source(%dma_start3A_279 : memref<320000x8xf32, #tpu.memory_space<hbm>>) target(%dma_start3A_274 : memref<128x8xf32, #tpu.memory_space<vmem>>) offsets(%dma_start3A_276 : memref<128xi32, #tpu.memory_space<vmem>>) semaphore(%arg15 : memref<!tpu.dma_semaphore, #tpu.memory_space<semaphore_mem>>)
      %dma_start3A_280 = arith.constant 1152 : i32
      %dma_start3A_281 = arith.constant 0 : i32
      %dma_start3A_282 = tpu.memref_slice %arg9[%dma_start3A_280, %dma_start3A_281] : memref<1280x8xf32, #tpu.memory_space<vmem>> -> memref<128x8xf32, #tpu.memory_space<vmem>>
      %dma_start3A_283 = arith.constant 1152 : i32
      %dma_start3A_284 = tpu.memref_slice %arg7[%dma_start3A_283] : memref<1280xi32, #tpu.memory_space<vmem>> -> memref<128xi32, #tpu.memory_space<vmem>>
      %dma_start3A_285 = arith.constant 0 : i32
      %dma_start3A_286 = arith.constant 0 : i32
      %dma_start3A_287 = tpu.memref_slice %arg2[%dma_start3A_285, %dma_start3A_286] : memref<320000x8xf32, #tpu.memory_space<hbm>> -> memref<320000x8xf32, #tpu.memory_space<hbm>>
      tpu.enqueue_indirect_dma source(%dma_start3A_287 : memref<320000x8xf32, #tpu.memory_space<hbm>>) target(%dma_start3A_282 : memref<128x8xf32, #tpu.memory_space<vmem>>) offsets(%dma_start3A_284 : memref<128xi32, #tpu.memory_space<vmem>>) semaphore(%arg15 : memref<!tpu.dma_semaphore, #tpu.memory_space<semaphore_mem>>)
      %get3A = arith.constant 0 : index
      %get3A_288 = tpu.vector_load %arg8[%get3A] {strides = array<i32>} : memref<1328xi32, #tpu.memory_space<vmem>>, vector<16xi32>,
      %get3A_289 = arith.constant 16 : index
      %get3A_290 = tpu.vector_load %arg8[%get3A_289] {strides = array<i32>} : memref<1328xi32, #tpu.memory_space<vmem>>, vector<16xi32>,
      %and3A_291 = arith.constant 16383 : i32
      %and3A_292 = vector.broadcast %and3A_291 : i32 to vector<16xi32>
      %and3A_293 = arith.andi %get3A_288, %and3A_292 : vector<16xi32>
      %and3A_294 = arith.constant 16383 : i32
      %and3A_295 = vector.broadcast %and3A_294 : i32 to vector<16xi32>
      %and3A_296 = arith.andi %get3A_290, %and3A_295 : vector<16xi32>
      tpu.vector_store_idx %arg11[%and3A_293], %iota3A : memref<16384xi32, #tpu.memory_space<vmem>>[vector<16xi32>], vector<16xi32>,
      tpu.vector_store_idx %arg11[%and3A_296], %add3A_46 : memref<16384xi32, #tpu.memory_space<vmem>>[vector<16xi32>], vector<16xi32>,
      %gather3A = tpu.vector_load_idx %arg11[%and3A_293] : memref<16384xi32, #tpu.memory_space<vmem>>[vector<16xi32>], vector<16xi32>,
      %gather3A_297 = tpu.vector_load_idx %arg11[%and3A_296] : memref<16384xi32, #tpu.memory_space<vmem>>[vector<16xi32>], vector<16xi32>,
      %ne3A = arith.cmpi ne, %gather3A, %iota3A : vector<16xi32>
      %ne3A_298 = arith.cmpi ne, %gather3A_297, %add3A_46 : vector<16xi32>
      %or3A = arith.ori %ne3A, %ne3A_298 : vector<16xi1>
      %jit3A = arith.constant 1 : i32
      %jit3A_299 = arith.constant 0 : i32
      %broadcast_in_dim3A = vector.broadcast %jit3A : i32 to vector<16xi32>
      %broadcast_in_dim3A_300 = vector.broadcast %jit3A_299 : i32 to vector<16xi32>
      %select_n3A = arith.select %or3A, %broadcast_in_dim3A, %broadcast_in_dim3A_300 : vector<16xi1>, vector<16xi32>
      %reduce_max3A = arith.constant true
      %reduce_max3A_301 = vector.broadcast %reduce_max3A : i1 to vector<16xi1>
      %reduce_max3A_302 = arith.constant -2147483648 : i32
      %reduce_max3A_303 = vector.broadcast %reduce_max3A_302 : i32 to vector<16xi32>
      %reduce_max3A_304 = arith.xori %select_n3A, %reduce_max3A_303 : vector<16xi32>
      %reduce_max3A_305 = tpu.scan <max>, %reduce_max3A_304 masked %reduce_max3A_301 : vector<16xi32>, vector<16xi1> -> vector<16xi32>
      %reduce_max3A_306 = arith.xori %reduce_max3A_305, %reduce_max3A_303 : vector<16xi32>
      %reduce_max3A_307 = vector.extract %reduce_max3A_306[15] : i32 from vector<16xi32>
      %scan3A_308 = arith.constant 0 : i32
      %scan3A_309 = arith.constant 20 : i32
      %scan3A_310 = arith.addi %scan3A_308, %scan3A_309 : i32
      %scan3A_311 = arith.constant 1 : i32
      %scan3A_312:3 = scf.for %scan3A_479 = %scan3A_308 to %scan3A_310 step %scan3A_311 iter_args(%scan3A_480 = %reduce_max3A_307, %scan3A_481 = %get3A_288, %scan3A_482 = %get3A_290) -> (i32, vector<16xi32>, vector<16xi32>)  : i32 {
        %mul3A_483 = arith.constant 32 : i32
        %mul3A_484 = arith.muli %mul3A_483, %scan3A_479 : i32
        %add3A_485 = arith.constant 0 : i32
        %add3A_486 = arith.addi %add3A_485, %mul3A_484 : i32
        %mul3A_487 = arith.constant 8 : i32
        %mul3A_488 = vector.broadcast %mul3A_487 : i32 to vector<16xi32>
        %mul3A_489 = arith.muli %scan3A_481, %mul3A_488 : vector<16xi32>
        %mul3A_490 = arith.constant 8 : i32
        %mul3A_491 = vector.broadcast %mul3A_490 : i32 to vector<16xi32>
        %mul3A_492 = arith.muli %scan3A_482, %mul3A_491 : vector<16xi32>
        %gather3A_493 = vector.shape_cast %reshape3A_15 : vector<16x1xi32> to vector<16xi32>
        %gather3A_494 = tpu.dynamic_gather %mul3A_489[%gather3A_493] in [0] : vector<16xi32>, vector<16xi32> -> vector<16xi32>
        %or3A_495 = arith.ori %gather3A_494, %and3A_2 : vector<16xi32>
        %add3A_496 = arith.constant 0 : i32
        %add3A_497 = arith.addi %add3A_486, %add3A_496 : i32
        %add3A_498 = vector.broadcast %add3A_497 : i32 to vector<16xi32>
        %add3A_499 = arith.addi %add3A_498, %shift_right_arithmetic3A_4 : vector<16xi32>
        %gather3A_500 = tpu.vector_load_idx %arg9[%add3A_499, %and3A_2] : memref<1280x8xf32, #tpu.memory_space<vmem>>[vector<16xi32>, vector<16xi32>], vector<16xf32>,
        %gather3A_501 = vector.shape_cast %reshape3A_19 : vector<16x1xi32> to vector<16xi32>
        %gather3A_502 = tpu.dynamic_gather %mul3A_489[%gather3A_501] in [0] : vector<16xi32>, vector<16xi32> -> vector<16xi32>
        %or3A_503 = arith.ori %gather3A_502, %and3A_2 : vector<16xi32>
        %add3A_504 = arith.constant 2 : i32
        %add3A_505 = arith.addi %add3A_486, %add3A_504 : i32
        %add3A_506 = vector.broadcast %add3A_505 : i32 to vector<16xi32>
        %add3A_507 = arith.addi %add3A_506, %shift_right_arithmetic3A_4 : vector<16xi32>
        %gather3A_508 = tpu.vector_load_idx %arg9[%add3A_507, %and3A_2] : memref<1280x8xf32, #tpu.memory_space<vmem>>[vector<16xi32>, vector<16xi32>], vector<16xf32>,
        %gather3A_509 = vector.shape_cast %reshape3A_23 : vector<16x1xi32> to vector<16xi32>
        %gather3A_510 = tpu.dynamic_gather %mul3A_489[%gather3A_509] in [0] : vector<16xi32>, vector<16xi32> -> vector<16xi32>
        %or3A_511 = arith.ori %gather3A_510, %and3A_2 : vector<16xi32>
        %add3A_512 = arith.constant 4 : i32
        %add3A_513 = arith.addi %add3A_486, %add3A_512 : i32
        %add3A_514 = vector.broadcast %add3A_513 : i32 to vector<16xi32>
        %add3A_515 = arith.addi %add3A_514, %shift_right_arithmetic3A_4 : vector<16xi32>
        %gather3A_516 = tpu.vector_load_idx %arg9[%add3A_515, %and3A_2] : memref<1280x8xf32, #tpu.memory_space<vmem>>[vector<16xi32>, vector<16xi32>], vector<16xf32>,
        %gather3A_517 = vector.shape_cast %reshape3A_27 : vector<16x1xi32> to vector<16xi32>
        %gather3A_518 = tpu.dynamic_gather %mul3A_489[%gather3A_517] in [0] : vector<16xi32>, vector<16xi32> -> vector<16xi32>
        %or3A_519 = arith.ori %gather3A_518, %and3A_2 : vector<16xi32>
        %add3A_520 = arith.constant 6 : i32
        %add3A_521 = arith.addi %add3A_486, %add3A_520 : i32
        %add3A_522 = vector.broadcast %add3A_521 : i32 to vector<16xi32>
        %add3A_523 = arith.addi %add3A_522, %shift_right_arithmetic3A_4 : vector<16xi32>
        %gather3A_524 = tpu.vector_load_idx %arg9[%add3A_523, %and3A_2] : memref<1280x8xf32, #tpu.memory_space<vmem>>[vector<16xi32>, vector<16xi32>], vector<16xf32>,
        %gather3A_525 = vector.shape_cast %reshape3A_31 : vector<16x1xi32> to vector<16xi32>
        %gather3A_526 = tpu.dynamic_gather %mul3A_489[%gather3A_525] in [0] : vector<16xi32>, vector<16xi32> -> vector<16xi32>
        %or3A_527 = arith.ori %gather3A_526, %and3A_2 : vector<16xi32>
        %add3A_528 = arith.constant 8 : i32
        %add3A_529 = arith.addi %add3A_486, %add3A_528 : i32
        %add3A_530 = vector.broadcast %add3A_529 : i32 to vector<16xi32>
        %add3A_531 = arith.addi %add3A_530, %shift_right_arithmetic3A_4 : vector<16xi32>
        %gather3A_532 = tpu.vector_load_idx %arg9[%add3A_531, %and3A_2] : memref<1280x8xf32, #tpu.memory_space<vmem>>[vector<16xi32>, vector<16xi32>], vector<16xf32>,
        %gather3A_533 = vector.shape_cast %reshape3A_35 : vector<16x1xi32> to vector<16xi32>
        %gather3A_534 = tpu.dynamic_gather %mul3A_489[%gather3A_533] in [0] : vector<16xi32>, vector<16xi32> -> vector<16xi32>
        %or3A_535 = arith.ori %gather3A_534, %and3A_2 : vector<16xi32>
        %add3A_536 = arith.constant 10 : i32
        %add3A_537 = arith.addi %add3A_486, %add3A_536 : i32
        %add3A_538 = vector.broadcast %add3A_537 : i32 to vector<16xi32>
        %add3A_539 = arith.addi %add3A_538, %shift_right_arithmetic3A_4 : vector<16xi32>
        %gather3A_540 = tpu.vector_load_idx %arg9[%add3A_539, %and3A_2] : memref<1280x8xf32, #tpu.memory_space<vmem>>[vector<16xi32>, vector<16xi32>], vector<16xf32>,
        %gather3A_541 = vector.shape_cast %reshape3A_39 : vector<16x1xi32> to vector<16xi32>
        %gather3A_542 = tpu.dynamic_gather %mul3A_489[%gather3A_541] in [0] : vector<16xi32>, vector<16xi32> -> vector<16xi32>
        %or3A_543 = arith.ori %gather3A_542, %and3A_2 : vector<16xi32>
        %add3A_544 = arith.constant 12 : i32
        %add3A_545 = arith.addi %add3A_486, %add3A_544 : i32
        %add3A_546 = vector.broadcast %add3A_545 : i32 to vector<16xi32>
        %add3A_547 = arith.addi %add3A_546, %shift_right_arithmetic3A_4 : vector<16xi32>
        %gather3A_548 = tpu.vector_load_idx %arg9[%add3A_547, %and3A_2] : memref<1280x8xf32, #tpu.memory_space<vmem>>[vector<16xi32>, vector<16xi32>], vector<16xf32>,
        %gather3A_549 = vector.shape_cast %reshape3A_43 : vector<16x1xi32> to vector<16xi32>
        %gather3A_550 = tpu.dynamic_gather %mul3A_489[%gather3A_549] in [0] : vector<16xi32>, vector<16xi32> -> vector<16xi32>
        %or3A_551 = arith.ori %gather3A_550, %and3A_2 : vector<16xi32>
        %add3A_552 = arith.constant 14 : i32
        %add3A_553 = arith.addi %add3A_486, %add3A_552 : i32
        %add3A_554 = vector.broadcast %add3A_553 : i32 to vector<16xi32>
        %add3A_555 = arith.addi %add3A_554, %shift_right_arithmetic3A_4 : vector<16xi32>
        %gather3A_556 = tpu.vector_load_idx %arg9[%add3A_555, %and3A_2] : memref<1280x8xf32, #tpu.memory_space<vmem>>[vector<16xi32>, vector<16xi32>], vector<16xf32>,
        %gather3A_557 = vector.shape_cast %reshape3A_15 : vector<16x1xi32> to vector<16xi32>
        %gather3A_558 = tpu.dynamic_gather %mul3A_492[%gather3A_557] in [0] : vector<16xi32>, vector<16xi32> -> vector<16xi32>
        %or3A_559 = arith.ori %gather3A_558, %and3A_2 : vector<16xi32>
        %add3A_560 = arith.constant 16 : i32
        %add3A_561 = arith.addi %add3A_486, %add3A_560 : i32
        %add3A_562 = vector.broadcast %add3A_561 : i32 to vector<16xi32>
        %add3A_563 = arith.addi %add3A_562, %shift_right_arithmetic3A_4 : vector<16xi32>
        %gather3A_564 = tpu.vector_load_idx %arg9[%add3A_563, %and3A_2] : memref<1280x8xf32, #tpu.memory_space<vmem>>[vector<16xi32>, vector<16xi32>], vector<16xf32>,
        %gather3A_565 = vector.shape_cast %reshape3A_19 : vector<16x1xi32> to vector<16xi32>
        %gather3A_566 = tpu.dynamic_gather %mul3A_492[%gather3A_565] in [0] : vector<16xi32>, vector<16xi32> -> vector<16xi32>
        %or3A_567 = arith.ori %gather3A_566, %and3A_2 : vector<16xi32>
        %add3A_568 = arith.constant 18 : i32
        %add3A_569 = arith.addi %add3A_486, %add3A_568 : i32
        %add3A_570 = vector.broadcast %add3A_569 : i32 to vector<16xi32>
        %add3A_571 = arith.addi %add3A_570, %shift_right_arithmetic3A_4 : vector<16xi32>
        %gather3A_572 = tpu.vector_load_idx %arg9[%add3A_571, %and3A_2] : memref<1280x8xf32, #tpu.memory_space<vmem>>[vector<16xi32>, vector<16xi32>], vector<16xf32>,
        %gather3A_573 = vector.shape_cast %reshape3A_23 : vector<16x1xi32> to vector<16xi32>
        %gather3A_574 = tpu.dynamic_gather %mul3A_492[%gather3A_573] in [0] : vector<16xi32>, vector<16xi32> -> vector<16xi32>
        %or3A_575 = arith.ori %gather3A_574, %and3A_2 : vector<16xi32>
        %add3A_576 = arith.constant 20 : i32
        %add3A_577 = arith.addi %add3A_486, %add3A_576 : i32
        %add3A_578 = vector.broadcast %add3A_577 : i32 to vector<16xi32>
        %add3A_579 = arith.addi %add3A_578, %shift_right_arithmetic3A_4 : vector<16xi32>
        %gather3A_580 = tpu.vector_load_idx %arg9[%add3A_579, %and3A_2] : memref<1280x8xf32, #tpu.memory_space<vmem>>[vector<16xi32>, vector<16xi32>], vector<16xf32>,
        %gather3A_581 = vector.shape_cast %reshape3A_27 : vector<16x1xi32> to vector<16xi32>
        %gather3A_582 = tpu.dynamic_gather %mul3A_492[%gather3A_581] in [0] : vector<16xi32>, vector<16xi32> -> vector<16xi32>
        %or3A_583 = arith.ori %gather3A_582, %and3A_2 : vector<16xi32>
        %add3A_584 = arith.constant 22 : i32
        %add3A_585 = arith.addi %add3A_486, %add3A_584 : i32
        %add3A_586 = vector.broadcast %add3A_585 : i32 to vector<16xi32>
        %add3A_587 = arith.addi %add3A_586, %shift_right_arithmetic3A_4 : vector<16xi32>
        %gather3A_588 = tpu.vector_load_idx %arg9[%add3A_587, %and3A_2] : memref<1280x8xf32, #tpu.memory_space<vmem>>[vector<16xi32>, vector<16xi32>], vector<16xf32>,
        %gather3A_589 = vector.shape_cast %reshape3A_31 : vector<16x1xi32> to vector<16xi32>
        %gather3A_590 = tpu.dynamic_gather %mul3A_492[%gather3A_589] in [0] : vector<16xi32>, vector<16xi32> -> vector<16xi32>
        %or3A_591 = arith.ori %gather3A_590, %and3A_2 : vector<16xi32>
        %add3A_592 = arith.constant 24 : i32
        %add3A_593 = arith.addi %add3A_486, %add3A_592 : i32
        %add3A_594 = vector.broadcast %add3A_593 : i32 to vector<16xi32>
        %add3A_595 = arith.addi %add3A_594, %shift_right_arithmetic3A_4 : vector<16xi32>
        %gather3A_596 = tpu.vector_load_idx %arg9[%add3A_595, %and3A_2] : memref<1280x8xf32, #tpu.memory_space<vmem>>[vector<16xi32>, vector<16xi32>], vector<16xf32>,
        %gather3A_597 = vector.shape_cast %reshape3A_35 : vector<16x1xi32> to vector<16xi32>
        %gather3A_598 = tpu.dynamic_gather %mul3A_492[%gather3A_597] in [0] : vector<16xi32>, vector<16xi32> -> vector<16xi32>
        %or3A_599 = arith.ori %gather3A_598, %and3A_2 : vector<16xi32>
        %add3A_600 = arith.constant 26 : i32
        %add3A_601 = arith.addi %add3A_486, %add3A_600 : i32
        %add3A_602 = vector.broadcast %add3A_601 : i32 to vector<16xi32>
        %add3A_603 = arith.addi %add3A_602, %shift_right_arithmetic3A_4 : vector<16xi32>
        %gather3A_604 = tpu.vector_load_idx %arg9[%add3A_603, %and3A_2] : memref<1280x8xf32, #tpu.memory_space<vmem>>[vector<16xi32>, vector<16xi32>], vector<16xf32>,
        %gather3A_605 = vector.shape_cast %reshape3A_39 : vector<16x1xi32> to vector<16xi32>
        %gather3A_606 = tpu.dynamic_gather %mul3A_492[%gather3A_605] in [0] : vector<16xi32>, vector<16xi32> -> vector<16xi32>
        %or3A_607 = arith.ori %gather3A_606, %and3A_2 : vector<16xi32>
        %add3A_608 = arith.constant 28 : i32
        %add3A_609 = arith.addi %add3A_486, %add3A_608 : i32
        %add3A_610 = vector.broadcast %add3A_609 : i32 to vector<16xi32>
        %add3A_611 = arith.addi %add3A_610, %shift_right_arithmetic3A_4 : vector<16xi32>
        %gather3A_612 = tpu.vector_load_idx %arg9[%add3A_611, %and3A_2] : memref<1280x8xf32, #tpu.memory_space<vmem>>[vector<16xi32>, vector<16xi32>], vector<16xf32>,
        %gather3A_613 = vector.shape_cast %reshape3A_43 : vector<16x1xi32> to vector<16xi32>
        %gather3A_614 = tpu.dynamic_gather %mul3A_492[%gather3A_613] in [0] : vector<16xi32>, vector<16xi32> -> vector<16xi32>
        %or3A_615 = arith.ori %gather3A_614, %and3A_2 : vector<16xi32>
        %add3A_616 = arith.constant 30 : i32
        %add3A_617 = arith.addi %add3A_486, %add3A_616 : i32
        %add3A_618 = vector.broadcast %add3A_617 : i32 to vector<16xi32>
        %add3A_619 = arith.addi %add3A_618, %shift_right_arithmetic3A_4 : vector<16xi32>
        %gather3A_620 = tpu.vector_load_idx %arg9[%add3A_619, %and3A_2] : memref<1280x8xf32, #tpu.memory_space<vmem>>[vector<16xi32>, vector<16xi32>], vector<16xf32>,
        %add3A_621 = arith.constant 32 : i32
        %add3A_622 = arith.addi %add3A_486, %add3A_621 : i32
        %get3A_623 = arith.index_cast %add3A_622 : i32 to index
        %get3A_624 = tpu.vector_load %arg8[%get3A_623] {strides = array<i32>} : memref<1328xi32, #tpu.memory_space<vmem>>, vector<16xi32>,
        %add3A_625 = arith.constant 48 : i32
        %add3A_626 = arith.addi %add3A_486, %add3A_625 : i32
        %get3A_627 = arith.index_cast %add3A_626 : i32 to index
        %get3A_628 = tpu.vector_load %arg8[%get3A_627] {strides = array<i32>} : memref<1328xi32, #tpu.memory_space<vmem>>, vector<16xi32>,
        %and3A_629 = arith.constant 16383 : i32
        %and3A_630 = vector.broadcast %and3A_629 : i32 to vector<16xi32>
        %and3A_631 = arith.andi %get3A_624, %and3A_630 : vector<16xi32>
        %and3A_632 = arith.constant 16383 : i32
        %and3A_633 = vector.broadcast %and3A_632 : i32 to vector<16xi32>
        %and3A_634 = arith.andi %get3A_628, %and3A_633 : vector<16xi32>
        tpu.vector_store_idx %arg11[%and3A_631], %iota3A : memref<16384xi32, #tpu.memory_space<vmem>>[vector<16xi32>], vector<16xi32>,
        tpu.vector_store_idx %arg11[%and3A_634], %add3A_46 : memref<16384xi32, #tpu.memory_space<vmem>>[vector<16xi32>], vector<16xi32>,
        %gather3A_635 = tpu.vector_load_idx %arg11[%and3A_631] : memref<16384xi32, #tpu.memory_space<vmem>>[vector<16xi32>], vector<16xi32>,
        %gather3A_636 = tpu.vector_load_idx %arg11[%and3A_634] : memref<16384xi32, #tpu.memory_space<vmem>>[vector<16xi32>], vector<16xi32>,
        %ne3A_637 = arith.cmpi ne, %gather3A_635, %iota3A : vector<16xi32>
        %ne3A_638 = arith.cmpi ne, %gather3A_636, %add3A_46 : vector<16xi32>
        %or3A_639 = arith.ori %ne3A_637, %ne3A_638 : vector<16xi1>
        %jit3A_640 = arith.constant 1 : i32
        %jit3A_641 = arith.constant 0 : i32
        %broadcast_in_dim3A_642 = vector.broadcast %jit3A_640 : i32 to vector<16xi32>
        %broadcast_in_dim3A_643 = vector.broadcast %jit3A_641 : i32 to vector<16xi32>
        %select_n3A_644 = arith.select %or3A_639, %broadcast_in_dim3A_642, %broadcast_in_dim3A_643 : vector<16xi1>, vector<16xi32>
        %reduce_max3A_645 = arith.constant true
        %reduce_max3A_646 = vector.broadcast %reduce_max3A_645 : i1 to vector<16xi1>
        %reduce_max3A_647 = arith.constant -2147483648 : i32
        %reduce_max3A_648 = vector.broadcast %reduce_max3A_647 : i32 to vector<16xi32>
        %reduce_max3A_649 = arith.xori %select_n3A_644, %reduce_max3A_648 : vector<16xi32>
        %reduce_max3A_650 = tpu.scan <max>, %reduce_max3A_649 masked %reduce_max3A_646 : vector<16xi32>, vector<16xi1> -> vector<16xi32>
        %reduce_max3A_651 = arith.xori %reduce_max3A_650, %reduce_max3A_648 : vector<16xi32>
        %reduce_max3A_652 = vector.extract %reduce_max3A_651[15] : i32 from vector<16xi32>
        %gt3A = arith.constant 0 : i32
        %gt3A_653 = arith.cmpi sgt, %scan3A_480, %gt3A : i32
        %convert_element_type3A = arith.extui %gt3A_653 : i1 to i32
        %cond3A = arith.constant 0 : i32
        %cond3A_654 = arith.cmpi ne, %convert_element_type3A, %cond3A : i32
        scf.if %cond3A_654 {
          %gather3A_655 = vector.shape_cast %reshape3A : vector<16x1xi32> to vector<16xi32>
          %gather3A_656 = tpu.dynamic_gather %gather3A_500[%gather3A_655] in [0] : vector<16xf32>, vector<16xi32> -> vector<16xf32>
          %gather3A_657 = vector.shape_cast %reshape3A : vector<16x1xi32> to vector<16xi32>
          %gather3A_658 = tpu.dynamic_gather %or3A_495[%gather3A_657] in [0] : vector<16xi32>, vector<16xi32> -> vector<16xi32>
          %eq3A = arith.cmpi eq, %or3A_495, %gather3A_658 : vector<16xi32>
          %max3A = arith.maximumf %gather3A_500, %gather3A_656 : vector<16xf32>
          %select_n3A_659 = arith.select %eq3A, %max3A, %gather3A_500 : vector<16xi1>, vector<16xf32>
          %gather3A_660 = tpu.vector_load_idx %arg10[%or3A_495] : memref<80000xf32, #tpu.memory_space<vmem>>[vector<16xi32>], vector<16xf32>,
          %max3A_661 = arith.maximumf %gather3A_660, %select_n3A_659 : vector<16xf32>
          tpu.vector_store_idx %arg10[%or3A_495], %max3A_661 : memref<80000xf32, #tpu.memory_space<vmem>>[vector<16xi32>], vector<16xf32>,
          %gather3A_662 = vector.shape_cast %reshape3A : vector<16x1xi32> to vector<16xi32>
          %gather3A_663 = tpu.dynamic_gather %gather3A_508[%gather3A_662] in [0] : vector<16xf32>, vector<16xi32> -> vector<16xf32>
          %gather3A_664 = vector.shape_cast %reshape3A : vector<16x1xi32> to vector<16xi32>
          %gather3A_665 = tpu.dynamic_gather %or3A_503[%gather3A_664] in [0] : vector<16xi32>, vector<16xi32> -> vector<16xi32>
          %eq3A_666 = arith.cmpi eq, %or3A_503, %gather3A_665 : vector<16xi32>
          %max3A_667 = arith.maximumf %gather3A_508, %gather3A_663 : vector<16xf32>
          %select_n3A_668 = arith.select %eq3A_666, %max3A_667, %gather3A_508 : vector<16xi1>, vector<16xf32>
          %gather3A_669 = tpu.vector_load_idx %arg10[%or3A_503] : memref<80000xf32, #tpu.memory_space<vmem>>[vector<16xi32>], vector<16xf32>,
          %max3A_670 = arith.maximumf %gather3A_669, %select_n3A_668 : vector<16xf32>
          tpu.vector_store_idx %arg10[%or3A_503], %max3A_670 : memref<80000xf32, #tpu.memory_space<vmem>>[vector<16xi32>], vector<16xf32>,
          %gather3A_671 = vector.shape_cast %reshape3A : vector<16x1xi32> to vector<16xi32>
          %gather3A_672 = tpu.dynamic_gather %gather3A_516[%gather3A_671] in [0] : vector<16xf32>, vector<16xi32> -> vector<16xf32>
          %gather3A_673 = vector.shape_cast %reshape3A : vector<16x1xi32> to vector<16xi32>
          %gather3A_674 = tpu.dynamic_gather %or3A_511[%gather3A_673] in [0] : vector<16xi32>, vector<16xi32> -> vector<16xi32>
          %eq3A_675 = arith.cmpi eq, %or3A_511, %gather3A_674 : vector<16xi32>
          %max3A_676 = arith.maximumf %gather3A_516, %gather3A_672 : vector<16xf32>
          %select_n3A_677 = arith.select %eq3A_675, %max3A_676, %gather3A_516 : vector<16xi1>, vector<16xf32>
          %gather3A_678 = tpu.vector_load_idx %arg10[%or3A_511] : memref<80000xf32, #tpu.memory_space<vmem>>[vector<16xi32>], vector<16xf32>,
          %max3A_679 = arith.maximumf %gather3A_678, %select_n3A_677 : vector<16xf32>
          tpu.vector_store_idx %arg10[%or3A_511], %max3A_679 : memref<80000xf32, #tpu.memory_space<vmem>>[vector<16xi32>], vector<16xf32>,
          %gather3A_680 = vector.shape_cast %reshape3A : vector<16x1xi32> to vector<16xi32>
          %gather3A_681 = tpu.dynamic_gather %gather3A_524[%gather3A_680] in [0] : vector<16xf32>, vector<16xi32> -> vector<16xf32>
          %gather3A_682 = vector.shape_cast %reshape3A : vector<16x1xi32> to vector<16xi32>
          %gather3A_683 = tpu.dynamic_gather %or3A_519[%gather3A_682] in [0] : vector<16xi32>, vector<16xi32> -> vector<16xi32>
          %eq3A_684 = arith.cmpi eq, %or3A_519, %gather3A_683 : vector<16xi32>
          %max3A_685 = arith.maximumf %gather3A_524, %gather3A_681 : vector<16xf32>
          %select_n3A_686 = arith.select %eq3A_684, %max3A_685, %gather3A_524 : vector<16xi1>, vector<16xf32>
          %gather3A_687 = tpu.vector_load_idx %arg10[%or3A_519] : memref<80000xf32, #tpu.memory_space<vmem>>[vector<16xi32>], vector<16xf32>,
          %max3A_688 = arith.maximumf %gather3A_687, %select_n3A_686 : vector<16xf32>
          tpu.vector_store_idx %arg10[%or3A_519], %max3A_688 : memref<80000xf32, #tpu.memory_space<vmem>>[vector<16xi32>], vector<16xf32>,
          %gather3A_689 = vector.shape_cast %reshape3A : vector<16x1xi32> to vector<16xi32>
          %gather3A_690 = tpu.dynamic_gather %gather3A_532[%gather3A_689] in [0] : vector<16xf32>, vector<16xi32> -> vector<16xf32>
          %gather3A_691 = vector.shape_cast %reshape3A : vector<16x1xi32> to vector<16xi32>
          %gather3A_692 = tpu.dynamic_gather %or3A_527[%gather3A_691] in [0] : vector<16xi32>, vector<16xi32> -> vector<16xi32>
          %eq3A_693 = arith.cmpi eq, %or3A_527, %gather3A_692 : vector<16xi32>
          %max3A_694 = arith.maximumf %gather3A_532, %gather3A_690 : vector<16xf32>
          %select_n3A_695 = arith.select %eq3A_693, %max3A_694, %gather3A_532 : vector<16xi1>, vector<16xf32>
          %gather3A_696 = tpu.vector_load_idx %arg10[%or3A_527] : memref<80000xf32, #tpu.memory_space<vmem>>[vector<16xi32>], vector<16xf32>,
          %max3A_697 = arith.maximumf %gather3A_696, %select_n3A_695 : vector<16xf32>
          tpu.vector_store_idx %arg10[%or3A_527], %max3A_697 : memref<80000xf32, #tpu.memory_space<vmem>>[vector<16xi32>], vector<16xf32>,
          %gather3A_698 = vector.shape_cast %reshape3A : vector<16x1xi32> to vector<16xi32>
          %gather3A_699 = tpu.dynamic_gather %gather3A_540[%gather3A_698] in [0] : vector<16xf32>, vector<16xi32> -> vector<16xf32>
          %gather3A_700 = vector.shape_cast %reshape3A : vector<16x1xi32> to vector<16xi32>
          %gather3A_701 = tpu.dynamic_gather %or3A_535[%gather3A_700] in [0] : vector<16xi32>, vector<16xi32> -> vector<16xi32>
          %eq3A_702 = arith.cmpi eq, %or3A_535, %gather3A_701 : vector<16xi32>
          %max3A_703 = arith.maximumf %gather3A_540, %gather3A_699 : vector<16xf32>
          %select_n3A_704 = arith.select %eq3A_702, %max3A_703, %gather3A_540 : vector<16xi1>, vector<16xf32>
          %gather3A_705 = tpu.vector_load_idx %arg10[%or3A_535] : memref<80000xf32, #tpu.memory_space<vmem>>[vector<16xi32>], vector<16xf32>,
          %max3A_706 = arith.maximumf %gather3A_705, %select_n3A_704 : vector<16xf32>
          tpu.vector_store_idx %arg10[%or3A_535], %max3A_706 : memref<80000xf32, #tpu.memory_space<vmem>>[vector<16xi32>], vector<16xf32>,
          %gather3A_707 = vector.shape_cast %reshape3A : vector<16x1xi32> to vector<16xi32>
          %gather3A_708 = tpu.dynamic_gather %gather3A_548[%gather3A_707] in [0] : vector<16xf32>, vector<16xi32> -> vector<16xf32>
          %gather3A_709 = vector.shape_cast %reshape3A : vector<16x1xi32> to vector<16xi32>
          %gather3A_710 = tpu.dynamic_gather %or3A_543[%gather3A_709] in [0] : vector<16xi32>, vector<16xi32> -> vector<16xi32>
          %eq3A_711 = arith.cmpi eq, %or3A_543, %gather3A_710 : vector<16xi32>
          %max3A_712 = arith.maximumf %gather3A_548, %gather3A_708 : vector<16xf32>
          %select_n3A_713 = arith.select %eq3A_711, %max3A_712, %gather3A_548 : vector<16xi1>, vector<16xf32>
          %gather3A_714 = tpu.vector_load_idx %arg10[%or3A_543] : memref<80000xf32, #tpu.memory_space<vmem>>[vector<16xi32>], vector<16xf32>,
          %max3A_715 = arith.maximumf %gather3A_714, %select_n3A_713 : vector<16xf32>
          tpu.vector_store_idx %arg10[%or3A_543], %max3A_715 : memref<80000xf32, #tpu.memory_space<vmem>>[vector<16xi32>], vector<16xf32>,
          %gather3A_716 = vector.shape_cast %reshape3A : vector<16x1xi32> to vector<16xi32>
          %gather3A_717 = tpu.dynamic_gather %gather3A_556[%gather3A_716] in [0] : vector<16xf32>, vector<16xi32> -> vector<16xf32>
          %gather3A_718 = vector.shape_cast %reshape3A : vector<16x1xi32> to vector<16xi32>
          %gather3A_719 = tpu.dynamic_gather %or3A_551[%gather3A_718] in [0] : vector<16xi32>, vector<16xi32> -> vector<16xi32>
          %eq3A_720 = arith.cmpi eq, %or3A_551, %gather3A_719 : vector<16xi32>
          %max3A_721 = arith.maximumf %gather3A_556, %gather3A_717 : vector<16xf32>
          %select_n3A_722 = arith.select %eq3A_720, %max3A_721, %gather3A_556 : vector<16xi1>, vector<16xf32>
          %gather3A_723 = tpu.vector_load_idx %arg10[%or3A_551] : memref<80000xf32, #tpu.memory_space<vmem>>[vector<16xi32>], vector<16xf32>,
          %max3A_724 = arith.maximumf %gather3A_723, %select_n3A_722 : vector<16xf32>
          tpu.vector_store_idx %arg10[%or3A_551], %max3A_724 : memref<80000xf32, #tpu.memory_space<vmem>>[vector<16xi32>], vector<16xf32>,
          %gather3A_725 = vector.shape_cast %reshape3A : vector<16x1xi32> to vector<16xi32>
          %gather3A_726 = tpu.dynamic_gather %gather3A_564[%gather3A_725] in [0] : vector<16xf32>, vector<16xi32> -> vector<16xf32>
          %gather3A_727 = vector.shape_cast %reshape3A : vector<16x1xi32> to vector<16xi32>
          %gather3A_728 = tpu.dynamic_gather %or3A_559[%gather3A_727] in [0] : vector<16xi32>, vector<16xi32> -> vector<16xi32>
          %eq3A_729 = arith.cmpi eq, %or3A_559, %gather3A_728 : vector<16xi32>
          %max3A_730 = arith.maximumf %gather3A_564, %gather3A_726 : vector<16xf32>
          %select_n3A_731 = arith.select %eq3A_729, %max3A_730, %gather3A_564 : vector<16xi1>, vector<16xf32>
          %gather3A_732 = tpu.vector_load_idx %arg10[%or3A_559] : memref<80000xf32, #tpu.memory_space<vmem>>[vector<16xi32>], vector<16xf32>,
          %max3A_733 = arith.maximumf %gather3A_732, %select_n3A_731 : vector<16xf32>
          tpu.vector_store_idx %arg10[%or3A_559], %max3A_733 : memref<80000xf32, #tpu.memory_space<vmem>>[vector<16xi32>], vector<16xf32>,
          %gather3A_734 = vector.shape_cast %reshape3A : vector<16x1xi32> to vector<16xi32>
          %gather3A_735 = tpu.dynamic_gather %gather3A_572[%gather3A_734] in [0] : vector<16xf32>, vector<16xi32> -> vector<16xf32>
          %gather3A_736 = vector.shape_cast %reshape3A : vector<16x1xi32> to vector<16xi32>
          %gather3A_737 = tpu.dynamic_gather %or3A_567[%gather3A_736] in [0] : vector<16xi32>, vector<16xi32> -> vector<16xi32>
          %eq3A_738 = arith.cmpi eq, %or3A_567, %gather3A_737 : vector<16xi32>
          %max3A_739 = arith.maximumf %gather3A_572, %gather3A_735 : vector<16xf32>
          %select_n3A_740 = arith.select %eq3A_738, %max3A_739, %gather3A_572 : vector<16xi1>, vector<16xf32>
          %gather3A_741 = tpu.vector_load_idx %arg10[%or3A_567] : memref<80000xf32, #tpu.memory_space<vmem>>[vector<16xi32>], vector<16xf32>,
          %max3A_742 = arith.maximumf %gather3A_741, %select_n3A_740 : vector<16xf32>
          tpu.vector_store_idx %arg10[%or3A_567], %max3A_742 : memref<80000xf32, #tpu.memory_space<vmem>>[vector<16xi32>], vector<16xf32>,
          %gather3A_743 = vector.shape_cast %reshape3A : vector<16x1xi32> to vector<16xi32>
          %gather3A_744 = tpu.dynamic_gather %gather3A_580[%gather3A_743] in [0] : vector<16xf32>, vector<16xi32> -> vector<16xf32>
          %gather3A_745 = vector.shape_cast %reshape3A : vector<16x1xi32> to vector<16xi32>
          %gather3A_746 = tpu.dynamic_gather %or3A_575[%gather3A_745] in [0] : vector<16xi32>, vector<16xi32> -> vector<16xi32>
          %eq3A_747 = arith.cmpi eq, %or3A_575, %gather3A_746 : vector<16xi32>
          %max3A_748 = arith.maximumf %gather3A_580, %gather3A_744 : vector<16xf32>
          %select_n3A_749 = arith.select %eq3A_747, %max3A_748, %gather3A_580 : vector<16xi1>, vector<16xf32>
          %gather3A_750 = tpu.vector_load_idx %arg10[%or3A_575] : memref<80000xf32, #tpu.memory_space<vmem>>[vector<16xi32>], vector<16xf32>,
          %max3A_751 = arith.maximumf %gather3A_750, %select_n3A_749 : vector<16xf32>
          tpu.vector_store_idx %arg10[%or3A_575], %max3A_751 : memref<80000xf32, #tpu.memory_space<vmem>>[vector<16xi32>], vector<16xf32>,
          %gather3A_752 = vector.shape_cast %reshape3A : vector<16x1xi32> to vector<16xi32>
          %gather3A_753 = tpu.dynamic_gather %gather3A_588[%gather3A_752] in [0] : vector<16xf32>, vector<16xi32> -> vector<16xf32>
          %gather3A_754 = vector.shape_cast %reshape3A : vector<16x1xi32> to vector<16xi32>
          %gather3A_755 = tpu.dynamic_gather %or3A_583[%gather3A_754] in [0] : vector<16xi32>, vector<16xi32> -> vector<16xi32>
          %eq3A_756 = arith.cmpi eq, %or3A_583, %gather3A_755 : vector<16xi32>
          %max3A_757 = arith.maximumf %gather3A_588, %gather3A_753 : vector<16xf32>
          %select_n3A_758 = arith.select %eq3A_756, %max3A_757, %gather3A_588 : vector<16xi1>, vector<16xf32>
          %gather3A_759 = tpu.vector_load_idx %arg10[%or3A_583] : memref<80000xf32, #tpu.memory_space<vmem>>[vector<16xi32>], vector<16xf32>,
          %max3A_760 = arith.maximumf %gather3A_759, %select_n3A_758 : vector<16xf32>
          tpu.vector_store_idx %arg10[%or3A_583], %max3A_760 : memref<80000xf32, #tpu.memory_space<vmem>>[vector<16xi32>], vector<16xf32>,
          %gather3A_761 = vector.shape_cast %reshape3A : vector<16x1xi32> to vector<16xi32>
          %gather3A_762 = tpu.dynamic_gather %gather3A_596[%gather3A_761] in [0] : vector<16xf32>, vector<16xi32> -> vector<16xf32>
          %gather3A_763 = vector.shape_cast %reshape3A : vector<16x1xi32> to vector<16xi32>
          %gather3A_764 = tpu.dynamic_gather %or3A_591[%gather3A_763] in [0] : vector<16xi32>, vector<16xi32> -> vector<16xi32>
          %eq3A_765 = arith.cmpi eq, %or3A_591, %gather3A_764 : vector<16xi32>
          %max3A_766 = arith.maximumf %gather3A_596, %gather3A_762 : vector<16xf32>
          %select_n3A_767 = arith.select %eq3A_765, %max3A_766, %gather3A_596 : vector<16xi1>, vector<16xf32>
          %gather3A_768 = tpu.vector_load_idx %arg10[%or3A_591] : memref<80000xf32, #tpu.memory_space<vmem>>[vector<16xi32>], vector<16xf32>,
          %max3A_769 = arith.maximumf %gather3A_768, %select_n3A_767 : vector<16xf32>
          tpu.vector_store_idx %arg10[%or3A_591], %max3A_769 : memref<80000xf32, #tpu.memory_space<vmem>>[vector<16xi32>], vector<16xf32>,
          %gather3A_770 = vector.shape_cast %reshape3A : vector<16x1xi32> to vector<16xi32>
          %gather3A_771 = tpu.dynamic_gather %gather3A_604[%gather3A_770] in [0] : vector<16xf32>, vector<16xi32> -> vector<16xf32>
          %gather3A_772 = vector.shape_cast %reshape3A : vector<16x1xi32> to vector<16xi32>
          %gather3A_773 = tpu.dynamic_gather %or3A_599[%gather3A_772] in [0] : vector<16xi32>, vector<16xi32> -> vector<16xi32>
          %eq3A_774 = arith.cmpi eq, %or3A_599, %gather3A_773 : vector<16xi32>
          %max3A_775 = arith.maximumf %gather3A_604, %gather3A_771 : vector<16xf32>
          %select_n3A_776 = arith.select %eq3A_774, %max3A_775, %gather3A_604 : vector<16xi1>, vector<16xf32>
          %gather3A_777 = tpu.vector_load_idx %arg10[%or3A_599] : memref<80000xf32, #tpu.memory_space<vmem>>[vector<16xi32>], vector<16xf32>,
          %max3A_778 = arith.maximumf %gather3A_777, %select_n3A_776 : vector<16xf32>
          tpu.vector_store_idx %arg10[%or3A_599], %max3A_778 : memref<80000xf32, #tpu.memory_space<vmem>>[vector<16xi32>], vector<16xf32>,
          %gather3A_779 = vector.shape_cast %reshape3A : vector<16x1xi32> to vector<16xi32>
          %gather3A_780 = tpu.dynamic_gather %gather3A_612[%gather3A_779] in [0] : vector<16xf32>, vector<16xi32> -> vector<16xf32>
          %gather3A_781 = vector.shape_cast %reshape3A : vector<16x1xi32> to vector<16xi32>
          %gather3A_782 = tpu.dynamic_gather %or3A_607[%gather3A_781] in [0] : vector<16xi32>, vector<16xi32> -> vector<16xi32>
          %eq3A_783 = arith.cmpi eq, %or3A_607, %gather3A_782 : vector<16xi32>
          %max3A_784 = arith.maximumf %gather3A_612, %gather3A_780 : vector<16xf32>
          %select_n3A_785 = arith.select %eq3A_783, %max3A_784, %gather3A_612 : vector<16xi1>, vector<16xf32>
          %gather3A_786 = tpu.vector_load_idx %arg10[%or3A_607] : memref<80000xf32, #tpu.memory_space<vmem>>[vector<16xi32>], vector<16xf32>,
          %max3A_787 = arith.maximumf %gather3A_786, %select_n3A_785 : vector<16xf32>
          tpu.vector_store_idx %arg10[%or3A_607], %max3A_787 : memref<80000xf32, #tpu.memory_space<vmem>>[vector<16xi32>], vector<16xf32>,
          %gather3A_788 = vector.shape_cast %reshape3A : vector<16x1xi32> to vector<16xi32>
          %gather3A_789 = tpu.dynamic_gather %gather3A_620[%gather3A_788] in [0] : vector<16xf32>, vector<16xi32> -> vector<16xf32>
          %gather3A_790 = vector.shape_cast %reshape3A : vector<16x1xi32> to vector<16xi32>
          %gather3A_791 = tpu.dynamic_gather %or3A_615[%gather3A_790] in [0] : vector<16xi32>, vector<16xi32> -> vector<16xi32>
          %eq3A_792 = arith.cmpi eq, %or3A_615, %gather3A_791 : vector<16xi32>
          %max3A_793 = arith.maximumf %gather3A_620, %gather3A_789 : vector<16xf32>
          %select_n3A_794 = arith.select %eq3A_792, %max3A_793, %gather3A_620 : vector<16xi1>, vector<16xf32>
          %gather3A_795 = tpu.vector_load_idx %arg10[%or3A_615] : memref<80000xf32, #tpu.memory_space<vmem>>[vector<16xi32>], vector<16xf32>,
          %max3A_796 = arith.maximumf %gather3A_795, %select_n3A_794 : vector<16xf32>
          tpu.vector_store_idx %arg10[%or3A_615], %max3A_796 : memref<80000xf32, #tpu.memory_space<vmem>>[vector<16xi32>], vector<16xf32>,
        } else {
          %gather3A_655 = tpu.vector_load_idx %arg10[%or3A_495] : memref<80000xf32, #tpu.memory_space<vmem>>[vector<16xi32>], vector<16xf32>,
          %gather3A_656 = tpu.vector_load_idx %arg10[%or3A_503] : memref<80000xf32, #tpu.memory_space<vmem>>[vector<16xi32>], vector<16xf32>,
          %gather3A_657 = tpu.vector_load_idx %arg10[%or3A_511] : memref<80000xf32, #tpu.memory_space<vmem>>[vector<16xi32>], vector<16xf32>,
          %gather3A_658 = tpu.vector_load_idx %arg10[%or3A_519] : memref<80000xf32, #tpu.memory_space<vmem>>[vector<16xi32>], vector<16xf32>,
          %gather3A_659 = tpu.vector_load_idx %arg10[%or3A_527] : memref<80000xf32, #tpu.memory_space<vmem>>[vector<16xi32>], vector<16xf32>,
          %gather3A_660 = tpu.vector_load_idx %arg10[%or3A_535] : memref<80000xf32, #tpu.memory_space<vmem>>[vector<16xi32>], vector<16xf32>,
          %gather3A_661 = tpu.vector_load_idx %arg10[%or3A_543] : memref<80000xf32, #tpu.memory_space<vmem>>[vector<16xi32>], vector<16xf32>,
          %gather3A_662 = tpu.vector_load_idx %arg10[%or3A_551] : memref<80000xf32, #tpu.memory_space<vmem>>[vector<16xi32>], vector<16xf32>,
          %max3A = arith.maximumf %gather3A_655, %gather3A_500 : vector<16xf32>
          tpu.vector_store_idx %arg10[%or3A_495], %max3A : memref<80000xf32, #tpu.memory_space<vmem>>[vector<16xi32>], vector<16xf32>,
          %max3A_663 = arith.maximumf %gather3A_656, %gather3A_508 : vector<16xf32>
          tpu.vector_store_idx %arg10[%or3A_503], %max3A_663 : memref<80000xf32, #tpu.memory_space<vmem>>[vector<16xi32>], vector<16xf32>,
          %max3A_664 = arith.maximumf %gather3A_657, %gather3A_516 : vector<16xf32>
          tpu.vector_store_idx %arg10[%or3A_511], %max3A_664 : memref<80000xf32, #tpu.memory_space<vmem>>[vector<16xi32>], vector<16xf32>,
          %max3A_665 = arith.maximumf %gather3A_658, %gather3A_524 : vector<16xf32>
          tpu.vector_store_idx %arg10[%or3A_519], %max3A_665 : memref<80000xf32, #tpu.memory_space<vmem>>[vector<16xi32>], vector<16xf32>,
          %max3A_666 = arith.maximumf %gather3A_659, %gather3A_532 : vector<16xf32>
          tpu.vector_store_idx %arg10[%or3A_527], %max3A_666 : memref<80000xf32, #tpu.memory_space<vmem>>[vector<16xi32>], vector<16xf32>,
          %max3A_667 = arith.maximumf %gather3A_660, %gather3A_540 : vector<16xf32>
          tpu.vector_store_idx %arg10[%or3A_535], %max3A_667 : memref<80000xf32, #tpu.memory_space<vmem>>[vector<16xi32>], vector<16xf32>,
          %max3A_668 = arith.maximumf %gather3A_661, %gather3A_548 : vector<16xf32>
          tpu.vector_store_idx %arg10[%or3A_543], %max3A_668 : memref<80000xf32, #tpu.memory_space<vmem>>[vector<16xi32>], vector<16xf32>,
          %max3A_669 = arith.maximumf %gather3A_662, %gather3A_556 : vector<16xf32>
          tpu.vector_store_idx %arg10[%or3A_551], %max3A_669 : memref<80000xf32, #tpu.memory_space<vmem>>[vector<16xi32>], vector<16xf32>,
          %gather3A_670 = tpu.vector_load_idx %arg10[%or3A_559] : memref<80000xf32, #tpu.memory_space<vmem>>[vector<16xi32>], vector<16xf32>,
          %gather3A_671 = tpu.vector_load_idx %arg10[%or3A_567] : memref<80000xf32, #tpu.memory_space<vmem>>[vector<16xi32>], vector<16xf32>,
          %gather3A_672 = tpu.vector_load_idx %arg10[%or3A_575] : memref<80000xf32, #tpu.memory_space<vmem>>[vector<16xi32>], vector<16xf32>,
          %gather3A_673 = tpu.vector_load_idx %arg10[%or3A_583] : memref<80000xf32, #tpu.memory_space<vmem>>[vector<16xi32>], vector<16xf32>,
          %gather3A_674 = tpu.vector_load_idx %arg10[%or3A_591] : memref<80000xf32, #tpu.memory_space<vmem>>[vector<16xi32>], vector<16xf32>,
          %gather3A_675 = tpu.vector_load_idx %arg10[%or3A_599] : memref<80000xf32, #tpu.memory_space<vmem>>[vector<16xi32>], vector<16xf32>,
          %gather3A_676 = tpu.vector_load_idx %arg10[%or3A_607] : memref<80000xf32, #tpu.memory_space<vmem>>[vector<16xi32>], vector<16xf32>,
          %gather3A_677 = tpu.vector_load_idx %arg10[%or3A_615] : memref<80000xf32, #tpu.memory_space<vmem>>[vector<16xi32>], vector<16xf32>,
          %max3A_678 = arith.maximumf %gather3A_670, %gather3A_564 : vector<16xf32>
          tpu.vector_store_idx %arg10[%or3A_559], %max3A_678 : memref<80000xf32, #tpu.memory_space<vmem>>[vector<16xi32>], vector<16xf32>,
          %max3A_679 = arith.maximumf %gather3A_671, %gather3A_572 : vector<16xf32>
          tpu.vector_store_idx %arg10[%or3A_567], %max3A_679 : memref<80000xf32, #tpu.memory_space<vmem>>[vector<16xi32>], vector<16xf32>,
          %max3A_680 = arith.maximumf %gather3A_672, %gather3A_580 : vector<16xf32>
          tpu.vector_store_idx %arg10[%or3A_575], %max3A_680 : memref<80000xf32, #tpu.memory_space<vmem>>[vector<16xi32>], vector<16xf32>,
          %max3A_681 = arith.maximumf %gather3A_673, %gather3A_588 : vector<16xf32>
          tpu.vector_store_idx %arg10[%or3A_583], %max3A_681 : memref<80000xf32, #tpu.memory_space<vmem>>[vector<16xi32>], vector<16xf32>,
          %max3A_682 = arith.maximumf %gather3A_674, %gather3A_596 : vector<16xf32>
          tpu.vector_store_idx %arg10[%or3A_591], %max3A_682 : memref<80000xf32, #tpu.memory_space<vmem>>[vector<16xi32>], vector<16xf32>,
          %max3A_683 = arith.maximumf %gather3A_675, %gather3A_604 : vector<16xf32>
          tpu.vector_store_idx %arg10[%or3A_599], %max3A_683 : memref<80000xf32, #tpu.memory_space<vmem>>[vector<16xi32>], vector<16xf32>,
          %max3A_684 = arith.maximumf %gather3A_676, %gather3A_612 : vector<16xf32>
          tpu.vector_store_idx %arg10[%or3A_607], %max3A_684 : memref<80000xf32, #tpu.memory_space<vmem>>[vector<16xi32>], vector<16xf32>,
          %max3A_685 = arith.maximumf %gather3A_677, %gather3A_620 : vector<16xf32>
          tpu.vector_store_idx %arg10[%or3A_615], %max3A_685 : memref<80000xf32, #tpu.memory_space<vmem>>[vector<16xi32>], vector<16xf32>,
        }
        scf.yield %reduce_max3A_652, %get3A_624, %get3A_628 : i32, vector<16xi32>, vector<16xi32>
      }
      %scan3A_313 = arith.constant 20 : i32
      %add3A_314 = arith.constant 2 : i32
      %add3A_315 = arith.addi %add3A_207, %add3A_314 : i32
      %min3A = arith.constant 249 : i32
      %min3A_316 = arith.minsi %add3A_315, %min3A : i32
      %dma_start3A_317 = arith.constant 0 : i32
      %dma_start3A_318 = tpu.memref_slice %arg6[%dma_start3A_317] : memref<1280xi32, #tpu.memory_space<vmem>> -> memref<640xi32, #tpu.memory_space<vmem>>
      %dma_start3A_319 = arith.constant 0 : i32
      %dma_start3A_320 = tpu.memref_slice %arg3[%min3A_316, %dma_start3A_319] : memref<250x640xi32, #tpu.memory_space<hbm>> -> memref<1x640xi32, #tpu.memory_space<hbm>>
      %dma_start3A_321 = tpu.memref_squeeze %dma_start3A_320 : memref<1x640xi32, #tpu.memory_space<hbm>> -> memref<640xi32, #tpu.memory_space<hbm>>
      %dma_start3A_322 = arith.constant 0 : i32
      %dma_start3A_323 = tpu.memref_slice %arg6[%dma_start3A_322] : memref<1280xi32, #tpu.memory_space<vmem>> -> memref<640xi32, #tpu.memory_space<vmem>>
      %dma_start3A_324 = arith.constant 0 : i32
      %dma_start3A_325 = tpu.memref_slice %arg3[%min3A_316, %dma_start3A_324] : memref<250x640xi32, #tpu.memory_space<hbm>> -> memref<1x640xi32, #tpu.memory_space<hbm>>
      %dma_start3A_326 = tpu.memref_squeeze %dma_start3A_325 : memref<1x640xi32, #tpu.memory_space<hbm>> -> memref<640xi32, #tpu.memory_space<hbm>>
      tpu.enqueue_dma source(%dma_start3A_326 : memref<640xi32, #tpu.memory_space<hbm>>) target(%dma_start3A_323 : memref<640xi32, #tpu.memory_space<vmem>>) target_semaphore(%arg12 : memref<!tpu.dma_semaphore, #tpu.memory_space<semaphore_mem>>)
      %dma_start3A_327 = arith.constant 0 : i32
      %dma_start3A_328 = tpu.memref_slice %arg8[%dma_start3A_327] : memref<1328xi32, #tpu.memory_space<vmem>> -> memref<640xi32, #tpu.memory_space<vmem>>
      %dma_start3A_329 = arith.constant 0 : i32
      %dma_start3A_330 = tpu.memref_slice %arg4[%min3A_316, %dma_start3A_329] : memref<250x640xi32, #tpu.memory_space<hbm>> -> memref<1x640xi32, #tpu.memory_space<hbm>>
      %dma_start3A_331 = tpu.memref_squeeze %dma_start3A_330 : memref<1x640xi32, #tpu.memory_space<hbm>> -> memref<640xi32, #tpu.memory_space<hbm>>
      %dma_start3A_332 = arith.constant 0 : i32
      %dma_start3A_333 = tpu.memref_slice %arg8[%dma_start3A_332] : memref<1328xi32, #tpu.memory_space<vmem>> -> memref<640xi32, #tpu.memory_space<vmem>>
      %dma_start3A_334 = arith.constant 0 : i32
      %dma_start3A_335 = tpu.memref_slice %arg4[%min3A_316, %dma_start3A_334] : memref<250x640xi32, #tpu.memory_space<hbm>> -> memref<1x640xi32, #tpu.memory_space<hbm>>
      %dma_start3A_336 = tpu.memref_squeeze %dma_start3A_335 : memref<1x640xi32, #tpu.memory_space<hbm>> -> memref<640xi32, #tpu.memory_space<hbm>>
      tpu.enqueue_dma source(%dma_start3A_336 : memref<640xi32, #tpu.memory_space<hbm>>) target(%dma_start3A_333 : memref<640xi32, #tpu.memory_space<vmem>>) target_semaphore(%arg12 : memref<!tpu.dma_semaphore, #tpu.memory_space<semaphore_mem>>)
      %mul3A_337 = arith.constant 2 : i32
      %mul3A_338 = arith.muli %mul3A_337, %scan3A_203 : i32
      %add3A_339 = arith.constant 1 : i32
      %add3A_340 = arith.addi %mul3A_338, %add3A_339 : i32
      %dma_wait3A_341 = arith.constant 640 : i32
      %dma_wait3A_342 = arith.constant 0 : i32
      %dma_wait3A_343 = tpu.memref_slice %arg9[%dma_wait3A_341, %dma_wait3A_342] : memref<1280x8xf32, #tpu.memory_space<vmem>> -> memref<640x8xf32, #tpu.memory_space<vmem>>
      %dma_wait3A_344 = arith.constant 0 : i32
      %dma_wait3A_345 = arith.constant 0 : i32
      %dma_wait3A_346 = tpu.memref_slice %arg2[%dma_wait3A_344, %dma_wait3A_345] : memref<320000x8xf32, #tpu.memory_space<hbm>> -> memref<640x8xf32, #tpu.memory_space<hbm>>
      %dma_wait3A_347 = arith.constant 640 : i32
      %dma_wait3A_348 = arith.constant 0 : i32
      %dma_wait3A_349 = tpu.memref_slice %arg9[%dma_wait3A_347, %dma_wait3A_348] : memref<1280x8xf32, #tpu.memory_space<vmem>> -> memref<640x8xf32, #tpu.memory_space<vmem>>
      %dma_wait3A_350 = arith.constant 0 : i32
      %dma_wait3A_351 = arith.constant 0 : i32
      %dma_wait3A_352 = tpu.memref_slice %arg2[%dma_wait3A_350, %dma_wait3A_351] : memref<320000x8xf32, #tpu.memory_space<hbm>> -> memref<640x8xf32, #tpu.memory_space<hbm>>
      tpu.wait_dma2 semaphore(%arg15 : memref<!tpu.dma_semaphore, #tpu.memory_space<semaphore_mem>>) src(%dma_wait3A_352 : memref<640x8xf32, #tpu.memory_space<hbm>>) dst(%dma_wait3A_349 : memref<640x8xf32, #tpu.memory_space<vmem>>)
      %dma_wait3A_353 = arith.constant 0 : i32
      %dma_wait3A_354 = arith.constant 0 : i32
      %dma_wait3A_355 = tpu.memref_slice %arg6[%dma_wait3A_354] : memref<1280xi32, #tpu.memory_space<vmem>> -> memref<640xi32, #tpu.memory_space<vmem>>
      %dma_wait3A_356 = arith.constant 0 : i32
      %dma_wait3A_357 = tpu.memref_slice %arg3[%dma_wait3A_353, %dma_wait3A_356] : memref<250x640xi32, #tpu.memory_space<hbm>> -> memref<1x640xi32, #tpu.memory_space<hbm>>
      %dma_wait3A_358 = tpu.memref_squeeze %dma_wait3A_357 : memref<1x640xi32, #tpu.memory_space<hbm>> -> memref<640xi32, #tpu.memory_space<hbm>>
      %dma_wait3A_359 = arith.constant 0 : i32
      %dma_wait3A_360 = tpu.memref_slice %arg6[%dma_wait3A_359] : memref<1280xi32, #tpu.memory_space<vmem>> -> memref<640xi32, #tpu.memory_space<vmem>>
      %dma_wait3A_361 = arith.constant 0 : i32
      %dma_wait3A_362 = tpu.memref_slice %arg3[%dma_wait3A_353, %dma_wait3A_361] : memref<250x640xi32, #tpu.memory_space<hbm>> -> memref<1x640xi32, #tpu.memory_space<hbm>>
      %dma_wait3A_363 = tpu.memref_squeeze %dma_wait3A_362 : memref<1x640xi32, #tpu.memory_space<hbm>> -> memref<640xi32, #tpu.memory_space<hbm>>
      tpu.wait_dma2 semaphore(%arg12 : memref<!tpu.dma_semaphore, #tpu.memory_space<semaphore_mem>>) src(%dma_wait3A_363 : memref<640xi32, #tpu.memory_space<hbm>>) dst(%dma_wait3A_360 : memref<640xi32, #tpu.memory_space<vmem>>)
      %dma_wait3A_364 = arith.constant 0 : i32
      %dma_wait3A_365 = arith.constant 0 : i32
      %dma_wait3A_366 = tpu.memref_slice %arg8[%dma_wait3A_365] : memref<1328xi32, #tpu.memory_space<vmem>> -> memref<640xi32, #tpu.memory_space<vmem>>
      %dma_wait3A_367 = arith.constant 0 : i32
      %dma_wait3A_368 = tpu.memref_slice %arg4[%dma_wait3A_364, %dma_wait3A_367] : memref<250x640xi32, #tpu.memory_space<hbm>> -> memref<1x640xi32, #tpu.memory_space<hbm>>
      %dma_wait3A_369 = tpu.memref_squeeze %dma_wait3A_368 : memref<1x640xi32, #tpu.memory_space<hbm>> -> memref<640xi32, #tpu.memory_space<hbm>>
      %dma_wait3A_370 = arith.constant 0 : i32
      %dma_wait3A_371 = tpu.memref_slice %arg8[%dma_wait3A_370] : memref<1328xi32, #tpu.memory_space<vmem>> -> memref<640xi32, #tpu.memory_space<vmem>>
      %dma_wait3A_372 = arith.constant 0 : i32
      %dma_wait3A_373 = tpu.memref_slice %arg4[%dma_wait3A_364, %dma_wait3A_372] : memref<250x640xi32, #tpu.memory_space<hbm>> -> memref<1x640xi32, #tpu.memory_space<hbm>>
      %dma_wait3A_374 = tpu.memref_squeeze %dma_wait3A_373 : memref<1x640xi32, #tpu.memory_space<hbm>> -> memref<640xi32, #tpu.memory_space<hbm>>
      tpu.wait_dma2 semaphore(%arg12 : memref<!tpu.dma_semaphore, #tpu.memory_space<semaphore_mem>>) src(%dma_wait3A_374 : memref<640xi32, #tpu.memory_space<hbm>>) dst(%dma_wait3A_371 : memref<640xi32, #tpu.memory_space<vmem>>)
      %scan3A_375 = arith.constant 0 : i32
      %scan3A_376 = arith.constant 0 : i32
      %scan3A_377 = arith.constant 40 : i32
      %scan3A_378 = arith.addi %scan3A_376, %scan3A_377 : i32
      %scan3A_379 = arith.constant 4 : i32
      scf.for %scan3A_479 = %scan3A_376 to %scan3A_378 step %scan3A_379  : i32 {
        %mul3A_480 = arith.constant 16 : i32
        %mul3A_481 = arith.muli %scan3A_479, %mul3A_480 : i32
        %add3A_482 = arith.constant 0 : i32
        %add3A_483 = arith.addi %add3A_482, %mul3A_481 : i32
        %get3A_484 = arith.index_cast %add3A_483 : i32 to index
        %get3A_485 = tpu.vector_load %arg6[%get3A_484] {strides = array<i32>} : memref<1280xi32, #tpu.memory_space<vmem>>, vector<16xi32>,
        %shift_left3A = arith.constant 5 : i32
        %shift_left3A_486 = vector.broadcast %shift_left3A : i32 to vector<16xi32>
        %shift_left3A_487 = arith.shli %get3A_485, %shift_left3A_486 : vector<16xi32>
        %add3A_488 = vector.broadcast %add3A : i32 to vector<16xi32>
        %add3A_489 = arith.addi %shift_left3A_487, %add3A_488 : vector<16xi32>
        %swap3A = arith.index_cast %add3A_483 : i32 to index
        %swap3A_490 = tpu.vector_load %arg7[%swap3A] {strides = array<i32>} : memref<1280xi32, #tpu.memory_space<vmem>>, vector<16xi32>,
        tpu.vector_store %arg7[%swap3A], %add3A_489 {strides = array<i32>} : memref<1280xi32, #tpu.memory_space<vmem>>, vector<16xi32>,
        %scan3A_491 = arith.constant 1 : i32
        %scan3A_492 = arith.addi %scan3A_479, %scan3A_491 : i32
        %mul3A_493 = arith.constant 16 : i32
        %mul3A_494 = arith.muli %scan3A_492, %mul3A_493 : i32
        %add3A_495 = arith.constant 0 : i32
        %add3A_496 = arith.addi %add3A_495, %mul3A_494 : i32
        %get3A_497 = arith.index_cast %add3A_496 : i32 to index
        %get3A_498 = tpu.vector_load %arg6[%get3A_497] {strides = array<i32>} : memref<1280xi32, #tpu.memory_space<vmem>>, vector<16xi32>,
        %shift_left3A_499 = arith.constant 5 : i32
        %shift_left3A_500 = vector.broadcast %shift_left3A_499 : i32 to vector<16xi32>
        %shift_left3A_501 = arith.shli %get3A_498, %shift_left3A_500 : vector<16xi32>
        %add3A_502 = vector.broadcast %add3A : i32 to vector<16xi32>
        %add3A_503 = arith.addi %shift_left3A_501, %add3A_502 : vector<16xi32>
        %swap3A_504 = arith.index_cast %add3A_496 : i32 to index
        %swap3A_505 = tpu.vector_load %arg7[%swap3A_504] {strides = array<i32>} : memref<1280xi32, #tpu.memory_space<vmem>>, vector<16xi32>,
        tpu.vector_store %arg7[%swap3A_504], %add3A_503 {strides = array<i32>} : memref<1280xi32, #tpu.memory_space<vmem>>, vector<16xi32>,
        %scan3A_506 = arith.constant 2 : i32
        %scan3A_507 = arith.addi %scan3A_479, %scan3A_506 : i32
        %mul3A_508 = arith.constant 16 : i32
        %mul3A_509 = arith.muli %scan3A_507, %mul3A_508 : i32
        %add3A_510 = arith.constant 0 : i32
        %add3A_511 = arith.addi %add3A_510, %mul3A_509 : i32
        %get3A_512 = arith.index_cast %add3A_511 : i32 to index
        %get3A_513 = tpu.vector_load %arg6[%get3A_512] {strides = array<i32>} : memref<1280xi32, #tpu.memory_space<vmem>>, vector<16xi32>,
        %shift_left3A_514 = arith.constant 5 : i32
        %shift_left3A_515 = vector.broadcast %shift_left3A_514 : i32 to vector<16xi32>
        %shift_left3A_516 = arith.shli %get3A_513, %shift_left3A_515 : vector<16xi32>
        %add3A_517 = vector.broadcast %add3A : i32 to vector<16xi32>
        %add3A_518 = arith.addi %shift_left3A_516, %add3A_517 : vector<16xi32>
        %swap3A_519 = arith.index_cast %add3A_511 : i32 to index
        %swap3A_520 = tpu.vector_load %arg7[%swap3A_519] {strides = array<i32>} : memref<1280xi32, #tpu.memory_space<vmem>>, vector<16xi32>,
        tpu.vector_store %arg7[%swap3A_519], %add3A_518 {strides = array<i32>} : memref<1280xi32, #tpu.memory_space<vmem>>, vector<16xi32>,
        %scan3A_521 = arith.constant 3 : i32
        %scan3A_522 = arith.addi %scan3A_479, %scan3A_521 : i32
        %mul3A_523 = arith.constant 16 : i32
        %mul3A_524 = arith.muli %scan3A_522, %mul3A_523 : i32
        %add3A_525 = arith.constant 0 : i32
        %add3A_526 = arith.addi %add3A_525, %mul3A_524 : i32
        %get3A_527 = arith.index_cast %add3A_526 : i32 to index
        %get3A_528 = tpu.vector_load %arg6[%get3A_527] {strides = array<i32>} : memref<1280xi32, #tpu.memory_space<vmem>>, vector<16xi32>,
        %shift_left3A_529 = arith.constant 5 : i32
        %shift_left3A_530 = vector.broadcast %shift_left3A_529 : i32 to vector<16xi32>
        %shift_left3A_531 = arith.shli %get3A_528, %shift_left3A_530 : vector<16xi32>
        %add3A_532 = vector.broadcast %add3A : i32 to vector<16xi32>
        %add3A_533 = arith.addi %shift_left3A_531, %add3A_532 : vector<16xi32>
        %swap3A_534 = arith.index_cast %add3A_526 : i32 to index
        %swap3A_535 = tpu.vector_load %arg7[%swap3A_534] {strides = array<i32>} : memref<1280xi32, #tpu.memory_space<vmem>>, vector<16xi32>,
        tpu.vector_store %arg7[%swap3A_534], %add3A_533 {strides = array<i32>} : memref<1280xi32, #tpu.memory_space<vmem>>, vector<16xi32>,
      }
      %scan3A_380 = arith.constant 40 : i32
      %dma_start3A_381 = arith.constant 0 : i32
      %dma_start3A_382 = arith.constant 0 : i32
      %dma_start3A_383 = tpu.memref_slice %arg9[%dma_start3A_381, %dma_start3A_382] : memref<1280x8xf32, #tpu.memory_space<vmem>> -> memref<128x8xf32, #tpu.memory_space<vmem>>
      %dma_start3A_384 = arith.constant 0 : i32
      %dma_start3A_385 = tpu.memref_slice %arg7[%dma_start3A_384] : memref<1280xi32, #tpu.memory_space<vmem>> -> memref<128xi32, #tpu.memory_space<vmem>>
      %dma_start3A_386 = arith.constant 0 : i32
      %dma_start3A_387 = arith.constant 0 : i32
      %dma_start3A_388 = tpu.memref_slice %arg2[%dma_start3A_386, %dma_start3A_387] : memref<320000x8xf32, #tpu.memory_space<hbm>> -> memref<320000x8xf32, #tpu.memory_space<hbm>>
      tpu.enqueue_indirect_dma source(%dma_start3A_388 : memref<320000x8xf32, #tpu.memory_space<hbm>>) target(%dma_start3A_383 : memref<128x8xf32, #tpu.memory_space<vmem>>) offsets(%dma_start3A_385 : memref<128xi32, #tpu.memory_space<vmem>>) semaphore(%arg14 : memref<!tpu.dma_semaphore, #tpu.memory_space<semaphore_mem>>)
      %dma_start3A_389 = arith.constant 128 : i32
      %dma_start3A_390 = arith.constant 0 : i32
      %dma_start3A_391 = tpu.memref_slice %arg9[%dma_start3A_389, %dma_start3A_390] : memref<1280x8xf32, #tpu.memory_space<vmem>> -> memref<128x8xf32, #tpu.memory_space<vmem>>
      %dma_start3A_392 = arith.constant 128 : i32
      %dma_start3A_393 = tpu.memref_slice %arg7[%dma_start3A_392] : memref<1280xi32, #tpu.memory_space<vmem>> -> memref<128xi32, #tpu.memory_space<vmem>>
      %dma_start3A_394 = arith.constant 0 : i32
      %dma_start3A_395 = arith.constant 0 : i32
      %dma_start3A_396 = tpu.memref_slice %arg2[%dma_start3A_394, %dma_start3A_395] : memref<320000x8xf32, #tpu.memory_space<hbm>> -> memref<320000x8xf32, #tpu.memory_space<hbm>>
      tpu.enqueue_indirect_dma source(%dma_start3A_396 : memref<320000x8xf32, #tpu.memory_space<hbm>>) target(%dma_start3A_391 : memref<128x8xf32, #tpu.memory_space<vmem>>) offsets(%dma_start3A_393 : memref<128xi32, #tpu.memory_space<vmem>>) semaphore(%arg14 : memref<!tpu.dma_semaphore, #tpu.memory_space<semaphore_mem>>)
      %dma_start3A_397 = arith.constant 256 : i32
      %dma_start3A_398 = arith.constant 0 : i32
      %dma_start3A_399 = tpu.memref_slice %arg9[%dma_start3A_397, %dma_start3A_398] : memref<1280x8xf32, #tpu.memory_space<vmem>> -> memref<128x8xf32, #tpu.memory_space<vmem>>
      %dma_start3A_400 = arith.constant 256 : i32
      %dma_start3A_401 = tpu.memref_slice %arg7[%dma_start3A_400] : memref<1280xi32, #tpu.memory_space<vmem>> -> memref<128xi32, #tpu.memory_space<vmem>>
      %dma_start3A_402 = arith.constant 0 : i32
      %dma_start3A_403 = arith.constant 0 : i32
      %dma_start3A_404 = tpu.memref_slice %arg2[%dma_start3A_402, %dma_start3A_403] : memref<320000x8xf32, #tpu.memory_space<hbm>> -> memref<320000x8xf32, #tpu.memory_space<hbm>>
      tpu.enqueue_indirect_dma source(%dma_start3A_404 : memref<320000x8xf32, #tpu.memory_space<hbm>>) target(%dma_start3A_399 : memref<128x8xf32, #tpu.memory_space<vmem>>) offsets(%dma_start3A_401 : memref<128xi32, #tpu.memory_space<vmem>>) semaphore(%arg14 : memref<!tpu.dma_semaphore, #tpu.memory_space<semaphore_mem>>)
      %dma_start3A_405 = arith.constant 384 : i32
      %dma_start3A_406 = arith.constant 0 : i32
      %dma_start3A_407 = tpu.memref_slice %arg9[%dma_start3A_405, %dma_start3A_406] : memref<1280x8xf32, #tpu.memory_space<vmem>> -> memref<128x8xf32, #tpu.memory_space<vmem>>
      %dma_start3A_408 = arith.constant 384 : i32
      %dma_start3A_409 = tpu.memref_slice %arg7[%dma_start3A_408] : memref<1280xi32, #tpu.memory_space<vmem>> -> memref<128xi32, #tpu.memory_space<vmem>>
      %dma_start3A_410 = arith.constant 0 : i32
      %dma_start3A_411 = arith.constant 0 : i32
      %dma_start3A_412 = tpu.memref_slice %arg2[%dma_start3A_410, %dma_start3A_411] : memref<320000x8xf32, #tpu.memory_space<hbm>> -> memref<320000x8xf32, #tpu.memory_space<hbm>>
      tpu.enqueue_indirect_dma source(%dma_start3A_412 : memref<320000x8xf32, #tpu.memory_space<hbm>>) target(%dma_start3A_407 : memref<128x8xf32, #tpu.memory_space<vmem>>) offsets(%dma_start3A_409 : memref<128xi32, #tpu.memory_space<vmem>>) semaphore(%arg14 : memref<!tpu.dma_semaphore, #tpu.memory_space<semaphore_mem>>)
      %dma_start3A_413 = arith.constant 512 : i32
      %dma_start3A_414 = arith.constant 0 : i32
      %dma_start3A_415 = tpu.memref_slice %arg9[%dma_start3A_413, %dma_start3A_414] : memref<1280x8xf32, #tpu.memory_space<vmem>> -> memref<128x8xf32, #tpu.memory_space<vmem>>
      %dma_start3A_416 = arith.constant 512 : i32
      %dma_start3A_417 = tpu.memref_slice %arg7[%dma_start3A_416] : memref<1280xi32, #tpu.memory_space<vmem>> -> memref<128xi32, #tpu.memory_space<vmem>>
      %dma_start3A_418 = arith.constant 0 : i32
      %dma_start3A_419 = arith.constant 0 : i32
      %dma_start3A_420 = tpu.memref_slice %arg2[%dma_start3A_418, %dma_start3A_419] : memref<320000x8xf32, #tpu.memory_space<hbm>> -> memref<320000x8xf32, #tpu.memory_space<hbm>>
      tpu.enqueue_indirect_dma source(%dma_start3A_420 : memref<320000x8xf32, #tpu.memory_space<hbm>>) target(%dma_start3A_415 : memref<128x8xf32, #tpu.memory_space<vmem>>) offsets(%dma_start3A_417 : memref<128xi32, #tpu.memory_space<vmem>>) semaphore(%arg14 : memref<!tpu.dma_semaphore, #tpu.memory_space<semaphore_mem>>)
      %get3A_421 = arith.constant 640 : index
      %get3A_422 = tpu.vector_load %arg8[%get3A_421] {strides = array<i32>} : memref<1328xi32, #tpu.memory_space<vmem>>, vector<16xi32>,
      %get3A_423 = arith.constant 656 : index
      %get3A_424 = tpu.vector_load %arg8[%get3A_423] {strides = array<i32>} : memref<1328xi32, #tpu.memory_space<vmem>>, vector<16xi32>,
      %and3A_425 = arith.constant 16383 : i32
      %and3A_426 = vector.broadcast %and3A_425 : i32 to vector<16xi32>
      %and3A_427 = arith.andi %get3A_422, %and3A_426 : vector<16xi32>
      %and3A_428 = arith.constant 16383 : i32
      %and3A_429 = vector.broadcast %and3A_428 : i32 to vector<16xi32>
      %and3A_430 = arith.andi %get3A_424, %and3A_429 : vector<16xi32>
      tpu.vector_store_idx %arg11[%and3A_427], %iota3A : memref<16384xi32, #tpu.memory_space<vmem>>[vector<16xi32>], vector<16xi32>,
      tpu.vector_store_idx %arg11[%and3A_430], %add3A_46 : memref<16384xi32, #tpu.memory_space<vmem>>[vector<16xi32>], vector<16xi32>,
      %gather3A_431 = tpu.vector_load_idx %arg11[%and3A_427] : memref<16384xi32, #tpu.memory_space<vmem>>[vector<16xi32>], vector<16xi32>,
      %gather3A_432 = tpu.vector_load_idx %arg11[%and3A_430] : memref<16384xi32, #tpu.memory_space<vmem>>[vector<16xi32>], vector<16xi32>,
      %ne3A_433 = arith.cmpi ne, %gather3A_431, %iota3A : vector<16xi32>
      %ne3A_434 = arith.cmpi ne, %gather3A_432, %add3A_46 : vector<16xi32>
      %or3A_435 = arith.ori %ne3A_433, %ne3A_434 : vector<16xi1>
      %jit3A_436 = arith.constant 1 : i32
      %jit3A_437 = arith.constant 0 : i32
      %broadcast_in_dim3A_438 = vector.broadcast %jit3A_436 : i32 to vector<16xi32>
      %broadcast_in_dim3A_439 = vector.broadcast %jit3A_437 : i32 to vector<16xi32>
      %select_n3A_440 = arith.select %or3A_435, %broadcast_in_dim3A_438, %broadcast_in_dim3A_439 : vector<16xi1>, vector<16xi32>
      %reduce_max3A_441 = arith.constant true
      %reduce_max3A_442 = vector.broadcast %reduce_max3A_441 : i1 to vector<16xi1>
      %reduce_max3A_443 = arith.constant -2147483648 : i32
      %reduce_max3A_444 = vector.broadcast %reduce_max3A_443 : i32 to vector<16xi32>
      %reduce_max3A_445 = arith.xori %select_n3A_440, %reduce_max3A_444 : vector<16xi32>
      %reduce_max3A_446 = tpu.scan <max>, %reduce_max3A_445 masked %reduce_max3A_442 : vector<16xi32>, vector<16xi1> -> vector<16xi32>
      %reduce_max3A_447 = arith.xori %reduce_max3A_446, %reduce_max3A_444 : vector<16xi32>
      %reduce_max3A_448 = vector.extract %reduce_max3A_447[15] : i32 from vector<16xi32>
      %scan3A_449 = arith.constant 0 : i32
      %scan3A_450 = arith.constant 20 : i32
      %scan3A_451 = arith.addi %scan3A_449, %scan3A_450 : i32
      %scan3A_452 = arith.constant 1 : i32
      %scan3A_453:3 = scf.for %scan3A_479 = %scan3A_449 to %scan3A_451 step %scan3A_452 iter_args(%scan3A_480 = %reduce_max3A_448, %scan3A_481 = %get3A_422, %scan3A_482 = %get3A_424) -> (i32, vector<16xi32>, vector<16xi32>)  : i32 {
        %mul3A_483 = arith.constant 32 : i32
        %mul3A_484 = arith.muli %mul3A_483, %scan3A_479 : i32
        %add3A_485 = arith.constant 640 : i32
        %add3A_486 = arith.addi %add3A_485, %mul3A_484 : i32
        %mul3A_487 = arith.constant 8 : i32
        %mul3A_488 = vector.broadcast %mul3A_487 : i32 to vector<16xi32>
        %mul3A_489 = arith.muli %scan3A_481, %mul3A_488 : vector<16xi32>
        %mul3A_490 = arith.constant 8 : i32
        %mul3A_491 = vector.broadcast %mul3A_490 : i32 to vector<16xi32>
        %mul3A_492 = arith.muli %scan3A_482, %mul3A_491 : vector<16xi32>
        %gather3A_493 = vector.shape_cast %reshape3A_15 : vector<16x1xi32> to vector<16xi32>
        %gather3A_494 = tpu.dynamic_gather %mul3A_489[%gather3A_493] in [0] : vector<16xi32>, vector<16xi32> -> vector<16xi32>
        %or3A_495 = arith.ori %gather3A_494, %and3A_2 : vector<16xi32>
        %add3A_496 = arith.constant 0 : i32
        %add3A_497 = arith.addi %add3A_486, %add3A_496 : i32
        %add3A_498 = vector.broadcast %add3A_497 : i32 to vector<16xi32>
        %add3A_499 = arith.addi %add3A_498, %shift_right_arithmetic3A_4 : vector<16xi32>
        %gather3A_500 = tpu.vector_load_idx %arg9[%add3A_499, %and3A_2] : memref<1280x8xf32, #tpu.memory_space<vmem>>[vector<16xi32>, vector<16xi32>], vector<16xf32>,
        %gather3A_501 = vector.shape_cast %reshape3A_19 : vector<16x1xi32> to vector<16xi32>
        %gather3A_502 = tpu.dynamic_gather %mul3A_489[%gather3A_501] in [0] : vector<16xi32>, vector<16xi32> -> vector<16xi32>
        %or3A_503 = arith.ori %gather3A_502, %and3A_2 : vector<16xi32>
        %add3A_504 = arith.constant 2 : i32
        %add3A_505 = arith.addi %add3A_486, %add3A_504 : i32
        %add3A_506 = vector.broadcast %add3A_505 : i32 to vector<16xi32>
        %add3A_507 = arith.addi %add3A_506, %shift_right_arithmetic3A_4 : vector<16xi32>
        %gather3A_508 = tpu.vector_load_idx %arg9[%add3A_507, %and3A_2] : memref<1280x8xf32, #tpu.memory_space<vmem>>[vector<16xi32>, vector<16xi32>], vector<16xf32>,
        %gather3A_509 = vector.shape_cast %reshape3A_23 : vector<16x1xi32> to vector<16xi32>
        %gather3A_510 = tpu.dynamic_gather %mul3A_489[%gather3A_509] in [0] : vector<16xi32>, vector<16xi32> -> vector<16xi32>
        %or3A_511 = arith.ori %gather3A_510, %and3A_2 : vector<16xi32>
        %add3A_512 = arith.constant 4 : i32
        %add3A_513 = arith.addi %add3A_486, %add3A_512 : i32
        %add3A_514 = vector.broadcast %add3A_513 : i32 to vector<16xi32>
        %add3A_515 = arith.addi %add3A_514, %shift_right_arithmetic3A_4 : vector<16xi32>
        %gather3A_516 = tpu.vector_load_idx %arg9[%add3A_515, %and3A_2] : memref<1280x8xf32, #tpu.memory_space<vmem>>[vector<16xi32>, vector<16xi32>], vector<16xf32>,
        %gather3A_517 = vector.shape_cast %reshape3A_27 : vector<16x1xi32> to vector<16xi32>
        %gather3A_518 = tpu.dynamic_gather %mul3A_489[%gather3A_517] in [0] : vector<16xi32>, vector<16xi32> -> vector<16xi32>
        %or3A_519 = arith.ori %gather3A_518, %and3A_2 : vector<16xi32>
        %add3A_520 = arith.constant 6 : i32
        %add3A_521 = arith.addi %add3A_486, %add3A_520 : i32
        %add3A_522 = vector.broadcast %add3A_521 : i32 to vector<16xi32>
        %add3A_523 = arith.addi %add3A_522, %shift_right_arithmetic3A_4 : vector<16xi32>
        %gather3A_524 = tpu.vector_load_idx %arg9[%add3A_523, %and3A_2] : memref<1280x8xf32, #tpu.memory_space<vmem>>[vector<16xi32>, vector<16xi32>], vector<16xf32>,
        %gather3A_525 = vector.shape_cast %reshape3A_31 : vector<16x1xi32> to vector<16xi32>
        %gather3A_526 = tpu.dynamic_gather %mul3A_489[%gather3A_525] in [0] : vector<16xi32>, vector<16xi32> -> vector<16xi32>
        %or3A_527 = arith.ori %gather3A_526, %and3A_2 : vector<16xi32>
        %add3A_528 = arith.constant 8 : i32
        %add3A_529 = arith.addi %add3A_486, %add3A_528 : i32
        %add3A_530 = vector.broadcast %add3A_529 : i32 to vector<16xi32>
        %add3A_531 = arith.addi %add3A_530, %shift_right_arithmetic3A_4 : vector<16xi32>
        %gather3A_532 = tpu.vector_load_idx %arg9[%add3A_531, %and3A_2] : memref<1280x8xf32, #tpu.memory_space<vmem>>[vector<16xi32>, vector<16xi32>], vector<16xf32>,
        %gather3A_533 = vector.shape_cast %reshape3A_35 : vector<16x1xi32> to vector<16xi32>
        %gather3A_534 = tpu.dynamic_gather %mul3A_489[%gather3A_533] in [0] : vector<16xi32>, vector<16xi32> -> vector<16xi32>
        %or3A_535 = arith.ori %gather3A_534, %and3A_2 : vector<16xi32>
        %add3A_536 = arith.constant 10 : i32
        %add3A_537 = arith.addi %add3A_486, %add3A_536 : i32
        %add3A_538 = vector.broadcast %add3A_537 : i32 to vector<16xi32>
        %add3A_539 = arith.addi %add3A_538, %shift_right_arithmetic3A_4 : vector<16xi32>
        %gather3A_540 = tpu.vector_load_idx %arg9[%add3A_539, %and3A_2] : memref<1280x8xf32, #tpu.memory_space<vmem>>[vector<16xi32>, vector<16xi32>], vector<16xf32>,
        %gather3A_541 = vector.shape_cast %reshape3A_39 : vector<16x1xi32> to vector<16xi32>
        %gather3A_542 = tpu.dynamic_gather %mul3A_489[%gather3A_541] in [0] : vector<16xi32>, vector<16xi32> -> vector<16xi32>
        %or3A_543 = arith.ori %gather3A_542, %and3A_2 : vector<16xi32>
        %add3A_544 = arith.constant 12 : i32
        %add3A_545 = arith.addi %add3A_486, %add3A_544 : i32
        %add3A_546 = vector.broadcast %add3A_545 : i32 to vector<16xi32>
        %add3A_547 = arith.addi %add3A_546, %shift_right_arithmetic3A_4 : vector<16xi32>
        %gather3A_548 = tpu.vector_load_idx %arg9[%add3A_547, %and3A_2] : memref<1280x8xf32, #tpu.memory_space<vmem>>[vector<16xi32>, vector<16xi32>], vector<16xf32>,
        %gather3A_549 = vector.shape_cast %reshape3A_43 : vector<16x1xi32> to vector<16xi32>
        %gather3A_550 = tpu.dynamic_gather %mul3A_489[%gather3A_549] in [0] : vector<16xi32>, vector<16xi32> -> vector<16xi32>
        %or3A_551 = arith.ori %gather3A_550, %and3A_2 : vector<16xi32>
        %add3A_552 = arith.constant 14 : i32
        %add3A_553 = arith.addi %add3A_486, %add3A_552 : i32
        %add3A_554 = vector.broadcast %add3A_553 : i32 to vector<16xi32>
        %add3A_555 = arith.addi %add3A_554, %shift_right_arithmetic3A_4 : vector<16xi32>
        %gather3A_556 = tpu.vector_load_idx %arg9[%add3A_555, %and3A_2] : memref<1280x8xf32, #tpu.memory_space<vmem>>[vector<16xi32>, vector<16xi32>], vector<16xf32>,
        %gather3A_557 = vector.shape_cast %reshape3A_15 : vector<16x1xi32> to vector<16xi32>
        %gather3A_558 = tpu.dynamic_gather %mul3A_492[%gather3A_557] in [0] : vector<16xi32>, vector<16xi32> -> vector<16xi32>
        %or3A_559 = arith.ori %gather3A_558, %and3A_2 : vector<16xi32>
        %add3A_560 = arith.constant 16 : i32
        %add3A_561 = arith.addi %add3A_486, %add3A_560 : i32
        %add3A_562 = vector.broadcast %add3A_561 : i32 to vector<16xi32>
        %add3A_563 = arith.addi %add3A_562, %shift_right_arithmetic3A_4 : vector<16xi32>
        %gather3A_564 = tpu.vector_load_idx %arg9[%add3A_563, %and3A_2] : memref<1280x8xf32, #tpu.memory_space<vmem>>[vector<16xi32>, vector<16xi32>], vector<16xf32>,
        %gather3A_565 = vector.shape_cast %reshape3A_19 : vector<16x1xi32> to vector<16xi32>
        %gather3A_566 = tpu.dynamic_gather %mul3A_492[%gather3A_565] in [0] : vector<16xi32>, vector<16xi32> -> vector<16xi32>
        %or3A_567 = arith.ori %gather3A_566, %and3A_2 : vector<16xi32>
        %add3A_568 = arith.constant 18 : i32
        %add3A_569 = arith.addi %add3A_486, %add3A_568 : i32
        %add3A_570 = vector.broadcast %add3A_569 : i32 to vector<16xi32>
        %add3A_571 = arith.addi %add3A_570, %shift_right_arithmetic3A_4 : vector<16xi32>
        %gather3A_572 = tpu.vector_load_idx %arg9[%add3A_571, %and3A_2] : memref<1280x8xf32, #tpu.memory_space<vmem>>[vector<16xi32>, vector<16xi32>], vector<16xf32>,
        %gather3A_573 = vector.shape_cast %reshape3A_23 : vector<16x1xi32> to vector<16xi32>
        %gather3A_574 = tpu.dynamic_gather %mul3A_492[%gather3A_573] in [0] : vector<16xi32>, vector<16xi32> -> vector<16xi32>
        %or3A_575 = arith.ori %gather3A_574, %and3A_2 : vector<16xi32>
        %add3A_576 = arith.constant 20 : i32
        %add3A_577 = arith.addi %add3A_486, %add3A_576 : i32
        %add3A_578 = vector.broadcast %add3A_577 : i32 to vector<16xi32>
        %add3A_579 = arith.addi %add3A_578, %shift_right_arithmetic3A_4 : vector<16xi32>
        %gather3A_580 = tpu.vector_load_idx %arg9[%add3A_579, %and3A_2] : memref<1280x8xf32, #tpu.memory_space<vmem>>[vector<16xi32>, vector<16xi32>], vector<16xf32>,
        %gather3A_581 = vector.shape_cast %reshape3A_27 : vector<16x1xi32> to vector<16xi32>
        %gather3A_582 = tpu.dynamic_gather %mul3A_492[%gather3A_581] in [0] : vector<16xi32>, vector<16xi32> -> vector<16xi32>
        %or3A_583 = arith.ori %gather3A_582, %and3A_2 : vector<16xi32>
        %add3A_584 = arith.constant 22 : i32
        %add3A_585 = arith.addi %add3A_486, %add3A_584 : i32
        %add3A_586 = vector.broadcast %add3A_585 : i32 to vector<16xi32>
        %add3A_587 = arith.addi %add3A_586, %shift_right_arithmetic3A_4 : vector<16xi32>
        %gather3A_588 = tpu.vector_load_idx %arg9[%add3A_587, %and3A_2] : memref<1280x8xf32, #tpu.memory_space<vmem>>[vector<16xi32>, vector<16xi32>], vector<16xf32>,
        %gather3A_589 = vector.shape_cast %reshape3A_31 : vector<16x1xi32> to vector<16xi32>
        %gather3A_590 = tpu.dynamic_gather %mul3A_492[%gather3A_589] in [0] : vector<16xi32>, vector<16xi32> -> vector<16xi32>
        %or3A_591 = arith.ori %gather3A_590, %and3A_2 : vector<16xi32>
        %add3A_592 = arith.constant 24 : i32
        %add3A_593 = arith.addi %add3A_486, %add3A_592 : i32
        %add3A_594 = vector.broadcast %add3A_593 : i32 to vector<16xi32>
        %add3A_595 = arith.addi %add3A_594, %shift_right_arithmetic3A_4 : vector<16xi32>
        %gather3A_596 = tpu.vector_load_idx %arg9[%add3A_595, %and3A_2] : memref<1280x8xf32, #tpu.memory_space<vmem>>[vector<16xi32>, vector<16xi32>], vector<16xf32>,
        %gather3A_597 = vector.shape_cast %reshape3A_35 : vector<16x1xi32> to vector<16xi32>
        %gather3A_598 = tpu.dynamic_gather %mul3A_492[%gather3A_597] in [0] : vector<16xi32>, vector<16xi32> -> vector<16xi32>
        %or3A_599 = arith.ori %gather3A_598, %and3A_2 : vector<16xi32>
        %add3A_600 = arith.constant 26 : i32
        %add3A_601 = arith.addi %add3A_486, %add3A_600 : i32
        %add3A_602 = vector.broadcast %add3A_601 : i32 to vector<16xi32>
        %add3A_603 = arith.addi %add3A_602, %shift_right_arithmetic3A_4 : vector<16xi32>
        %gather3A_604 = tpu.vector_load_idx %arg9[%add3A_603, %and3A_2] : memref<1280x8xf32, #tpu.memory_space<vmem>>[vector<16xi32>, vector<16xi32>], vector<16xf32>,
        %gather3A_605 = vector.shape_cast %reshape3A_39 : vector<16x1xi32> to vector<16xi32>
        %gather3A_606 = tpu.dynamic_gather %mul3A_492[%gather3A_605] in [0] : vector<16xi32>, vector<16xi32> -> vector<16xi32>
        %or3A_607 = arith.ori %gather3A_606, %and3A_2 : vector<16xi32>
        %add3A_608 = arith.constant 28 : i32
        %add3A_609 = arith.addi %add3A_486, %add3A_608 : i32
        %add3A_610 = vector.broadcast %add3A_609 : i32 to vector<16xi32>
        %add3A_611 = arith.addi %add3A_610, %shift_right_arithmetic3A_4 : vector<16xi32>
        %gather3A_612 = tpu.vector_load_idx %arg9[%add3A_611, %and3A_2] : memref<1280x8xf32, #tpu.memory_space<vmem>>[vector<16xi32>, vector<16xi32>], vector<16xf32>,
        %gather3A_613 = vector.shape_cast %reshape3A_43 : vector<16x1xi32> to vector<16xi32>
        %gather3A_614 = tpu.dynamic_gather %mul3A_492[%gather3A_613] in [0] : vector<16xi32>, vector<16xi32> -> vector<16xi32>
        %or3A_615 = arith.ori %gather3A_614, %and3A_2 : vector<16xi32>
        %add3A_616 = arith.constant 30 : i32
        %add3A_617 = arith.addi %add3A_486, %add3A_616 : i32
        %add3A_618 = vector.broadcast %add3A_617 : i32 to vector<16xi32>
        %add3A_619 = arith.addi %add3A_618, %shift_right_arithmetic3A_4 : vector<16xi32>
        %gather3A_620 = tpu.vector_load_idx %arg9[%add3A_619, %and3A_2] : memref<1280x8xf32, #tpu.memory_space<vmem>>[vector<16xi32>, vector<16xi32>], vector<16xf32>,
        %add3A_621 = arith.constant 32 : i32
        %add3A_622 = arith.addi %add3A_486, %add3A_621 : i32
        %get3A_623 = arith.index_cast %add3A_622 : i32 to index
        %get3A_624 = tpu.vector_load %arg8[%get3A_623] {strides = array<i32>} : memref<1328xi32, #tpu.memory_space<vmem>>, vector<16xi32>,
        %add3A_625 = arith.constant 48 : i32
        %add3A_626 = arith.addi %add3A_486, %add3A_625 : i32
        %get3A_627 = arith.index_cast %add3A_626 : i32 to index
        %get3A_628 = tpu.vector_load %arg8[%get3A_627] {strides = array<i32>} : memref<1328xi32, #tpu.memory_space<vmem>>, vector<16xi32>,
        %and3A_629 = arith.constant 16383 : i32
        %and3A_630 = vector.broadcast %and3A_629 : i32 to vector<16xi32>
        %and3A_631 = arith.andi %get3A_624, %and3A_630 : vector<16xi32>
        %and3A_632 = arith.constant 16383 : i32
        %and3A_633 = vector.broadcast %and3A_632 : i32 to vector<16xi32>
        %and3A_634 = arith.andi %get3A_628, %and3A_633 : vector<16xi32>
        tpu.vector_store_idx %arg11[%and3A_631], %iota3A : memref<16384xi32, #tpu.memory_space<vmem>>[vector<16xi32>], vector<16xi32>,
        tpu.vector_store_idx %arg11[%and3A_634], %add3A_46 : memref<16384xi32, #tpu.memory_space<vmem>>[vector<16xi32>], vector<16xi32>,
        %gather3A_635 = tpu.vector_load_idx %arg11[%and3A_631] : memref<16384xi32, #tpu.memory_space<vmem>>[vector<16xi32>], vector<16xi32>,
        %gather3A_636 = tpu.vector_load_idx %arg11[%and3A_634] : memref<16384xi32, #tpu.memory_space<vmem>>[vector<16xi32>], vector<16xi32>,
        %ne3A_637 = arith.cmpi ne, %gather3A_635, %iota3A : vector<16xi32>
        %ne3A_638 = arith.cmpi ne, %gather3A_636, %add3A_46 : vector<16xi32>
        %or3A_639 = arith.ori %ne3A_637, %ne3A_638 : vector<16xi1>
        %jit3A_640 = arith.constant 1 : i32
        %jit3A_641 = arith.constant 0 : i32
        %broadcast_in_dim3A_642 = vector.broadcast %jit3A_640 : i32 to vector<16xi32>
        %broadcast_in_dim3A_643 = vector.broadcast %jit3A_641 : i32 to vector<16xi32>
        %select_n3A_644 = arith.select %or3A_639, %broadcast_in_dim3A_642, %broadcast_in_dim3A_643 : vector<16xi1>, vector<16xi32>
        %reduce_max3A_645 = arith.constant true
        %reduce_max3A_646 = vector.broadcast %reduce_max3A_645 : i1 to vector<16xi1>
        %reduce_max3A_647 = arith.constant -2147483648 : i32
        %reduce_max3A_648 = vector.broadcast %reduce_max3A_647 : i32 to vector<16xi32>
        %reduce_max3A_649 = arith.xori %select_n3A_644, %reduce_max3A_648 : vector<16xi32>
        %reduce_max3A_650 = tpu.scan <max>, %reduce_max3A_649 masked %reduce_max3A_646 : vector<16xi32>, vector<16xi1> -> vector<16xi32>
        %reduce_max3A_651 = arith.xori %reduce_max3A_650, %reduce_max3A_648 : vector<16xi32>
        %reduce_max3A_652 = vector.extract %reduce_max3A_651[15] : i32 from vector<16xi32>
        %gt3A = arith.constant 0 : i32
        %gt3A_653 = arith.cmpi sgt, %scan3A_480, %gt3A : i32
        %convert_element_type3A = arith.extui %gt3A_653 : i1 to i32
        %cond3A = arith.constant 0 : i32
        %cond3A_654 = arith.cmpi ne, %convert_element_type3A, %cond3A : i32
        scf.if %cond3A_654 {
          %gather3A_655 = vector.shape_cast %reshape3A : vector<16x1xi32> to vector<16xi32>
          %gather3A_656 = tpu.dynamic_gather %gather3A_500[%gather3A_655] in [0] : vector<16xf32>, vector<16xi32> -> vector<16xf32>
          %gather3A_657 = vector.shape_cast %reshape3A : vector<16x1xi32> to vector<16xi32>
          %gather3A_658 = tpu.dynamic_gather %or3A_495[%gather3A_657] in [0] : vector<16xi32>, vector<16xi32> -> vector<16xi32>
          %eq3A = arith.cmpi eq, %or3A_495, %gather3A_658 : vector<16xi32>
          %max3A = arith.maximumf %gather3A_500, %gather3A_656 : vector<16xf32>
          %select_n3A_659 = arith.select %eq3A, %max3A, %gather3A_500 : vector<16xi1>, vector<16xf32>
          %gather3A_660 = tpu.vector_load_idx %arg10[%or3A_495] : memref<80000xf32, #tpu.memory_space<vmem>>[vector<16xi32>], vector<16xf32>,
          %max3A_661 = arith.maximumf %gather3A_660, %select_n3A_659 : vector<16xf32>
          tpu.vector_store_idx %arg10[%or3A_495], %max3A_661 : memref<80000xf32, #tpu.memory_space<vmem>>[vector<16xi32>], vector<16xf32>,
          %gather3A_662 = vector.shape_cast %reshape3A : vector<16x1xi32> to vector<16xi32>
          %gather3A_663 = tpu.dynamic_gather %gather3A_508[%gather3A_662] in [0] : vector<16xf32>, vector<16xi32> -> vector<16xf32>
          %gather3A_664 = vector.shape_cast %reshape3A : vector<16x1xi32> to vector<16xi32>
          %gather3A_665 = tpu.dynamic_gather %or3A_503[%gather3A_664] in [0] : vector<16xi32>, vector<16xi32> -> vector<16xi32>
          %eq3A_666 = arith.cmpi eq, %or3A_503, %gather3A_665 : vector<16xi32>
          %max3A_667 = arith.maximumf %gather3A_508, %gather3A_663 : vector<16xf32>
          %select_n3A_668 = arith.select %eq3A_666, %max3A_667, %gather3A_508 : vector<16xi1>, vector<16xf32>
          %gather3A_669 = tpu.vector_load_idx %arg10[%or3A_503] : memref<80000xf32, #tpu.memory_space<vmem>>[vector<16xi32>], vector<16xf32>,
          %max3A_670 = arith.maximumf %gather3A_669, %select_n3A_668 : vector<16xf32>
          tpu.vector_store_idx %arg10[%or3A_503], %max3A_670 : memref<80000xf32, #tpu.memory_space<vmem>>[vector<16xi32>], vector<16xf32>,
          %gather3A_671 = vector.shape_cast %reshape3A : vector<16x1xi32> to vector<16xi32>
          %gather3A_672 = tpu.dynamic_gather %gather3A_516[%gather3A_671] in [0] : vector<16xf32>, vector<16xi32> -> vector<16xf32>
          %gather3A_673 = vector.shape_cast %reshape3A : vector<16x1xi32> to vector<16xi32>
          %gather3A_674 = tpu.dynamic_gather %or3A_511[%gather3A_673] in [0] : vector<16xi32>, vector<16xi32> -> vector<16xi32>
          %eq3A_675 = arith.cmpi eq, %or3A_511, %gather3A_674 : vector<16xi32>
          %max3A_676 = arith.maximumf %gather3A_516, %gather3A_672 : vector<16xf32>
          %select_n3A_677 = arith.select %eq3A_675, %max3A_676, %gather3A_516 : vector<16xi1>, vector<16xf32>
          %gather3A_678 = tpu.vector_load_idx %arg10[%or3A_511] : memref<80000xf32, #tpu.memory_space<vmem>>[vector<16xi32>], vector<16xf32>,
          %max3A_679 = arith.maximumf %gather3A_678, %select_n3A_677 : vector<16xf32>
          tpu.vector_store_idx %arg10[%or3A_511], %max3A_679 : memref<80000xf32, #tpu.memory_space<vmem>>[vector<16xi32>], vector<16xf32>,
          %gather3A_680 = vector.shape_cast %reshape3A : vector<16x1xi32> to vector<16xi32>
          %gather3A_681 = tpu.dynamic_gather %gather3A_524[%gather3A_680] in [0] : vector<16xf32>, vector<16xi32> -> vector<16xf32>
          %gather3A_682 = vector.shape_cast %reshape3A : vector<16x1xi32> to vector<16xi32>
          %gather3A_683 = tpu.dynamic_gather %or3A_519[%gather3A_682] in [0] : vector<16xi32>, vector<16xi32> -> vector<16xi32>
          %eq3A_684 = arith.cmpi eq, %or3A_519, %gather3A_683 : vector<16xi32>
          %max3A_685 = arith.maximumf %gather3A_524, %gather3A_681 : vector<16xf32>
          %select_n3A_686 = arith.select %eq3A_684, %max3A_685, %gather3A_524 : vector<16xi1>, vector<16xf32>
          %gather3A_687 = tpu.vector_load_idx %arg10[%or3A_519] : memref<80000xf32, #tpu.memory_space<vmem>>[vector<16xi32>], vector<16xf32>,
          %max3A_688 = arith.maximumf %gather3A_687, %select_n3A_686 : vector<16xf32>
          tpu.vector_store_idx %arg10[%or3A_519], %max3A_688 : memref<80000xf32, #tpu.memory_space<vmem>>[vector<16xi32>], vector<16xf32>,
          %gather3A_689 = vector.shape_cast %reshape3A : vector<16x1xi32> to vector<16xi32>
          %gather3A_690 = tpu.dynamic_gather %gather3A_532[%gather3A_689] in [0] : vector<16xf32>, vector<16xi32> -> vector<16xf32>
          %gather3A_691 = vector.shape_cast %reshape3A : vector<16x1xi32> to vector<16xi32>
          %gather3A_692 = tpu.dynamic_gather %or3A_527[%gather3A_691] in [0] : vector<16xi32>, vector<16xi32> -> vector<16xi32>
          %eq3A_693 = arith.cmpi eq, %or3A_527, %gather3A_692 : vector<16xi32>
          %max3A_694 = arith.maximumf %gather3A_532, %gather3A_690 : vector<16xf32>
          %select_n3A_695 = arith.select %eq3A_693, %max3A_694, %gather3A_532 : vector<16xi1>, vector<16xf32>
          %gather3A_696 = tpu.vector_load_idx %arg10[%or3A_527] : memref<80000xf32, #tpu.memory_space<vmem>>[vector<16xi32>], vector<16xf32>,
          %max3A_697 = arith.maximumf %gather3A_696, %select_n3A_695 : vector<16xf32>
          tpu.vector_store_idx %arg10[%or3A_527], %max3A_697 : memref<80000xf32, #tpu.memory_space<vmem>>[vector<16xi32>], vector<16xf32>,
          %gather3A_698 = vector.shape_cast %reshape3A : vector<16x1xi32> to vector<16xi32>
          %gather3A_699 = tpu.dynamic_gather %gather3A_540[%gather3A_698] in [0] : vector<16xf32>, vector<16xi32> -> vector<16xf32>
          %gather3A_700 = vector.shape_cast %reshape3A : vector<16x1xi32> to vector<16xi32>
          %gather3A_701 = tpu.dynamic_gather %or3A_535[%gather3A_700] in [0] : vector<16xi32>, vector<16xi32> -> vector<16xi32>
          %eq3A_702 = arith.cmpi eq, %or3A_535, %gather3A_701 : vector<16xi32>
          %max3A_703 = arith.maximumf %gather3A_540, %gather3A_699 : vector<16xf32>
          %select_n3A_704 = arith.select %eq3A_702, %max3A_703, %gather3A_540 : vector<16xi1>, vector<16xf32>
          %gather3A_705 = tpu.vector_load_idx %arg10[%or3A_535] : memref<80000xf32, #tpu.memory_space<vmem>>[vector<16xi32>], vector<16xf32>,
          %max3A_706 = arith.maximumf %gather3A_705, %select_n3A_704 : vector<16xf32>
          tpu.vector_store_idx %arg10[%or3A_535], %max3A_706 : memref<80000xf32, #tpu.memory_space<vmem>>[vector<16xi32>], vector<16xf32>,
          %gather3A_707 = vector.shape_cast %reshape3A : vector<16x1xi32> to vector<16xi32>
          %gather3A_708 = tpu.dynamic_gather %gather3A_548[%gather3A_707] in [0] : vector<16xf32>, vector<16xi32> -> vector<16xf32>
          %gather3A_709 = vector.shape_cast %reshape3A : vector<16x1xi32> to vector<16xi32>
          %gather3A_710 = tpu.dynamic_gather %or3A_543[%gather3A_709] in [0] : vector<16xi32>, vector<16xi32> -> vector<16xi32>
          %eq3A_711 = arith.cmpi eq, %or3A_543, %gather3A_710 : vector<16xi32>
          %max3A_712 = arith.maximumf %gather3A_548, %gather3A_708 : vector<16xf32>
          %select_n3A_713 = arith.select %eq3A_711, %max3A_712, %gather3A_548 : vector<16xi1>, vector<16xf32>
          %gather3A_714 = tpu.vector_load_idx %arg10[%or3A_543] : memref<80000xf32, #tpu.memory_space<vmem>>[vector<16xi32>], vector<16xf32>,
          %max3A_715 = arith.maximumf %gather3A_714, %select_n3A_713 : vector<16xf32>
          tpu.vector_store_idx %arg10[%or3A_543], %max3A_715 : memref<80000xf32, #tpu.memory_space<vmem>>[vector<16xi32>], vector<16xf32>,
          %gather3A_716 = vector.shape_cast %reshape3A : vector<16x1xi32> to vector<16xi32>
          %gather3A_717 = tpu.dynamic_gather %gather3A_556[%gather3A_716] in [0] : vector<16xf32>, vector<16xi32> -> vector<16xf32>
          %gather3A_718 = vector.shape_cast %reshape3A : vector<16x1xi32> to vector<16xi32>
          %gather3A_719 = tpu.dynamic_gather %or3A_551[%gather3A_718] in [0] : vector<16xi32>, vector<16xi32> -> vector<16xi32>
          %eq3A_720 = arith.cmpi eq, %or3A_551, %gather3A_719 : vector<16xi32>
          %max3A_721 = arith.maximumf %gather3A_556, %gather3A_717 : vector<16xf32>
          %select_n3A_722 = arith.select %eq3A_720, %max3A_721, %gather3A_556 : vector<16xi1>, vector<16xf32>
          %gather3A_723 = tpu.vector_load_idx %arg10[%or3A_551] : memref<80000xf32, #tpu.memory_space<vmem>>[vector<16xi32>], vector<16xf32>,
          %max3A_724 = arith.maximumf %gather3A_723, %select_n3A_722 : vector<16xf32>
          tpu.vector_store_idx %arg10[%or3A_551], %max3A_724 : memref<80000xf32, #tpu.memory_space<vmem>>[vector<16xi32>], vector<16xf32>,
          %gather3A_725 = vector.shape_cast %reshape3A : vector<16x1xi32> to vector<16xi32>
          %gather3A_726 = tpu.dynamic_gather %gather3A_564[%gather3A_725] in [0] : vector<16xf32>, vector<16xi32> -> vector<16xf32>
          %gather3A_727 = vector.shape_cast %reshape3A : vector<16x1xi32> to vector<16xi32>
          %gather3A_728 = tpu.dynamic_gather %or3A_559[%gather3A_727] in [0] : vector<16xi32>, vector<16xi32> -> vector<16xi32>
          %eq3A_729 = arith.cmpi eq, %or3A_559, %gather3A_728 : vector<16xi32>
          %max3A_730 = arith.maximumf %gather3A_564, %gather3A_726 : vector<16xf32>
          %select_n3A_731 = arith.select %eq3A_729, %max3A_730, %gather3A_564 : vector<16xi1>, vector<16xf32>
          %gather3A_732 = tpu.vector_load_idx %arg10[%or3A_559] : memref<80000xf32, #tpu.memory_space<vmem>>[vector<16xi32>], vector<16xf32>,
          %max3A_733 = arith.maximumf %gather3A_732, %select_n3A_731 : vector<16xf32>
          tpu.vector_store_idx %arg10[%or3A_559], %max3A_733 : memref<80000xf32, #tpu.memory_space<vmem>>[vector<16xi32>], vector<16xf32>,
          %gather3A_734 = vector.shape_cast %reshape3A : vector<16x1xi32> to vector<16xi32>
          %gather3A_735 = tpu.dynamic_gather %gather3A_572[%gather3A_734] in [0] : vector<16xf32>, vector<16xi32> -> vector<16xf32>
          %gather3A_736 = vector.shape_cast %reshape3A : vector<16x1xi32> to vector<16xi32>
          %gather3A_737 = tpu.dynamic_gather %or3A_567[%gather3A_736] in [0] : vector<16xi32>, vector<16xi32> -> vector<16xi32>
          %eq3A_738 = arith.cmpi eq, %or3A_567, %gather3A_737 : vector<16xi32>
          %max3A_739 = arith.maximumf %gather3A_572, %gather3A_735 : vector<16xf32>
          %select_n3A_740 = arith.select %eq3A_738, %max3A_739, %gather3A_572 : vector<16xi1>, vector<16xf32>
          %gather3A_741 = tpu.vector_load_idx %arg10[%or3A_567] : memref<80000xf32, #tpu.memory_space<vmem>>[vector<16xi32>], vector<16xf32>,
          %max3A_742 = arith.maximumf %gather3A_741, %select_n3A_740 : vector<16xf32>
          tpu.vector_store_idx %arg10[%or3A_567], %max3A_742 : memref<80000xf32, #tpu.memory_space<vmem>>[vector<16xi32>], vector<16xf32>,
          %gather3A_743 = vector.shape_cast %reshape3A : vector<16x1xi32> to vector<16xi32>
          %gather3A_744 = tpu.dynamic_gather %gather3A_580[%gather3A_743] in [0] : vector<16xf32>, vector<16xi32> -> vector<16xf32>
          %gather3A_745 = vector.shape_cast %reshape3A : vector<16x1xi32> to vector<16xi32>
          %gather3A_746 = tpu.dynamic_gather %or3A_575[%gather3A_745] in [0] : vector<16xi32>, vector<16xi32> -> vector<16xi32>
          %eq3A_747 = arith.cmpi eq, %or3A_575, %gather3A_746 : vector<16xi32>
          %max3A_748 = arith.maximumf %gather3A_580, %gather3A_744 : vector<16xf32>
          %select_n3A_749 = arith.select %eq3A_747, %max3A_748, %gather3A_580 : vector<16xi1>, vector<16xf32>
          %gather3A_750 = tpu.vector_load_idx %arg10[%or3A_575] : memref<80000xf32, #tpu.memory_space<vmem>>[vector<16xi32>], vector<16xf32>,
          %max3A_751 = arith.maximumf %gather3A_750, %select_n3A_749 : vector<16xf32>
          tpu.vector_store_idx %arg10[%or3A_575], %max3A_751 : memref<80000xf32, #tpu.memory_space<vmem>>[vector<16xi32>], vector<16xf32>,
          %gather3A_752 = vector.shape_cast %reshape3A : vector<16x1xi32> to vector<16xi32>
          %gather3A_753 = tpu.dynamic_gather %gather3A_588[%gather3A_752] in [0] : vector<16xf32>, vector<16xi32> -> vector<16xf32>
          %gather3A_754 = vector.shape_cast %reshape3A : vector<16x1xi32> to vector<16xi32>
          %gather3A_755 = tpu.dynamic_gather %or3A_583[%gather3A_754] in [0] : vector<16xi32>, vector<16xi32> -> vector<16xi32>
          %eq3A_756 = arith.cmpi eq, %or3A_583, %gather3A_755 : vector<16xi32>
          %max3A_757 = arith.maximumf %gather3A_588, %gather3A_753 : vector<16xf32>
          %select_n3A_758 = arith.select %eq3A_756, %max3A_757, %gather3A_588 : vector<16xi1>, vector<16xf32>
          %gather3A_759 = tpu.vector_load_idx %arg10[%or3A_583] : memref<80000xf32, #tpu.memory_space<vmem>>[vector<16xi32>], vector<16xf32>,
          %max3A_760 = arith.maximumf %gather3A_759, %select_n3A_758 : vector<16xf32>
          tpu.vector_store_idx %arg10[%or3A_583], %max3A_760 : memref<80000xf32, #tpu.memory_space<vmem>>[vector<16xi32>], vector<16xf32>,
          %gather3A_761 = vector.shape_cast %reshape3A : vector<16x1xi32> to vector<16xi32>
          %gather3A_762 = tpu.dynamic_gather %gather3A_596[%gather3A_761] in [0] : vector<16xf32>, vector<16xi32> -> vector<16xf32>
          %gather3A_763 = vector.shape_cast %reshape3A : vector<16x1xi32> to vector<16xi32>
          %gather3A_764 = tpu.dynamic_gather %or3A_591[%gather3A_763] in [0] : vector<16xi32>, vector<16xi32> -> vector<16xi32>
          %eq3A_765 = arith.cmpi eq, %or3A_591, %gather3A_764 : vector<16xi32>
          %max3A_766 = arith.maximumf %gather3A_596, %gather3A_762 : vector<16xf32>
          %select_n3A_767 = arith.select %eq3A_765, %max3A_766, %gather3A_596 : vector<16xi1>, vector<16xf32>
          %gather3A_768 = tpu.vector_load_idx %arg10[%or3A_591] : memref<80000xf32, #tpu.memory_space<vmem>>[vector<16xi32>], vector<16xf32>,
          %max3A_769 = arith.maximumf %gather3A_768, %select_n3A_767 : vector<16xf32>
          tpu.vector_store_idx %arg10[%or3A_591], %max3A_769 : memref<80000xf32, #tpu.memory_space<vmem>>[vector<16xi32>], vector<16xf32>,
          %gather3A_770 = vector.shape_cast %reshape3A : vector<16x1xi32> to vector<16xi32>
          %gather3A_771 = tpu.dynamic_gather %gather3A_604[%gather3A_770] in [0] : vector<16xf32>, vector<16xi32> -> vector<16xf32>
          %gather3A_772 = vector.shape_cast %reshape3A : vector<16x1xi32> to vector<16xi32>
          %gather3A_773 = tpu.dynamic_gather %or3A_599[%gather3A_772] in [0] : vector<16xi32>, vector<16xi32> -> vector<16xi32>
          %eq3A_774 = arith.cmpi eq, %or3A_599, %gather3A_773 : vector<16xi32>
          %max3A_775 = arith.maximumf %gather3A_604, %gather3A_771 : vector<16xf32>
          %select_n3A_776 = arith.select %eq3A_774, %max3A_775, %gather3A_604 : vector<16xi1>, vector<16xf32>
          %gather3A_777 = tpu.vector_load_idx %arg10[%or3A_599] : memref<80000xf32, #tpu.memory_space<vmem>>[vector<16xi32>], vector<16xf32>,
          %max3A_778 = arith.maximumf %gather3A_777, %select_n3A_776 : vector<16xf32>
          tpu.vector_store_idx %arg10[%or3A_599], %max3A_778 : memref<80000xf32, #tpu.memory_space<vmem>>[vector<16xi32>], vector<16xf32>,
          %gather3A_779 = vector.shape_cast %reshape3A : vector<16x1xi32> to vector<16xi32>
          %gather3A_780 = tpu.dynamic_gather %gather3A_612[%gather3A_779] in [0] : vector<16xf32>, vector<16xi32> -> vector<16xf32>
          %gather3A_781 = vector.shape_cast %reshape3A : vector<16x1xi32> to vector<16xi32>
          %gather3A_782 = tpu.dynamic_gather %or3A_607[%gather3A_781] in [0] : vector<16xi32>, vector<16xi32> -> vector<16xi32>
          %eq3A_783 = arith.cmpi eq, %or3A_607, %gather3A_782 : vector<16xi32>
          %max3A_784 = arith.maximumf %gather3A_612, %gather3A_780 : vector<16xf32>
          %select_n3A_785 = arith.select %eq3A_783, %max3A_784, %gather3A_612 : vector<16xi1>, vector<16xf32>
          %gather3A_786 = tpu.vector_load_idx %arg10[%or3A_607] : memref<80000xf32, #tpu.memory_space<vmem>>[vector<16xi32>], vector<16xf32>,
          %max3A_787 = arith.maximumf %gather3A_786, %select_n3A_785 : vector<16xf32>
          tpu.vector_store_idx %arg10[%or3A_607], %max3A_787 : memref<80000xf32, #tpu.memory_space<vmem>>[vector<16xi32>], vector<16xf32>,
          %gather3A_788 = vector.shape_cast %reshape3A : vector<16x1xi32> to vector<16xi32>
          %gather3A_789 = tpu.dynamic_gather %gather3A_620[%gather3A_788] in [0] : vector<16xf32>, vector<16xi32> -> vector<16xf32>
          %gather3A_790 = vector.shape_cast %reshape3A : vector<16x1xi32> to vector<16xi32>
          %gather3A_791 = tpu.dynamic_gather %or3A_615[%gather3A_790] in [0] : vector<16xi32>, vector<16xi32> -> vector<16xi32>
          %eq3A_792 = arith.cmpi eq, %or3A_615, %gather3A_791 : vector<16xi32>
          %max3A_793 = arith.maximumf %gather3A_620, %gather3A_789 : vector<16xf32>
          %select_n3A_794 = arith.select %eq3A_792, %max3A_793, %gather3A_620 : vector<16xi1>, vector<16xf32>
          %gather3A_795 = tpu.vector_load_idx %arg10[%or3A_615] : memref<80000xf32, #tpu.memory_space<vmem>>[vector<16xi32>], vector<16xf32>,
          %max3A_796 = arith.maximumf %gather3A_795, %select_n3A_794 : vector<16xf32>
          tpu.vector_store_idx %arg10[%or3A_615], %max3A_796 : memref<80000xf32, #tpu.memory_space<vmem>>[vector<16xi32>], vector<16xf32>,
        } else {
          %gather3A_655 = tpu.vector_load_idx %arg10[%or3A_495] : memref<80000xf32, #tpu.memory_space<vmem>>[vector<16xi32>], vector<16xf32>,
          %gather3A_656 = tpu.vector_load_idx %arg10[%or3A_503] : memref<80000xf32, #tpu.memory_space<vmem>>[vector<16xi32>], vector<16xf32>,
          %gather3A_657 = tpu.vector_load_idx %arg10[%or3A_511] : memref<80000xf32, #tpu.memory_space<vmem>>[vector<16xi32>], vector<16xf32>,
          %gather3A_658 = tpu.vector_load_idx %arg10[%or3A_519] : memref<80000xf32, #tpu.memory_space<vmem>>[vector<16xi32>], vector<16xf32>,
          %gather3A_659 = tpu.vector_load_idx %arg10[%or3A_527] : memref<80000xf32, #tpu.memory_space<vmem>>[vector<16xi32>], vector<16xf32>,
          %gather3A_660 = tpu.vector_load_idx %arg10[%or3A_535] : memref<80000xf32, #tpu.memory_space<vmem>>[vector<16xi32>], vector<16xf32>,
          %gather3A_661 = tpu.vector_load_idx %arg10[%or3A_543] : memref<80000xf32, #tpu.memory_space<vmem>>[vector<16xi32>], vector<16xf32>,
          %gather3A_662 = tpu.vector_load_idx %arg10[%or3A_551] : memref<80000xf32, #tpu.memory_space<vmem>>[vector<16xi32>], vector<16xf32>,
          %max3A = arith.maximumf %gather3A_655, %gather3A_500 : vector<16xf32>
          tpu.vector_store_idx %arg10[%or3A_495], %max3A : memref<80000xf32, #tpu.memory_space<vmem>>[vector<16xi32>], vector<16xf32>,
          %max3A_663 = arith.maximumf %gather3A_656, %gather3A_508 : vector<16xf32>
          tpu.vector_store_idx %arg10[%or3A_503], %max3A_663 : memref<80000xf32, #tpu.memory_space<vmem>>[vector<16xi32>], vector<16xf32>,
          %max3A_664 = arith.maximumf %gather3A_657, %gather3A_516 : vector<16xf32>
          tpu.vector_store_idx %arg10[%or3A_511], %max3A_664 : memref<80000xf32, #tpu.memory_space<vmem>>[vector<16xi32>], vector<16xf32>,
          %max3A_665 = arith.maximumf %gather3A_658, %gather3A_524 : vector<16xf32>
          tpu.vector_store_idx %arg10[%or3A_519], %max3A_665 : memref<80000xf32, #tpu.memory_space<vmem>>[vector<16xi32>], vector<16xf32>,
          %max3A_666 = arith.maximumf %gather3A_659, %gather3A_532 : vector<16xf32>
          tpu.vector_store_idx %arg10[%or3A_527], %max3A_666 : memref<80000xf32, #tpu.memory_space<vmem>>[vector<16xi32>], vector<16xf32>,
          %max3A_667 = arith.maximumf %gather3A_660, %gather3A_540 : vector<16xf32>
          tpu.vector_store_idx %arg10[%or3A_535], %max3A_667 : memref<80000xf32, #tpu.memory_space<vmem>>[vector<16xi32>], vector<16xf32>,
          %max3A_668 = arith.maximumf %gather3A_661, %gather3A_548 : vector<16xf32>
          tpu.vector_store_idx %arg10[%or3A_543], %max3A_668 : memref<80000xf32, #tpu.memory_space<vmem>>[vector<16xi32>], vector<16xf32>,
          %max3A_669 = arith.maximumf %gather3A_662, %gather3A_556 : vector<16xf32>
          tpu.vector_store_idx %arg10[%or3A_551], %max3A_669 : memref<80000xf32, #tpu.memory_space<vmem>>[vector<16xi32>], vector<16xf32>,
          %gather3A_670 = tpu.vector_load_idx %arg10[%or3A_559] : memref<80000xf32, #tpu.memory_space<vmem>>[vector<16xi32>], vector<16xf32>,
          %gather3A_671 = tpu.vector_load_idx %arg10[%or3A_567] : memref<80000xf32, #tpu.memory_space<vmem>>[vector<16xi32>], vector<16xf32>,
          %gather3A_672 = tpu.vector_load_idx %arg10[%or3A_575] : memref<80000xf32, #tpu.memory_space<vmem>>[vector<16xi32>], vector<16xf32>,
          %gather3A_673 = tpu.vector_load_idx %arg10[%or3A_583] : memref<80000xf32, #tpu.memory_space<vmem>>[vector<16xi32>], vector<16xf32>,
          %gather3A_674 = tpu.vector_load_idx %arg10[%or3A_591] : memref<80000xf32, #tpu.memory_space<vmem>>[vector<16xi32>], vector<16xf32>,
          %gather3A_675 = tpu.vector_load_idx %arg10[%or3A_599] : memref<80000xf32, #tpu.memory_space<vmem>>[vector<16xi32>], vector<16xf32>,
          %gather3A_676 = tpu.vector_load_idx %arg10[%or3A_607] : memref<80000xf32, #tpu.memory_space<vmem>>[vector<16xi32>], vector<16xf32>,
          %gather3A_677 = tpu.vector_load_idx %arg10[%or3A_615] : memref<80000xf32, #tpu.memory_space<vmem>>[vector<16xi32>], vector<16xf32>,
          %max3A_678 = arith.maximumf %gather3A_670, %gather3A_564 : vector<16xf32>
          tpu.vector_store_idx %arg10[%or3A_559], %max3A_678 : memref<80000xf32, #tpu.memory_space<vmem>>[vector<16xi32>], vector<16xf32>,
          %max3A_679 = arith.maximumf %gather3A_671, %gather3A_572 : vector<16xf32>
          tpu.vector_store_idx %arg10[%or3A_567], %max3A_679 : memref<80000xf32, #tpu.memory_space<vmem>>[vector<16xi32>], vector<16xf32>,
          %max3A_680 = arith.maximumf %gather3A_672, %gather3A_580 : vector<16xf32>
          tpu.vector_store_idx %arg10[%or3A_575], %max3A_680 : memref<80000xf32, #tpu.memory_space<vmem>>[vector<16xi32>], vector<16xf32>,
          %max3A_681 = arith.maximumf %gather3A_673, %gather3A_588 : vector<16xf32>
          tpu.vector_store_idx %arg10[%or3A_583], %max3A_681 : memref<80000xf32, #tpu.memory_space<vmem>>[vector<16xi32>], vector<16xf32>,
          %max3A_682 = arith.maximumf %gather3A_674, %gather3A_596 : vector<16xf32>
          tpu.vector_store_idx %arg10[%or3A_591], %max3A_682 : memref<80000xf32, #tpu.memory_space<vmem>>[vector<16xi32>], vector<16xf32>,
          %max3A_683 = arith.maximumf %gather3A_675, %gather3A_604 : vector<16xf32>
          tpu.vector_store_idx %arg10[%or3A_599], %max3A_683 : memref<80000xf32, #tpu.memory_space<vmem>>[vector<16xi32>], vector<16xf32>,
          %max3A_684 = arith.maximumf %gather3A_676, %gather3A_612 : vector<16xf32>
          tpu.vector_store_idx %arg10[%or3A_607], %max3A_684 : memref<80000xf32, #tpu.memory_space<vmem>>[vector<16xi32>], vector<16xf32>,
          %max3A_685 = arith.maximumf %gather3A_677, %gather3A_620 : vector<16xf32>
          tpu.vector_store_idx %arg10[%or3A_615], %max3A_685 : memref<80000xf32, #tpu.memory_space<vmem>>[vector<16xi32>], vector<16xf32>,
        }
        scf.yield %reduce_max3A_652, %get3A_624, %get3A_628 : i32, vector<16xi32>, vector<16xi32>
      }
      %scan3A_454 = arith.constant 20 : i32
      %add3A_455 = arith.constant 2 : i32
      %add3A_456 = arith.addi %add3A_340, %add3A_455 : i32
      %min3A_457 = arith.constant 249 : i32
      %min3A_458 = arith.minsi %add3A_456, %min3A_457 : i32
      %dma_start3A_459 = arith.constant 640 : i32
      %dma_start3A_460 = tpu.memref_slice %arg6[%dma_start3A_459] : memref<1280xi32, #tpu.memory_space<vmem>> -> memref<640xi32, #tpu.memory_space<vmem>>
      %dma_start3A_461 = arith.constant 0 : i32
      %dma_start3A_462 = tpu.memref_slice %arg3[%min3A_458, %dma_start3A_461] : memref<250x640xi32, #tpu.memory_space<hbm>> -> memref<1x640xi32, #tpu.memory_space<hbm>>
      %dma_start3A_463 = tpu.memref_squeeze %dma_start3A_462 : memref<1x640xi32, #tpu.memory_space<hbm>> -> memref<640xi32, #tpu.memory_space<hbm>>
      %dma_start3A_464 = arith.constant 640 : i32
      %dma_start3A_465 = tpu.memref_slice %arg6[%dma_start3A_464] : memref<1280xi32, #tpu.memory_space<vmem>> -> memref<640xi32, #tpu.memory_space<vmem>>
      %dma_start3A_466 = arith.constant 0 : i32
      %dma_start3A_467 = tpu.memref_slice %arg3[%min3A_458, %dma_start3A_466] : memref<250x640xi32, #tpu.memory_space<hbm>> -> memref<1x640xi32, #tpu.memory_space<hbm>>
      %dma_start3A_468 = tpu.memref_squeeze %dma_start3A_467 : memref<1x640xi32, #tpu.memory_space<hbm>> -> memref<640xi32, #tpu.memory_space<hbm>>
      tpu.enqueue_dma source(%dma_start3A_468 : memref<640xi32, #tpu.memory_space<hbm>>) target(%dma_start3A_465 : memref<640xi32, #tpu.memory_space<vmem>>) target_semaphore(%arg13 : memref<!tpu.dma_semaphore, #tpu.memory_space<semaphore_mem>>)
      %dma_start3A_469 = arith.constant 640 : i32
      %dma_start3A_470 = tpu.memref_slice %arg8[%dma_start3A_469] : memref<1328xi32, #tpu.memory_space<vmem>> -> memref<640xi32, #tpu.memory_space<vmem>>
      %dma_start3A_471 = arith.constant 0 : i32
      %dma_start3A_472 = tpu.memref_slice %arg4[%min3A_458, %dma_start3A_471] : memref<250x640xi32, #tpu.memory_space<hbm>> -> memref<1x640xi32, #tpu.memory_space<hbm>>
      %dma_start3A_473 = tpu.memref_squeeze %dma_start3A_472 : memref<1x640xi32, #tpu.memory_space<hbm>> -> memref<640xi32, #tpu.memory_space<hbm>>
      %dma_start3A_474 = arith.constant 640 : i32
      %dma_start3A_475 = tpu.memref_slice %arg8[%dma_start3A_474] : memref<1328xi32, #tpu.memory_space<vmem>> -> memref<640xi32, #tpu.memory_space<vmem>>
      %dma_start3A_476 = arith.constant 0 : i32
      %dma_start3A_477 = tpu.memref_slice %arg4[%min3A_458, %dma_start3A_476] : memref<250x640xi32, #tpu.memory_space<hbm>> -> memref<1x640xi32, #tpu.memory_space<hbm>>
      %dma_start3A_478 = tpu.memref_squeeze %dma_start3A_477 : memref<1x640xi32, #tpu.memory_space<hbm>> -> memref<640xi32, #tpu.memory_space<hbm>>
      tpu.enqueue_dma source(%dma_start3A_478 : memref<640xi32, #tpu.memory_space<hbm>>) target(%dma_start3A_475 : memref<640xi32, #tpu.memory_space<vmem>>) target_semaphore(%arg13 : memref<!tpu.dma_semaphore, #tpu.memory_space<semaphore_mem>>)
    }
    %scan3A_162 = arith.constant 125 : i32
    %dma_wait3A_163 = arith.constant 0 : i32
    %dma_wait3A_164 = arith.constant 0 : i32
    %dma_wait3A_165 = tpu.memref_slice %arg9[%dma_wait3A_163, %dma_wait3A_164] : memref<1280x8xf32, #tpu.memory_space<vmem>> -> memref<640x8xf32, #tpu.memory_space<vmem>>
    %dma_wait3A_166 = arith.constant 0 : i32
    %dma_wait3A_167 = arith.constant 0 : i32
    %dma_wait3A_168 = tpu.memref_slice %arg2[%dma_wait3A_166, %dma_wait3A_167] : memref<320000x8xf32, #tpu.memory_space<hbm>> -> memref<640x8xf32, #tpu.memory_space<hbm>>
    %dma_wait3A_169 = arith.constant 0 : i32
    %dma_wait3A_170 = arith.constant 0 : i32
    %dma_wait3A_171 = tpu.memref_slice %arg9[%dma_wait3A_169, %dma_wait3A_170] : memref<1280x8xf32, #tpu.memory_space<vmem>> -> memref<640x8xf32, #tpu.memory_space<vmem>>
    %dma_wait3A_172 = arith.constant 0 : i32
    %dma_wait3A_173 = arith.constant 0 : i32
    %dma_wait3A_174 = tpu.memref_slice %arg2[%dma_wait3A_172, %dma_wait3A_173] : memref<320000x8xf32, #tpu.memory_space<hbm>> -> memref<640x8xf32, #tpu.memory_space<hbm>>
    tpu.wait_dma2 semaphore(%arg14 : memref<!tpu.dma_semaphore, #tpu.memory_space<semaphore_mem>>) src(%dma_wait3A_174 : memref<640x8xf32, #tpu.memory_space<hbm>>) dst(%dma_wait3A_171 : memref<640x8xf32, #tpu.memory_space<vmem>>)
    %dma_wait3A_175 = arith.constant 0 : i32
    %dma_wait3A_176 = arith.constant 640 : i32
    %dma_wait3A_177 = tpu.memref_slice %arg6[%dma_wait3A_176] : memref<1280xi32, #tpu.memory_space<vmem>> -> memref<640xi32, #tpu.memory_space<vmem>>
    %dma_wait3A_178 = arith.constant 0 : i32
    %dma_wait3A_179 = tpu.memref_slice %arg3[%dma_wait3A_175, %dma_wait3A_178] : memref<250x640xi32, #tpu.memory_space<hbm>> -> memref<1x640xi32, #tpu.memory_space<hbm>>
    %dma_wait3A_180 = tpu.memref_squeeze %dma_wait3A_179 : memref<1x640xi32, #tpu.memory_space<hbm>> -> memref<640xi32, #tpu.memory_space<hbm>>
    %dma_wait3A_181 = arith.constant 640 : i32
    %dma_wait3A_182 = tpu.memref_slice %arg6[%dma_wait3A_181] : memref<1280xi32, #tpu.memory_space<vmem>> -> memref<640xi32, #tpu.memory_space<vmem>>
    %dma_wait3A_183 = arith.constant 0 : i32
    %dma_wait3A_184 = tpu.memref_slice %arg3[%dma_wait3A_175, %dma_wait3A_183] : memref<250x640xi32, #tpu.memory_space<hbm>> -> memref<1x640xi32, #tpu.memory_space<hbm>>
    %dma_wait3A_185 = tpu.memref_squeeze %dma_wait3A_184 : memref<1x640xi32, #tpu.memory_space<hbm>> -> memref<640xi32, #tpu.memory_space<hbm>>
    tpu.wait_dma2 semaphore(%arg13 : memref<!tpu.dma_semaphore, #tpu.memory_space<semaphore_mem>>) src(%dma_wait3A_185 : memref<640xi32, #tpu.memory_space<hbm>>) dst(%dma_wait3A_182 : memref<640xi32, #tpu.memory_space<vmem>>)
    %dma_wait3A_186 = arith.constant 0 : i32
    %dma_wait3A_187 = arith.constant 640 : i32
    %dma_wait3A_188 = tpu.memref_slice %arg8[%dma_wait3A_187] : memref<1328xi32, #tpu.memory_space<vmem>> -> memref<640xi32, #tpu.memory_space<vmem>>
    %dma_wait3A_189 = arith.constant 0 : i32
    %dma_wait3A_190 = tpu.memref_slice %arg4[%dma_wait3A_186, %dma_wait3A_189] : memref<250x640xi32, #tpu.memory_space<hbm>> -> memref<1x640xi32, #tpu.memory_space<hbm>>
    %dma_wait3A_191 = tpu.memref_squeeze %dma_wait3A_190 : memref<1x640xi32, #tpu.memory_space<hbm>> -> memref<640xi32, #tpu.memory_space<hbm>>
    %dma_wait3A_192 = arith.constant 640 : i32
    %dma_wait3A_193 = tpu.memref_slice %arg8[%dma_wait3A_192] : memref<1328xi32, #tpu.memory_space<vmem>> -> memref<640xi32, #tpu.memory_space<vmem>>
    %dma_wait3A_194 = arith.constant 0 : i32
    %dma_wait3A_195 = tpu.memref_slice %arg4[%dma_wait3A_186, %dma_wait3A_194] : memref<250x640xi32, #tpu.memory_space<hbm>> -> memref<1x640xi32, #tpu.memory_space<hbm>>
    %dma_wait3A_196 = tpu.memref_squeeze %dma_wait3A_195 : memref<1x640xi32, #tpu.memory_space<hbm>> -> memref<640xi32, #tpu.memory_space<hbm>>
    tpu.wait_dma2 semaphore(%arg13 : memref<!tpu.dma_semaphore, #tpu.memory_space<semaphore_mem>>) src(%dma_wait3A_196 : memref<640xi32, #tpu.memory_space<hbm>>) dst(%dma_wait3A_193 : memref<640xi32, #tpu.memory_space<vmem>>)
    %scan3A_197 = arith.constant 0 : i32
    %scan3A_198 = arith.constant 0 : i32
    %scan3A_199 = arith.constant 5000 : i32
    %scan3A_200 = arith.addi %scan3A_198, %scan3A_199 : i32
    %scan3A_201 = arith.constant 4 : i32
    scf.for %scan3A_203 = %scan3A_198 to %scan3A_200 step %scan3A_201  : i32 {
      %mul3A_204 = arith.constant 16 : i32
      %mul3A_205 = arith.muli %scan3A_203, %mul3A_204 : i32
      %get3A = arith.index_cast %mul3A_205 : i32 to index
      %get3A_206 = tpu.vector_load %arg10[%get3A] {strides = array<i32>} : memref<80000xf32, #tpu.memory_space<vmem>>, vector<16xf32>,
      %eq3A = arith.constant 0xFF800000 : f32
      %eq3A_207 = vector.broadcast %eq3A : f32 to vector<16xf32>
      %eq3A_208 = arith.cmpf oeq, %get3A_206, %eq3A_207 : vector<16xf32>
      %jit3A = arith.constant 0.000000e+00 : f32
      %broadcast_in_dim3A = vector.broadcast %jit3A : f32 to vector<16xf32>
      %select_n3A = arith.select %eq3A_208, %broadcast_in_dim3A, %get3A_206 : vector<16xi1>, vector<16xf32>
      %mul3A_209 = arith.constant 16 : i32
      %mul3A_210 = arith.muli %scan3A_203, %mul3A_209 : i32
      %swap3A = arith.index_cast %mul3A_210 : i32 to index
      %swap3A_211 = tpu.vector_load %arg10[%swap3A] {strides = array<i32>} : memref<80000xf32, #tpu.memory_space<vmem>>, vector<16xf32>,
      tpu.vector_store %arg10[%swap3A], %select_n3A {strides = array<i32>} : memref<80000xf32, #tpu.memory_space<vmem>>, vector<16xf32>,
      %scan3A_212 = arith.constant 1 : i32
      %scan3A_213 = arith.addi %scan3A_203, %scan3A_212 : i32
      %mul3A_214 = arith.constant 16 : i32
      %mul3A_215 = arith.muli %scan3A_213, %mul3A_214 : i32
      %get3A_216 = arith.index_cast %mul3A_215 : i32 to index
      %get3A_217 = tpu.vector_load %arg10[%get3A_216] {strides = array<i32>} : memref<80000xf32, #tpu.memory_space<vmem>>, vector<16xf32>,
      %eq3A_218 = arith.constant 0xFF800000 : f32
      %eq3A_219 = vector.broadcast %eq3A_218 : f32 to vector<16xf32>
      %eq3A_220 = arith.cmpf oeq, %get3A_217, %eq3A_219 : vector<16xf32>
      %jit3A_221 = arith.constant 0.000000e+00 : f32
      %broadcast_in_dim3A_222 = vector.broadcast %jit3A_221 : f32 to vector<16xf32>
      %select_n3A_223 = arith.select %eq3A_220, %broadcast_in_dim3A_222, %get3A_217 : vector<16xi1>, vector<16xf32>
      %mul3A_224 = arith.constant 16 : i32
      %mul3A_225 = arith.muli %scan3A_213, %mul3A_224 : i32
      %swap3A_226 = arith.index_cast %mul3A_225 : i32 to index
      %swap3A_227 = tpu.vector_load %arg10[%swap3A_226] {strides = array<i32>} : memref<80000xf32, #tpu.memory_space<vmem>>, vector<16xf32>,
      tpu.vector_store %arg10[%swap3A_226], %select_n3A_223 {strides = array<i32>} : memref<80000xf32, #tpu.memory_space<vmem>>, vector<16xf32>,
      %scan3A_228 = arith.constant 2 : i32
      %scan3A_229 = arith.addi %scan3A_203, %scan3A_228 : i32
      %mul3A_230 = arith.constant 16 : i32
      %mul3A_231 = arith.muli %scan3A_229, %mul3A_230 : i32
      %get3A_232 = arith.index_cast %mul3A_231 : i32 to index
      %get3A_233 = tpu.vector_load %arg10[%get3A_232] {strides = array<i32>} : memref<80000xf32, #tpu.memory_space<vmem>>, vector<16xf32>,
      %eq3A_234 = arith.constant 0xFF800000 : f32
      %eq3A_235 = vector.broadcast %eq3A_234 : f32 to vector<16xf32>
      %eq3A_236 = arith.cmpf oeq, %get3A_233, %eq3A_235 : vector<16xf32>
      %jit3A_237 = arith.constant 0.000000e+00 : f32
      %broadcast_in_dim3A_238 = vector.broadcast %jit3A_237 : f32 to vector<16xf32>
      %select_n3A_239 = arith.select %eq3A_236, %broadcast_in_dim3A_238, %get3A_233 : vector<16xi1>, vector<16xf32>
      %mul3A_240 = arith.constant 16 : i32
      %mul3A_241 = arith.muli %scan3A_229, %mul3A_240 : i32
      %swap3A_242 = arith.index_cast %mul3A_241 : i32 to index
      %swap3A_243 = tpu.vector_load %arg10[%swap3A_242] {strides = array<i32>} : memref<80000xf32, #tpu.memory_space<vmem>>, vector<16xf32>,
      tpu.vector_store %arg10[%swap3A_242], %select_n3A_239 {strides = array<i32>} : memref<80000xf32, #tpu.memory_space<vmem>>, vector<16xf32>,
      %scan3A_244 = arith.constant 3 : i32
      %scan3A_245 = arith.addi %scan3A_203, %scan3A_244 : i32
      %mul3A_246 = arith.constant 16 : i32
      %mul3A_247 = arith.muli %scan3A_245, %mul3A_246 : i32
      %get3A_248 = arith.index_cast %mul3A_247 : i32 to index
      %get3A_249 = tpu.vector_load %arg10[%get3A_248] {strides = array<i32>} : memref<80000xf32, #tpu.memory_space<vmem>>, vector<16xf32>,
      %eq3A_250 = arith.constant 0xFF800000 : f32
      %eq3A_251 = vector.broadcast %eq3A_250 : f32 to vector<16xf32>
      %eq3A_252 = arith.cmpf oeq, %get3A_249, %eq3A_251 : vector<16xf32>
      %jit3A_253 = arith.constant 0.000000e+00 : f32
      %broadcast_in_dim3A_254 = vector.broadcast %jit3A_253 : f32 to vector<16xf32>
      %select_n3A_255 = arith.select %eq3A_252, %broadcast_in_dim3A_254, %get3A_249 : vector<16xi1>, vector<16xf32>
      %mul3A_256 = arith.constant 16 : i32
      %mul3A_257 = arith.muli %scan3A_245, %mul3A_256 : i32
      %swap3A_258 = arith.index_cast %mul3A_257 : i32 to index
      %swap3A_259 = tpu.vector_load %arg10[%swap3A_258] {strides = array<i32>} : memref<80000xf32, #tpu.memory_space<vmem>>, vector<16xf32>,
      tpu.vector_store %arg10[%swap3A_258], %select_n3A_255 {strides = array<i32>} : memref<80000xf32, #tpu.memory_space<vmem>>, vector<16xf32>,
    }
    %scan3A_202 = arith.constant 5000 : i32
    "tpu.region"() ({
      %run_scoped3A = tpu.sem_alloc : memref<!tpu.dma_semaphore, #tpu.memory_space<semaphore_mem>>
      %dma_start3A_203 = arith.constant 0 : i32
      %dma_start3A_204 = tpu.memref_slice %arg5[%add3A, %dma_start3A_203] : memref<32x80000xf32, #tpu.memory_space<hbm>> -> memref<1x80000xf32, #tpu.memory_space<hbm>>
      %dma_start3A_205 = tpu.memref_squeeze %dma_start3A_204 : memref<1x80000xf32, #tpu.memory_space<hbm>> -> memref<80000xf32, #tpu.memory_space<hbm>>
      %dma_start3A_206 = arith.constant 0 : i32
      %dma_start3A_207 = tpu.memref_slice %arg5[%add3A, %dma_start3A_206] : memref<32x80000xf32, #tpu.memory_space<hbm>> -> memref<1x80000xf32, #tpu.memory_space<hbm>>
      %dma_start3A_208 = tpu.memref_squeeze %dma_start3A_207 : memref<1x80000xf32, #tpu.memory_space<hbm>> -> memref<80000xf32, #tpu.memory_space<hbm>>
      tpu.enqueue_dma source(%arg10 : memref<80000xf32, #tpu.memory_space<vmem>>) target(%dma_start3A_208 : memref<80000xf32, #tpu.memory_space<hbm>>) target_semaphore(%run_scoped3A : memref<!tpu.dma_semaphore, #tpu.memory_space<semaphore_mem>>)
      %dma_wait3A_209 = arith.constant 0 : i32
      %dma_wait3A_210 = tpu.memref_slice %arg5[%add3A, %dma_wait3A_209] : memref<32x80000xf32, #tpu.memory_space<hbm>> -> memref<1x80000xf32, #tpu.memory_space<hbm>>
      %dma_wait3A_211 = tpu.memref_squeeze %dma_wait3A_210 : memref<1x80000xf32, #tpu.memory_space<hbm>> -> memref<80000xf32, #tpu.memory_space<hbm>>
      %dma_wait3A_212 = arith.constant 0 : i32
      %dma_wait3A_213 = tpu.memref_slice %arg5[%add3A, %dma_wait3A_212] : memref<32x80000xf32, #tpu.memory_space<hbm>> -> memref<1x80000xf32, #tpu.memory_space<hbm>>
      %dma_wait3A_214 = tpu.memref_squeeze %dma_wait3A_213 : memref<1x80000xf32, #tpu.memory_space<hbm>> -> memref<80000xf32, #tpu.memory_space<hbm>>
      tpu.wait_dma2 semaphore(%run_scoped3A : memref<!tpu.dma_semaphore, #tpu.memory_space<semaphore_mem>>) src(%arg10 : memref<80000xf32, #tpu.memory_space<vmem>>) dst(%dma_wait3A_214 : memref<80000xf32, #tpu.memory_space<hbm>>)
      tpu.yield
    }) : () -> ()
    return
  }
}

</mosaic_0001>

<sc_bundles>
// kernel: kernel.3.cloned.1.call-start
scs
__scs_entry_jumppad:
0x0: {  	(pc) =	sbr.rel $0x88, $3  }
0x1: {  	(tag) =	ssettag $0x0;
	lr =	simm.s32 $0x1  }
0x2: {  	[smem:$0x3F9F] =	sst lr;
	_ =	strace $0xD0000000  }
0x3: {  	_ = 	snop  }
0x4: {  	_ = 	snop  }
0x5: {  	_ = 	snop  }
0x6: {  	_ = 	snop  }
0x7: {  	_ = 	snop  }
__scs_overlays_trampoline_lowered:
0x8: {  	[smem:$0x3FAE] =	sst s0  }
0x9: {  	[smem:$0x3FAF] =	sst s1  }
0xa: {  	[smem:$0x3FB0] =	sst s2  }
0xb: {  	[smem:$0x3FB1] =	sst s3  }
0xc: {  	[smem:$0x3FB2] =	sst s4  }
0xd: {  	[smem:$0x3FB3] =	sst s5  }
0xe: {  	[smem:$0x3FB4] =	sst s6  }
0xf: {  	[smem:$0x3FB5] =	sst s7  }
0x10: {  	[smem:$0x3FB6] =	sst s8  }
0x11: {  	[smem:$0x3FB7] =	sst s9;
	s0 =	simm.s32 @!p0 $0x0  }
0x12: {  	s1 =	sld [smem:$0x3F9D];
	s0 =	simm.s32 @p0 $0x1  }
0x13: {  	[smem:$0x3FB8] =	sst s0;
	s0 =	simm.s32 @!p1 $0x0  }
0x14: {  	s2 =	sld [smem:$0x3F9C];
	s0 =	simm.s32 @p1 $0x1  }
0x15: {  	[smem:$0x3FB9] =	sst s0;
	s0 =	simm.s32 @!p2 $0x0  }
0x16: {  	s3 =	sld [smem:$0x3FDB];
	s0 =	simm.s32 @p2 $0x1  }
0x17: {  	s4 =	simm.s32 $0x1BF5;
	[smem:$0x3FBB] =	sst s0  }
0x18: {  	s0 =	sld [smem:$0x3F9E];
	_ =	swait.ge [sflag:s4], $0x0  }
0x19: {  	s7 =	sld [smem:$0x3F9F]  }
0x1a: {  	s8 =	sadd.s32 $0xFFFFE003, lr  }
0x1b: {  	s9 =	sadd.s32 $0xFFFFFEF7, lr;
	s5 =	simm.s32 $0xFFFFFFFF;
	p2 =	slt.u32 s8, $0xFFFFF086  }
0x1c: {  	p1 =	slt.u32 s9, $0xF7A;
	s5 =	simm.s32 @!p2 $0x0  }
0x1d: {  	s5 =	simm.s32 @p1 $0x1;
	p0 =	seq.s32 s7, s2  }
0x1e: {  	s7 =	smul.u32 @!p0 $0xF7A, s2;
	p2 =	seq.s32 @!p0 s5, $0x0  }
0x1f: {  	s9 =	smul.u32 $0xF7A, s1;
	s8 =	simm.s32 @!p0 $0x1BF5;
	p2 =	por !p2, p0  }
0x20: {  	[sflag:s8] =	ssyncset.s32 @!p0 $0xFFFFF086;
	s6 =	sadd.s32 @!p0 s3, s7;
	s7 =	simm.s32 @!p0 $0x108  }
0x21: {  	s3 =	sadd.s32 s3, s9;
	s6 =	sadd.s32 @!p0 $0x88, s6;
	s7 =	simm.s32 @p2 $0x1082  }
0x22: {  	[simem:s7], [sflag:s8] =	dma.local @!p0 [hbm:s6], $0xF7A  }
0x23: {  	s9 =	sor.u32 $0xD0000000, s2;
	s6 =	simm.s32 $0x108;
	_ =	swait.ge @!p0 [sflag:s8], $0x0  }
0x24: {  	s3 =	sadd.s32 $0x88, s3;
	s6 =	simm.s32 @!p1 $0x1082;
	[sflag:s4] =	ssyncset.s32 $0xFFFFF086  }
0x25: {  	[simem:s6], [sflag:s4] =	dma.local [hbm:s3], $0xF7A  }
0x26: {  	[smem:$0x3F9F] =	sst s1;
	(tag) =	ssettag s2;
	_ =	strace s9  }
0x27: {  	s1 =	sld [smem:$0x3FAF]  }
0x28: {  	s2 =	sld [smem:$0x3FB0]  }
0x29: {  	s4 =	sld [smem:$0x3FB2]  }
0x2a: {  	p0 =	seq.s32 s5, $0x0;
	s5 =	sld [smem:$0x3FB3]  }
0x2b: {  	s6 =	sld [smem:$0x3FB4]  }
0x2c: {  	s7 =	sld [smem:$0x3FB5]  }
0x2d: {  	s3 =	simm.s32 $0x108;
	s8 =	sld [smem:$0x3FB6]  }
0x2e: {  	s3 =	simm.s32 @!p0 $0x1082;
	s9 =	sld [smem:$0x3FB7]  }
0x2f: {  	lr =	sadd.s32 s0, s3;
	s0 =	sld [smem:$0x3FAE]  }
0x30: {  	s3 =	sld [smem:$0x3FB1]  }
0x31: {  	[smem:$0x3FBA] =	sst s10  }
0x32: {  	s10 =	sld [smem:$0x3FB8];
	_ =	sdelay $0x3  }
0x33: {  	p0 =	seq.s32 s10, $0x1;
	s10 =	sld [smem:$0x3FBA];
	_ =	sdelay $0x3  }
0x34: {  	[smem:$0x3FBA] =	sst s10  }
0x35: {  	s10 =	sld [smem:$0x3FB9];
	_ =	sdelay $0x3  }
0x36: {  	p1 =	seq.s32 s10, $0x1;
	s10 =	sld [smem:$0x3FBA];
	_ =	sdelay $0x3  }
0x37: {  	[smem:$0x3FBA] =	sst s10  }
0x38: {  	s10 =	sld [smem:$0x3FBB]  }
0x39: {  	_ = 	snop;
	(pc) =	sbr.ind lr, $3  }
0x3a: {  	_ = 	snop  }
0x3b: {  	_ = 	snop  }
0x3c: {  	p2 =	seq.s32 s10, $0x1;
	s10 =	sld [smem:$0x3FBA]  }
0x3d: {  	_ =	shalt  }
0x3e: {  	_ =	shalt  }
0x3f: {  	_ =	shalt  }
0x40: {  	_ =	shalt  }
0x41: {  	_ =	shalt  }
0x42: {  	_ =	shalt  }
0x43: {  	_ =	shalt  }
0x44: {  	_ =	shalt  }
0x45: {  	_ =	shalt  }
0x46: {  	_ =	shalt  }
0x47: {  	_ =	shalt  }
0x48: {  	_ =	shalt  }
0x49: {  	_ =	shalt  }
0x4a: {  	_ =	shalt  }
0x4b: {  	_ =	shalt  }
0x4c: {  	_ =	shalt  }
0x4d: {  	_ =	shalt  }
0x4e: {  	_ =	shalt  }
0x4f: {  	_ =	shalt  }
0x50: {  	_ =	shalt  }
0x51: {  	_ =	shalt  }
0x52: {  	_ =	shalt  }
0x53: {  	_ =	shalt  }
0x54: {  	_ =	shalt  }
0x55: {  	_ =	shalt  }
0x56: {  	_ =	shalt  }
0x57: {  	_ =	shalt  }
0x58: {  	_ =	shalt  }
0x59: {  	_ =	shalt  }
0x5a: {  	_ =	shalt  }
0x5b: {  	_ =	shalt  }
0x5c: {  	_ =	shalt  }
0x5d: {  	_ =	shalt  }
0x5e: {  	_ =	shalt  }
0x5f: {  	_ =	shalt  }
0x60: {  	_ =	shalt  }
0x61: {  	_ =	shalt  }
0x62: {  	_ =	shalt  }
0x63: {  	_ =	shalt  }
0x64: {  	_ =	shalt  }
0x65: {  	_ =	shalt  }
0x66: {  	_ =	shalt  }
0x67: {  	_ =	shalt  }
0x68: {  	_ =	shalt  }
0x69: {  	_ =	shalt  }
0x6a: {  	_ =	shalt  }
0x6b: {  	_ =	shalt  }
0x6c: {  	_ =	shalt  }
0x6d: {  	_ =	shalt  }
0x6e: {  	_ =	shalt  }
0x6f: {  	_ =	shalt  }
0x70: {  	_ =	shalt  }
0x71: {  	_ =	shalt  }
0x72: {  	_ =	shalt  }
0x73: {  	_ =	shalt  }
0x74: {  	_ =	shalt  }
0x75: {  	_ =	shalt  }
0x76: {  	_ =	shalt  }
0x77: {  	_ =	shalt  }
0x78: {  	_ =	shalt  }
0x79: {  	_ =	shalt  }
0x7a: {  	_ =	shalt  }
0x7b: {  	_ =	shalt  }
0x7c: {  	_ =	shalt  }
0x7d: {  	_ =	shalt  }
0x7e: {  	_ =	shalt  }
0x7f: {  	_ =	shalt  }
0x80: {  	_ =	shalt  }
0x81: {  	_ =	shalt  }
0x82: {  	_ =	shalt  }
0x83: {  	_ =	shalt  }
0x84: {  	_ =	shalt  }
0x85: {  	_ =	shalt  }
0x86: {  	_ =	shalt  }
0x87: {  	_ =	shalt  }
.Lfunc_end0:
.L_simem_size_0:
called_computation_lowered:
.L_overlay_start_0:
0x88: {  	s2 =	sld [smem:$0x3FD9]  }
0x89: {  	s3 =	sld [smem:$0x3FFE];
	_ =	sdelay $0x1  }
0x8a: {  	s1 =	srdreg.scid  }
0x8b: {  	s0 =	sand.u32 $0x1, s1  }
0x8c: {  	s17 =	sshll.u32 s0, $0xA;
	s2 =	sadd.s32 s3, s2  }
0x8d: {  	s2 =	sadd.s32 s2, s17  }
0x8e: {  	[smem:$0x3FC6] =	sst s2  }
0x8f: {  	_ = 	snop  }
0x90: {  	s2 =	sld [smem:$0x3FD0];
	(tm) =	ssettm $0x1  }
0x91: {  	s18 =	sld [smem:$0x3FFB];
	_ =	sdelay $0x3  }
0x92: {  	_ =	strace s18  }
0x93: {  	s3 =	sld [smem:$0x3FFC];
	_ =	sdelay $0x3  }
0x94: {  	_ =	strace s3  }
0x95: {  	s3 =	sld [smem:$0x3FFD];
	_ =	sdelay $0x3  }
0x96: {  	_ =	strace s3  }
0x97: {  	_ =	strace $0x8FFFFFFF  }
0x98: {  	s19 =	sld [smem:$0x3FDB];
	_ =	sdelay $0x1  }
0x99: {  	s4 =	simm.s32 $_scs_section_size  }
0x9a: {  	s5 =	simm.s32 $_size__tile_overlayer_lowered;
	s6 =	simm.s32 $_tile_overlayer_lowered  }
0x9b: {  	s22 =	simm.s32 $0x1BFF;
	s21 =	sshll.u32 s6, $0x1;
	s3 =	sadd.s32 s4, s19  }
0x9c: {  	s7 =	simm.s32 $0x0;
	s20 =	sshll.u32 s5, $0x1;
	s5 =	sadd.s32 s21, s3  }
0x9d: {  	[timem:s7], [sflag:s22] =	dma.local [hbm:s5], s20  }
0x9e: {  	_ =	swait.ge [sflag:s22], s20  }
0x9f: {  	s4 =	ssub.s32 $0x0, s20;
	[sflag:s22] =	ssyncset.done $0x0  }
0xa0: {  	[sflag:s22] =	ssyncadd.s32 s4;
	_ =	sdelay $0x1  }
0xa1: {  	s23 =	simm.s32 $0x1B8B  }
0xa2: {  	_ =	swait.ge [sflag:s23], $0x1  }
0xa3: {  	[sflag:s23] =	ssyncset.done $0x0  }
0xa4: {  	s25 =	simm.s32 $0x1B8E;
	s24 =	sld [smem:$0x3FFE];
	[sflag:s23] =	ssyncadd.s32 $0xFFFFFFFF  }
0xa5: {  	s26 =	simm.s32 $execute0_lowered;
	[smem:$0x3FD2] =	sst s25  }
0xa6: {  	s5 =	sshll.u32 s26, $0x1;
	_ =	strace $0x80000046;
	[dreg:$0x1] =	wrdreg $0xFFFFFFFF  }
0xa7: {  	s28 =	simm.s32 $_size_execute0_lowered;
	s3 =	sadd.s32 s3, s5;
	[dreg:$0x0] =	wrdreg $0x0  }
0xa8: {  	s5 =	sshll.u32 s28, $0x1;
	[dreg:$0x2] =	wrdreg s3  }
0xa9: {  	[dreg:$0x3] =	wrdreg s5  }
0xaa: {  	[dreg:$0x4] =	wrdreg $0xC0  }
0xab: {  	_ =	task [dreg:s7], $0x5FFFF  }
0xac: {  	[dreg:$0x1] =	wrdreg $0xFFFFFFFF  }
0xad: {  	[dreg:$0x0] =	wrdreg $0x60  }
0xae: {  	[dreg:$0x2] =	wrdreg s2  }
0xaf: {  	[dreg:$0x3] =	wrdreg s24  }
0xb0: {  	[dreg:$0x4] =	wrdreg $0x9  }
0xb1: {  	_ =	task.clear_ibuf [dreg:s7], $0x5FFFF;
	_ =	strace $0x90000046  }
0xb2: {  	s29 =	simm.s32 $0x9;
	_ =	strace $0x80000048  }
0xb3: {  	_ =	swait.ge [sflag:s29], $0x1  }
0xb4: {  	[sflag:s29] =	ssyncadd.s32 $0xFFFFFFFF  }
0xb5: {  	_ =	strace $0x90000048  }
0xb6: {  	_ =	sfence  }
0xb7: {  	s30 =	sld [smem:$0x0];
	_ =	sdelay $0x2  }
0xb8: {  	s31 =	sshll.u32 s1, $0xD;
	s1 =	sshrl.u32 s1, $0x2  }
0xb9: {  	s3 =	sand.u32 $0x4000, s31;
	s1 =	sadd.s32 s1, s30  }
0xba: {  	s0 =	sor.u32 s3, s0;
	s1 =	sshll.u32 s1, $0x11  }
0xbb: {  	s0 =	sor.u32 s1, s0  }
0xbc: {  	s0 =	sadd.s32 $0x8F2B, s0  }
0xbd: {  	[sflag:s0] =	ssyncadd.remote.s32 $0x1  }
0xbe: {  	_ =	sfence.sel $0xFFFF  }
0xbf: {  	[dreg:$0x0] =	wrdreg $0xFFFFFFFF;
	(pc) =	sbr.abs _section_cstart, $3  }
0xc0: {  	[dreg:$0x1] =	wrdreg $0xFFFFFFFF  }
0xc1: {  	_ =	task.clear_ibuf [dreg:s7], $0x2FFFF;
	_ =	strace $0x9FFFFFFF  }
0xc2: {  	(tm) =	ssettm $0x7FFFFFFF  }
0xc3: {  	_ =	shalt  }
tec
execute0_lowered:
.L_overlay_start_1:
0x0: {  	(tag) =	ssettag $0x1  }
0x1: {  	s0 =	srdreg.scid;
	s2 =	rddreg [dreg:$0x0]  }
0x2: {  	s1 =	rddreg [dreg:$0x1];
	s5 =	stileid.u32;
	s3 =	simm.s32 $0x0  }
0x3: {  	s10 =	simm.s32 $0xA00;
	s11 =	simm.s32 $0x280;
	s12 =	simm.s32 $0xC80  }
0x4: {  	s13 =	simm.s32 $0x1;
	s14 =	simm.s32 $0x80;
	s15 =	simm.s32 $0x500  }
0x5: {  	s16 =	simm.s32 $0xF30;
	s17 =	simm.s32 $0x580;
	s18 =	simm.s32 $0x1330  }
0x6: {  	s19 =	simm.s32 $0x600;
	s20 =	simm.s32 $0x1730;
	s21 =	simm.s32 $0x680  }
0x7: {  	s22 =	simm.s32 $0x1B30;
	s23 =	simm.s32 $0x700;
	s24 =	simm.s32 $0x1F30  }
0x8: {  	s25 =	simm.s32 $0x3;
	s9 =	simm.s32 $0x3330;
	s28 =	simm.s32 $0x16FB0  }
0x9: {  	v1 =	vlaneseq.u32;
	v5 =	vimm.s32 $0xFEDCBA98;
	s29 =	simm.s32 $0x3730;
	s0 =	sand.u32 $0x1, s0;
	[smem:$0x7FF] =	sst s3  }
0xa: {  	v0 =	vimm.f32 $-Inf;
	v7 =	vimm.s32 $0x76543210;
	s26 =	sadd.s32 $0x5850, s1;
	v3 =	vor.u32 $0x10, v1;
	s4 =	sshll.u32 s0, $0x4;
	s0 =	ssub.s32 $0x2, s0  }
0xb: {  	v4 =	vshrl.u32 v1, $0x3;
	v9 =	vunpack.c.l.s4.s8 v5;
	v5 =	vimm.s32 $0x0;
	_ =	strace $0x80000047;
	s6 =	sor.u32 s5, s4;
	s8 =	sshrl.u32 s0, $0x1  }
0xc: {  	v11 =	vunpack.c.l.s4.s8 v7;
	v7 =	vand.u32 $0x7, v1;
	[dreg:$0x3] =	wrdreg s26;
	v6 =	vmul.u32 $0x8, v4;
	s7 =	smul.u32 $0x2710, s6;
	s0 =	ssub.s32 s0, s8  }
0xd: {  	v8 =	vor.u32 $0x2, v4;
	v10 =	vor.u32 $0x6, v4;
	s4 =	sadd.s32 $0x5800, s1;
	s5 =	sadd.s32 $0x800, s1;
	v13 =	vunpack.c.0.s8.s32 v9;
	s0 =	smax.u32 s0, $0x1  }
0xe: {  	v12 =	vor.u32 $0xA, v4;
	v14 =	vor.u32 $0xE, v4;
	v15 =	vunpack.c.0.s8.s32 v11;
	s7 =	sadd.s32 s7, s1;
	s1 =	sadd.s32 $0x850, s1;
	[dreg:$0x6] =	wrdreg s0  }
0xf: {  	s30 =	simm.s32 $0x4;
	v9 =	vor.u32 $0x4, v4;
	v11 =	vor.u32 $0x8, v4;
	v16 =	vand.u32 $0xF, v13;
	[dreg:$0x4] =	wrdreg s1;
	s31 =	sadd.s32 $0xA800, s7  }
0x10: {  	s26 =	simm.s32 $0x2;
	v2 =	vmov s6;
	s6 =	simm.s32 $0x0;
	v13 =	vor.u32 $0xC, v4;
	v15 =	vcombine.low v16, v15;
	[dreg:$0x5] =	wrdreg s31  }
.LBB2_1:
0x11: {  	s0 =	simm.s32 $0x3750  }
0x12: {  	[tilespmem:s0+$0xFFFFFFE0] =	vst v0  }
0x13: {  	[tilespmem:s0+$0x10] =	vst v0  }
0x14: {  	s1 =	simm.s32 $0x0;
	[tilespmem:s0+$0x0] =	vst v0  }
.LBB2_2:
0x15: {  	s1 =	sadd.s32 $0x4, s1  }
0x16: {  	[tilespmem:s0+$0xFFFFFFF0] =	vst v0;
	s0 =	sadd.s32 $0x40, s0;
	p0 =	slt.u32 s1, $0x1384  }
.Ltmp0:
0x17: {  	[tilespmem:s0+$0xFFFFFFE0] =	vst v0;
	(pc) =	sbr.rel @p0 .LBB2_2-.Ltmp0, $3  }
0x18: {  	_ =	sdelay $0x1  }
0x19: {  	[tilespmem:s0+$0x10] =	vst v0  }
0x1a: {  	[tilespmem:s0+$0x0] =	vst v0  }
0x1b: {  	[tilespmem:s0+$0xFFFFFFF0] =	vst v0;
	s31 =	simm.s32 $0x0  }
0x1c: {  	[tilespmem:s31], [sflag:$0x1] =	stream.linear.gather [hbm4b:s4+s31], $0x280, $0x38;
	[tilespmem:$0x1AFB0] =	vst v63  }
0x1d: {  	[dreg:$0x7] =	wrdreg s6  }
0x1e: {  	[tilespmem:s10], [sflag:$0x1] =	stream.linear.gather [hbm4b:s5+s31], $0x280, $0x38;
	[tilespmem:$0x1AFB0] =	vst v63  }
0x1f: {  	s7 =	rddreg [dreg:$0x3]  }
0x20: {  	[tilespmem:s11], [sflag:$0x2] =	stream.linear.gather [hbm4b:s7+s31], $0x280, $0x38;
	[tilespmem:$0x1AFB0] =	vst v63  }
0x21: {  	s8 =	rddreg [dreg:$0x4]  }
0x22: {  	[tilespmem:s12], [sflag:$0x2] =	stream.linear.gather [hbm4b:s8+s31], $0x280, $0x38;
	[tilespmem:$0x1AFB0] =	vst v63  }
0x23: {  	_ =	swait.ge [sflag:s13], $0x280  }
0x24: {  	[sflag:s13] =	ssyncset.done $0x0  }
0x25: {  	[sflag:s13] =	ssyncadd.s32 $0xFFFFFD80  }
0x26: {  	_ =	swait.ge [sflag:s13], $0x280  }
0x27: {  	[sflag:s13] =	ssyncset.done $0x0  }
0x28: {  	[sflag:s13] =	ssyncadd.s32 $0xFFFFFD80  }
0x29: {  	v16 =	vld [tilespmem:$0x0]  }
0x2a: {  	v17 =	vld [tilespmem:$0x10]  }
0x2b: {  	v18 =	vld [tilespmem:$0x20]  }
0x2c: {  	v19 =	vld [tilespmem:$0x30]  }
0x2d: {  	v20 =	vld [tilespmem:$0x40]  }
0x2e: {  	v21 =	vld [tilespmem:$0x50];
	v16 =	vshll.u32 v16, $0x5  }
0x2f: {  	v22 =	vld [tilespmem:$0x60];
	v17 =	vshll.u32 v17, $0x5;
	v16 =	vor.u32 v2, v16  }
0x30: {  	v31 =	vld [tilespmem:$0x70];
	[tilespmem:$0x500] =	vst v16;
	v16 =	vor.u32 v2, v17;
	v17 =	vshll.u32 v18, $0x5  }
0x31: {  	v32 =	vld [tilespmem:$0x80];
	[tilespmem:$0x510] =	vst v16;
	v16 =	vor.u32 v2, v17;
	v17 =	vshll.u32 v19, $0x5  }
0x32: {  	v33 =	vld [tilespmem:$0x90];
	[tilespmem:$0x520] =	vst v16;
	v16 =	vor.u32 v2, v17;
	v17 =	vshll.u32 v20, $0x5  }
0x33: {  	v34 =	vld [tilespmem:$0xA0];
	[tilespmem:$0x530] =	vst v16;
	v16 =	vor.u32 v2, v17;
	v17 =	vshll.u32 v21, $0x5  }
0x34: {  	v35 =	vld [tilespmem:$0xB0];
	[tilespmem:$0x540] =	vst v16;
	v16 =	vor.u32 v2, v17;
	v17 =	vshll.u32 v22, $0x5  }
0x35: {  	v36 =	vld [tilespmem:$0xC0];
	[tilespmem:$0x550] =	vst v16;
	v16 =	vor.u32 v2, v17;
	v17 =	vshll.u32 v31, $0x5  }
0x36: {  	v37 =	vld [tilespmem:$0xD0];
	[tilespmem:$0x560] =	vst v16;
	v16 =	vor.u32 v2, v17;
	v17 =	vshll.u32 v32, $0x5  }
0x37: {  	v38 =	vld [tilespmem:$0xE0];
	[tilespmem:$0x570] =	vst v16;
	v16 =	vor.u32 v2, v17;
	v17 =	vshll.u32 v33, $0x5  }
0x38: {  	v39 =	vld [tilespmem:$0xF0];
	[tilespmem:$0x580] =	vst v16;
	v16 =	vor.u32 v2, v17;
	v17 =	vshll.u32 v34, $0x5  }
0x39: {  	v40 =	vld [tilespmem:$0x100];
	[tilespmem:$0x590] =	vst v16;
	v16 =	vor.u32 v2, v17;
	v17 =	vshll.u32 v35, $0x5  }
0x3a: {  	v41 =	vld [tilespmem:$0x110];
	[tilespmem:$0x5A0] =	vst v16;
	v16 =	vor.u32 v2, v17;
	v17 =	vshll.u32 v36, $0x5  }
0x3b: {  	v42 =	vld [tilespmem:$0x120];
	[tilespmem:$0x5B0] =	vst v16;
	v16 =	vor.u32 v2, v17;
	v17 =	vshll.u32 v37, $0x5  }
0x3c: {  	v43 =	vld [tilespmem:$0x130];
	[tilespmem:$0x5C0] =	vst v16;
	v16 =	vor.u32 v2, v17;
	v17 =	vshll.u32 v38, $0x5  }
0x3d: {  	v44 =	vld [tilespmem:$0x140];
	[tilespmem:$0x5D0] =	vst v16;
	v16 =	vor.u32 v2, v17;
	v17 =	vshll.u32 v39, $0x5  }
0x3e: {  	v45 =	vld [tilespmem:$0x150];
	[tilespmem:$0x5E0] =	vst v16;
	v16 =	vor.u32 v2, v17;
	v17 =	vshll.u32 v40, $0x5  }
0x3f: {  	v46 =	vld [tilespmem:$0x160];
	[tilespmem:$0x5F0] =	vst v16;
	v16 =	vor.u32 v2, v17;
	v17 =	vshll.u32 v41, $0x5  }
0x40: {  	v47 =	vld [tilespmem:$0x170];
	[tilespmem:$0x600] =	vst v16;
	v16 =	vor.u32 v2, v17;
	v17 =	vshll.u32 v42, $0x5  }
0x41: {  	v48 =	vld [tilespmem:$0x180];
	[tilespmem:$0x610] =	vst v16;
	v16 =	vor.u32 v2, v17;
	v17 =	vshll.u32 v43, $0x5  }
0x42: {  	v49 =	vld [tilespmem:$0x190];
	[tilespmem:$0x620] =	vst v16;
	v16 =	vor.u32 v2, v17;
	v17 =	vshll.u32 v44, $0x5  }
0x43: {  	v50 =	vld [tilespmem:$0x1A0];
	[tilespmem:$0x630] =	vst v16;
	v16 =	vor.u32 v2, v17;
	v17 =	vshll.u32 v45, $0x5  }
0x44: {  	v51 =	vld [tilespmem:$0x1B0];
	[tilespmem:$0x640] =	vst v16;
	v16 =	vor.u32 v2, v17;
	v17 =	vshll.u32 v46, $0x5  }
0x45: {  	v52 =	vld [tilespmem:$0x1C0];
	[tilespmem:$0x650] =	vst v16;
	v16 =	vor.u32 v2, v17;
	v17 =	vshll.u32 v47, $0x5  }
0x46: {  	v53 =	vld [tilespmem:$0x1D0];
	[tilespmem:$0x660] =	vst v16;
	v16 =	vor.u32 v2, v17;
	v17 =	vshll.u32 v48, $0x5  }
0x47: {  	v54 =	vld [tilespmem:$0x1E0];
	[tilespmem:$0x670] =	vst v16;
	v16 =	vor.u32 v2, v17;
	v17 =	vshll.u32 v49, $0x5  }
0x48: {  	v55 =	vld [tilespmem:$0x1F0];
	[tilespmem:$0x680] =	vst v16;
	v16 =	vor.u32 v2, v17;
	v17 =	vshll.u32 v50, $0x5  }
0x49: {  	v56 =	vld [tilespmem:$0x200];
	[tilespmem:$0x690] =	vst v16;
	v16 =	vor.u32 v2, v17;
	v17 =	vshll.u32 v51, $0x5  }
0x4a: {  	v57 =	vld [tilespmem:$0x210];
	[tilespmem:$0x6A0] =	vst v16;
	v16 =	vor.u32 v2, v17;
	v17 =	vshll.u32 v52, $0x5  }
0x4b: {  	v58 =	vld [tilespmem:$0x220];
	[tilespmem:$0x6B0] =	vst v16;
	v16 =	vor.u32 v2, v17;
	v17 =	vshll.u32 v53, $0x5  }
0x4c: {  	v59 =	vld [tilespmem:$0x230];
	[tilespmem:$0x6C0] =	vst v16;
	v16 =	vor.u32 v2, v17;
	v17 =	vshll.u32 v54, $0x5  }
0x4d: {  	v60 =	vld [tilespmem:$0x240];
	[tilespmem:$0x6D0] =	vst v16;
	v16 =	vor.u32 v2, v17;
	v17 =	vshll.u32 v55, $0x5  }
0x4e: {  	v61 =	vld [tilespmem:$0x250];
	[tilespmem:$0x6E0] =	vst v16;
	v16 =	vor.u32 v2, v17;
	v17 =	vshll.u32 v56, $0x5  }
0x4f: {  	v62 =	vld [tilespmem:$0x260];
	[tilespmem:$0x6F0] =	vst v16;
	v16 =	vor.u32 v2, v17;
	v17 =	vshll.u32 v57, $0x5  }
0x50: {  	v63 =	vld [tilespmem:$0x270];
	[tilespmem:$0x700] =	vst v16;
	v16 =	vor.u32 v2, v17;
	v17 =	vshll.u32 v58, $0x5  }
0x51: {  	[tilespmem:$0x710] =	vst v16;
	v16 =	vor.u32 v2, v17;
	v17 =	vshll.u32 v59, $0x5  }
0x52: {  	[tilespmem:$0x720] =	vst v16;
	v16 =	vor.u32 v2, v17;
	v17 =	vshll.u32 v60, $0x5  }
0x53: {  	[tilespmem:$0x730] =	vst v16;
	v16 =	vor.u32 v2, v17;
	v17 =	vshll.u32 v61, $0x5  }
0x54: {  	[tilespmem:$0x740] =	vst v16;
	v16 =	vor.u32 v2, v17;
	v17 =	vshll.u32 v62, $0x5  }
0x55: {  	[tilespmem:$0x750] =	vst v16;
	v16 =	vor.u32 v2, v17;
	v17 =	vshll.u32 v63, $0x5  }
0x56: {  	[tilespmem:$0x760] =	vst v16;
	v16 =	vor.u32 v2, v17  }
0x57: {  	[tilespmem:$0x770] =	vst v16  }
0x58: {  	[tilespmem:s16], [sflag:$0x3] =	stream.indirect.gather [hbm4b:s2+s14], $0x8, s15, s14, $0xb8;
	[tilespmem:$0x1AFB0] =	vst v63  }
0x59: {  	_ = 	snop  }
0x5a: {  	[tilespmem:s18], [sflag:$0x3] =	stream.indirect.gather [hbm4b:s2+s14], $0x8, s17, s14, $0xb8;
	[tilespmem:$0x1AFB0] =	vst v63  }
0x5b: {  	_ = 	snop  }
0x5c: {  	[tilespmem:s20], [sflag:$0x3] =	stream.indirect.gather [hbm4b:s2+s14], $0x8, s19, s14, $0xb8;
	[tilespmem:$0x1AFB0] =	vst v63  }
.Ltmp1:
0x5d: {  	_ = 	snop;
	(pc) =	sbr.rel .LBB2_4-.Ltmp1, $4  }
0x5e: {  	_ = 	snop  }
0x5f: {  	[tilespmem:s22], [sflag:$0x3] =	stream.indirect.gather [hbm4b:s2+s14], $0x8, s21, s14, $0xb8;
	[tilespmem:$0x1AFB0] =	vst v63  }
0x60: {  	_ = 	snop  }
0x61: {  	[tilespmem:s24], [sflag:$0x3] =	stream.indirect.gather [hbm4b:s2+s14], $0x8, s23, s14, $0xb8;
	[tilespmem:$0x1AFB0] =	vst v63  }
.LBB2_14:
0x62: {  	s0 =	smin.u32 s0, $0xF6  }
0x63: {  	s0 =	smul.u32 $0x280, s0  }
0x64: {  	s31 =	sadd.s32 $0x1, s31  }
0x65: {  	p0 =	sne.s32 s31, $0x7D;
	s0 =	sshrl.u32 s0, $0x3  }
.Ltmp2:
0x66: {  	s0 =	sadd.s32 $0xF0, s0;
	(pc) =	sbr.rel @!p0 .LBB2_15-.Ltmp2, $4  }
0x67: {  	s1 =	sadd.s32 s4, s0  }
0x68: {  	[tilespmem:s11], [sflag:$0x2] =	stream.linear.gather [hbm4b:s1+s3], $0x280, $0x38;
	[tilespmem:$0x1AFB0] =	vst v63  }
0x69: {  	s0 =	sadd.s32 s5, s0  }
0x6a: {  	[tilespmem:s12], [sflag:$0x2] =	stream.linear.gather [hbm4b:s0+s3], $0x280, $0x38;
	[tilespmem:$0x1AFB0] =	vst v63  }
.LBB2_4:
0x6b: {  	_ =	swait.ge [sflag:s25], $0x1400  }
0x6c: {  	[sflag:s25] =	ssyncset.done $0x0  }
0x6d: {  	[sflag:s25] =	ssyncadd.s32 $0xFFFFEC00  }
0x6e: {  	_ =	swait.ge [sflag:s26], $0x280  }
0x6f: {  	[sflag:s26] =	ssyncset.done $0x0  }
0x70: {  	[sflag:s26] =	ssyncadd.s32 $0xFFFFFD80  }
0x71: {  	_ =	swait.ge [sflag:s26], $0x280  }
0x72: {  	[sflag:s26] =	ssyncset.done $0x0  }
0x73: {  	[sflag:s26] =	ssyncadd.s32 $0xFFFFFD80  }
0x74: {  	v16 =	vld [tilespmem:$0x280]  }
0x75: {  	v17 =	vld [tilespmem:$0x290]  }
0x76: {  	v18 =	vld [tilespmem:$0x2A0]  }
0x77: {  	v19 =	vld [tilespmem:$0x2B0]  }
0x78: {  	v20 =	vld [tilespmem:$0x2C0]  }
0x79: {  	v21 =	vld [tilespmem:$0x2D0];
	v16 =	vshll.u32 v16, $0x5  }
0x7a: {  	v22 =	vld [tilespmem:$0x2E0];
	v17 =	vshll.u32 v17, $0x5;
	v16 =	vor.u32 v2, v16  }
0x7b: {  	[tilespmem:$0x780] =	vst v16;
	v16 =	vor.u32 v2, v17;
	v17 =	vshll.u32 v18, $0x5;
	v18 =	vld [tilespmem:$0x2F0]  }
0x7c: {  	[tilespmem:$0x790] =	vst v16;
	v16 =	vor.u32 v2, v17;
	v17 =	vshll.u32 v19, $0x5;
	v19 =	vld [tilespmem:$0x300]  }
0x7d: {  	v45 =	vld [tilespmem:$0x310];
	[tilespmem:$0x7A0] =	vst v16;
	v16 =	vor.u32 v2, v17;
	v17 =	vshll.u32 v20, $0x5  }
0x7e: {  	v46 =	vld [tilespmem:$0x320];
	[tilespmem:$0x7B0] =	vst v16;
	v16 =	vor.u32 v2, v17;
	v17 =	vshll.u32 v21, $0x5  }
0x7f: {  	v47 =	vld [tilespmem:$0x330];
	[tilespmem:$0x7C0] =	vst v16;
	v16 =	vor.u32 v2, v17;
	v17 =	vshll.u32 v22, $0x5  }
0x80: {  	[tilespmem:$0x7D0] =	vst v16;
	v16 =	vor.u32 v2, v17;
	v17 =	vshll.u32 v18, $0x5;
	v18 =	vld [tilespmem:$0x340]  }
0x81: {  	[tilespmem:$0x7E0] =	vst v16;
	v16 =	vor.u32 v2, v17;
	v17 =	vshll.u32 v19, $0x5;
	v19 =	vld [tilespmem:$0x350]  }
0x82: {  	v48 =	vld [tilespmem:$0x360];
	[tilespmem:$0x7F0] =	vst v16;
	v16 =	vor.u32 v2, v17;
	v17 =	vshll.u32 v45, $0x5  }
0x83: {  	v49 =	vld [tilespmem:$0x370];
	[tilespmem:$0x800] =	vst v16;
	v16 =	vor.u32 v2, v17;
	v17 =	vshll.u32 v46, $0x5  }
0x84: {  	v50 =	vld [tilespmem:$0x380];
	[tilespmem:$0x810] =	vst v16;
	v16 =	vor.u32 v2, v17;
	v17 =	vshll.u32 v47, $0x5  }
0x85: {  	[tilespmem:$0x820] =	vst v16;
	v16 =	vor.u32 v2, v17;
	v17 =	vshll.u32 v18, $0x5;
	v18 =	vld [tilespmem:$0x390]  }
0x86: {  	[tilespmem:$0x830] =	vst v16;
	v16 =	vor.u32 v2, v17;
	v17 =	vshll.u32 v19, $0x5;
	v19 =	vld [tilespmem:$0x3A0]  }
0x87: {  	v51 =	vld [tilespmem:$0x3B0];
	[tilespmem:$0x840] =	vst v16;
	v16 =	vor.u32 v2, v17;
	v17 =	vshll.u32 v48, $0x5  }
0x88: {  	v52 =	vld [tilespmem:$0x3C0];
	[tilespmem:$0x850] =	vst v16;
	v16 =	vor.u32 v2, v17;
	v17 =	vshll.u32 v49, $0x5  }
0x89: {  	v53 =	vld [tilespmem:$0x3D0];
	[tilespmem:$0x860] =	vst v16;
	v16 =	vor.u32 v2, v17;
	v17 =	vshll.u32 v50, $0x5  }
0x8a: {  	[tilespmem:$0x870] =	vst v16;
	v16 =	vor.u32 v2, v17;
	v17 =	vshll.u32 v18, $0x5;
	v18 =	vld [tilespmem:$0x3E0]  }
0x8b: {  	[tilespmem:$0x880] =	vst v16;
	v16 =	vor.u32 v2, v17;
	v17 =	vshll.u32 v19, $0x5;
	v19 =	vld [tilespmem:$0x3F0]  }
0x8c: {  	v54 =	vld [tilespmem:$0x400];
	[tilespmem:$0x890] =	vst v16;
	v16 =	vor.u32 v2, v17;
	v17 =	vshll.u32 v51, $0x5  }
0x8d: {  	v55 =	vld [tilespmem:$0x410];
	[tilespmem:$0x8A0] =	vst v16;
	v16 =	vor.u32 v2, v17;
	v17 =	vshll.u32 v52, $0x5  }
0x8e: {  	v56 =	vld [tilespmem:$0x420];
	[tilespmem:$0x8B0] =	vst v16;
	v16 =	vor.u32 v2, v17;
	v17 =	vshll.u32 v53, $0x5  }
0x8f: {  	[tilespmem:$0x8C0] =	vst v16;
	v16 =	vor.u32 v2, v17;
	v17 =	vshll.u32 v18, $0x5;
	v18 =	vld [tilespmem:$0x430]  }
0x90: {  	[tilespmem:$0x8D0] =	vst v16;
	v16 =	vor.u32 v2, v17;
	v17 =	vshll.u32 v19, $0x5;
	v19 =	vld [tilespmem:$0x440]  }
0x91: {  	v57 =	vld [tilespmem:$0x450];
	[tilespmem:$0x8E0] =	vst v16;
	v16 =	vor.u32 v2, v17;
	v17 =	vshll.u32 v54, $0x5  }
0x92: {  	v58 =	vld [tilespmem:$0x460];
	[tilespmem:$0x8F0] =	vst v16;
	v16 =	vor.u32 v2, v17;
	v17 =	vshll.u32 v55, $0x5  }
0x93: {  	v59 =	vld [tilespmem:$0x470];
	[tilespmem:$0x900] =	vst v16;
	v16 =	vor.u32 v2, v17;
	v17 =	vshll.u32 v56, $0x5  }
0x94: {  	[tilespmem:$0x910] =	vst v16;
	v16 =	vor.u32 v2, v17;
	v17 =	vshll.u32 v18, $0x5;
	v18 =	vld [tilespmem:$0x480]  }
0x95: {  	[tilespmem:$0x920] =	vst v16;
	v16 =	vor.u32 v2, v17;
	v17 =	vshll.u32 v19, $0x5;
	v19 =	vld [tilespmem:$0x490]  }
0x96: {  	v60 =	vld [tilespmem:$0x4A0];
	[tilespmem:$0x930] =	vst v16;
	v16 =	vor.u32 v2, v17;
	v17 =	vshll.u32 v57, $0x5  }
0x97: {  	v61 =	vld [tilespmem:$0x4B0];
	[tilespmem:$0x940] =	vst v16;
	v16 =	vor.u32 v2, v17;
	v17 =	vshll.u32 v58, $0x5  }
0x98: {  	v62 =	vld [tilespmem:$0x4C0];
	[tilespmem:$0x950] =	vst v16;
	v16 =	vor.u32 v2, v17;
	v17 =	vshll.u32 v59, $0x5  }
0x99: {  	[tilespmem:$0x960] =	vst v16;
	v16 =	vor.u32 v2, v17;
	v17 =	vshll.u32 v18, $0x5;
	v18 =	vld [tilespmem:$0x4D0]  }
0x9a: {  	[tilespmem:$0x970] =	vst v16;
	v16 =	vor.u32 v2, v17;
	v17 =	vshll.u32 v19, $0x5;
	v19 =	vld [tilespmem:$0x4E0]  }
0x9b: {  	v63 =	vld [tilespmem:$0x4F0];
	[tilespmem:$0x980] =	vst v16;
	v16 =	vor.u32 v2, v17;
	v17 =	vshll.u32 v60, $0x5  }
0x9c: {  	[tilespmem:$0x990] =	vst v16;
	v16 =	vor.u32 v2, v17;
	v17 =	vshll.u32 v61, $0x5  }
0x9d: {  	[tilespmem:$0x9A0] =	vst v16;
	v16 =	vor.u32 v2, v17;
	v17 =	vshll.u32 v62, $0x5  }
0x9e: {  	[tilespmem:$0x9B0] =	vst v16;
	v16 =	vor.u32 v2, v17;
	v17 =	vshll.u32 v18, $0x5  }
0x9f: {  	[tilespmem:$0x9C0] =	vst v16;
	v16 =	vor.u32 v2, v17;
	v17 =	vshll.u32 v19, $0x5  }
0xa0: {  	[tilespmem:$0x9D0] =	vst v16;
	v16 =	vor.u32 v2, v17;
	v17 =	vshll.u32 v63, $0x5  }
0xa1: {  	[tilespmem:$0x9E0] =	vst v16;
	v16 =	vor.u32 v2, v17  }
0xa2: {  	s0 =	simm.s32 $0x780;
	s1 =	simm.s32 $0x2330;
	[tilespmem:$0x9F0] =	vst v16  }
0xa3: {  	[tilespmem:s1], [sflag:$0x4] =	stream.indirect.gather [hbm4b:s2+s14], $0x8, s0, s14, $0xb8;
	[tilespmem:$0x1AFB0] =	vst v63  }
0xa4: {  	s6 =	simm.s32 $0x2730;
	s1 =	simm.s32 $0x800  }
0xa5: {  	[tilespmem:s6], [sflag:$0x4] =	stream.indirect.gather [hbm4b:s2+s14], $0x8, s1, s14, $0xb8;
	[tilespmem:$0x1AFB0] =	vst v63  }
0xa6: {  	s7 =	simm.s32 $0x880;
	s8 =	simm.s32 $0x2B30  }
0xa7: {  	[tilespmem:s8], [sflag:$0x4] =	stream.indirect.gather [hbm4b:s2+s14], $0x8, s7, s14, $0xb8;
	[tilespmem:$0x1AFB0] =	vst v63  }
0xa8: {  	s6 =	simm.s32 $0x900;
	s7 =	simm.s32 $0x2F30  }
0xa9: {  	[tilespmem:s7], [sflag:$0x4] =	stream.indirect.gather [hbm4b:s2+s14], $0x8, s6, s14, $0xb8;
	[tilespmem:$0x1AFB0] =	vst v63  }
0xaa: {  	s8 =	simm.s32 $0x980  }
0xab: {  	[tilespmem:s9], [sflag:$0x4] =	stream.indirect.gather [hbm4b:s2+s14], $0x8, s8, s14, $0xb8;
	[tilespmem:$0x1AFB0] =	vst v63  }
0xac: {  	v16 =	vld [tilespmem:$0xA00]  }
0xad: {  	v17 =	vld [tilespmem:$0xA10];
	_ =	sdelay $0x3  }
0xae: {  	v18 =	vand.u32 $0x3FFF, v16  }
0xaf: {  	v19 =	vand.u32 $0x3FFF, v17;
	_ =	sdelay $0x3  }
0xb0: {  	[tilespmem:v18+s28+$0x0] =	vst.idx.msk $0xffff, v1  }
0xb1: {  	[tilespmem:v19+s28+$0x0] =	vst.idx.msk $0xffff, v3  }
0xb2: {  	v18 =	vld.idx.msk [tilespmem:v18+s28+$0x0], $0xffff  }
0xb3: {  	v19 =	vld.idx.msk [tilespmem:v19+s28+$0x0], $0xffff;
	_ =	sdelay $0x4  }
0xb4: {  	vm0 =	vne.s32 v18, v1;
	vm1 =	vne.s32 v19, v3  }
0xb5: {  	vm0 =	vmor vm0, vm1  }
0xb6: {  	v18 =	vsel vm0, $0x1, v5  }
0xb7: {  	v18 =	vor.u32 $0x80000000, v18  }
0xb8: {  	(xrf0) =	vmax.scan.msk.u32 $0xffff, v18;
	_ =	sdelay $0x5  }
0xb9: {  	v18, _, _ =	vpop (xrf0)  }
0xba: {  	(v2sf) =	vpush v18, $0xF;
	_ =	sdelay $0xa  }
.Ltmp3:
0xbb: {  	_ = 	snop;
	(pc) =	sbr.rel .LBB2_5-.Ltmp3, $2  }
0xbc: {  	_ =	sdelay $0x2  }
0xbd: {  	s0 =	simm.s32 $0x1E;
	s1 =	simm.s32 $0xA30;
	s6 =	spop (v2sf)  }
.LBB2_7:
0xbe: {  	_ = 	snop  }
0xbf: {  	v48 =	vor.u32 v7, v48  }
0xc0: {  	v47 =	vor.u32 v7, v47  }
0xc1: {  	v46 =	vor.u32 v7, v46  }
0xc2: {  	v45 =	vor.u32 v7, v45;
	v50 =	vld.idx.msk [tilespmem:v49+s29+$0x0], $0xffff  }
0xc3: {  	v44 =	vor.u32 v7, v44;
	v55 =	vld.idx.msk [tilespmem:v42+s29+$0x0], $0xffff  }
0xc4: {  	v43 =	vor.u32 v7, v43;
	v51 =	vld.idx.msk [tilespmem:v48+s29+$0x0], $0xffff  }
0xc5: {  	v52 =	vld.idx.msk [tilespmem:v47+s29+$0x0], $0xffff  }
0xc6: {  	v53 =	vld.idx.msk [tilespmem:v46+s29+$0x0], $0xffff  }
0xc7: {  	v54 =	vld.idx.msk [tilespmem:v45+s29+$0x0], $0xffff  }
0xc8: {  	v56 =	vld.idx.msk [tilespmem:v44+s29+$0x0], $0xffff;
	v39 =	vmax.f32 v50, v39  }
0xc9: {  	v57 =	vld.idx.msk [tilespmem:v43+s29+$0x0], $0xffff;
	[tilespmem:v49+s29+$0x0] =	vst.idx.msk $0xffff, v39;
	v38 =	vmax.f32 v51, v38  }
0xca: {  	v36 =	vmax.f32 v52, v36;
	[tilespmem:v48+s29+$0x0] =	vst.idx.msk $0xffff, v38  }
0xcb: {  	v34 =	vmax.f32 v53, v34;
	[tilespmem:v47+s29+$0x0] =	vst.idx.msk $0xffff, v36  }
0xcc: {  	v33 =	vmax.f32 v54, v33;
	v54 =	vor.u32 v7, v41;
	[tilespmem:v46+s29+$0x0] =	vst.idx.msk $0xffff, v34  }
0xcd: {  	v32 =	vmax.f32 v55, v32;
	v55 =	vor.u32 v7, v40;
	[tilespmem:v45+s29+$0x0] =	vst.idx.msk $0xffff, v33  }
0xce: {  	v58 =	vor.u32 v7, v37;
	v31 =	vmax.f32 v56, v31;
	[tilespmem:v42+s29+$0x0] =	vst.idx.msk $0xffff, v32  }
0xcf: {  	v59 =	vor.u32 v7, v35;
	v30 =	vmax.f32 v57, v30;
	[tilespmem:v44+s29+$0x0] =	vst.idx.msk $0xffff, v31  }
0xd0: {  	[tilespmem:v43+s29+$0x0] =	vst.idx.msk $0xffff, v30  }
0xd1: {  	v30 =	vld.idx.msk [tilespmem:v54+s29+$0x0], $0xffff  }
0xd2: {  	v60 =	vld.idx.msk [tilespmem:v55+s29+$0x0], $0xffff  }
0xd3: {  	v36 =	vld.idx.msk [tilespmem:v58+s29+$0x0], $0xffff  }
0xd4: {  	v61 =	vld.idx.msk [tilespmem:v59+s29+$0x0], $0xffff  }
0xd5: {  	v38 =	vld.idx.msk [tilespmem:v29+s29+$0x0], $0xffff  }
0xd6: {  	v39 =	vld.idx.msk [tilespmem:v27+s29+$0x0], $0xffff  }
0xd7: {  	v62 =	vld.idx.msk [tilespmem:v24+s29+$0x0], $0xffff;
	v28 =	vmax.f32 v30, v28  }
0xd8: {  	v63 =	vld.idx.msk [tilespmem:v22+s29+$0x0], $0xffff;
	v26 =	vmax.f32 v60, v26;
	[tilespmem:v54+s29+$0x0] =	vst.idx.msk $0xffff, v28  }
0xd9: {  	v25 =	vmax.f32 v36, v25;
	[tilespmem:v55+s29+$0x0] =	vst.idx.msk $0xffff, v26  }
0xda: {  	v23 =	vmax.f32 v61, v23;
	[tilespmem:v58+s29+$0x0] =	vst.idx.msk $0xffff, v25  }
0xdb: {  	v21 =	vmax.f32 v38, v21;
	[tilespmem:v59+s29+$0x0] =	vst.idx.msk $0xffff, v23  }
0xdc: {  	v20 =	vmax.f32 v39, v20;
	[tilespmem:v29+s29+$0x0] =	vst.idx.msk $0xffff, v21  }
0xdd: {  	v19 =	vmax.f32 v62, v19;
	[tilespmem:v27+s29+$0x0] =	vst.idx.msk $0xffff, v20  }
0xde: {  	v18 =	vmax.f32 v63, v18;
	[tilespmem:v24+s29+$0x0] =	vst.idx.msk $0xffff, v19  }
0xdf: {  	[tilespmem:v22+s29+$0x0] =	vst.idx.msk $0xffff, v18  }
.LBB2_8:
0xe0: {  	s0 =	sadd.s32 $0x20, s0  }
0xe1: {  	p0 =	sne.s32 s0, $0x29E  }
.Ltmp4:
0xe2: {  	_ = 	snop;
	(pc) =	sbr.rel @!p0 .LBB2_9-.Ltmp4, $2  }
0xe3: {  	_ =	sdelay $0x2  }
0xe4: {  	s1 =	sadd.s32 $0x20, s1  }
.LBB2_5:
0xe5: {  	s7 =	sadd.s32 $0xFFFFFFE2, s0;
	s8 =	sadd.s32 $0xFFFFFFE4, s0  }
0xe6: {  	v24 =	vshll.u32 v17, $0x3;
	v18 =	vmov s7;
	v17 =	vmov s8  }
0xe7: {  	v22 =	vshll.u32 v16, $0x3;
	s8 =	sadd.s32 $0xFFFFFFE6, s0;
	v16 =	vshll.u32 v18, $0x3;
	v17 =	vshll.u32 v17, $0x3  }
0xe8: {  	v18 =	vmov s8;
	s8 =	sadd.s32 $0xFFFFFFE8, s0;
	v16 =	vor.u32 v6, v16;
	v17 =	vor.u32 v6, v17  }
0xe9: {  	v18 =	vshll.u32 v18, $0x3;
	v19 =	vmov s8;
	v16 =	vor.u32 v7, v16  }
0xea: {  	s8 =	sadd.s32 $0xFFFFFFEA, s0;
	v17 =	vor.u32 v7, v17;
	v18 =	vor.u32 v6, v18;
	v19 =	vshll.u32 v19, $0x3  }
0xeb: {  	v20 =	vmov s8;
	s8 =	sadd.s32 $0xFFFFFFEC, s0;
	v18 =	vor.u32 v7, v18;
	v19 =	vor.u32 v6, v19  }
0xec: {  	v20 =	vshll.u32 v20, $0x3;
	v21 =	vmov s8;
	s8 =	sadd.s32 $0xFFFFFFEE, s0;
	v19 =	vor.u32 v7, v19  }
0xed: {  	v20 =	vor.u32 v6, v20;
	v21 =	vshll.u32 v21, $0x3;
	v23 =	vmov s8  }
0xee: {  	s8 =	sadd.s32 $0xFFFFFFF0, s0;
	v20 =	vor.u32 v7, v20;
	v21 =	vor.u32 v6, v21;
	v23 =	vshll.u32 v23, $0x3  }
0xef: {  	v25 =	vmov s8;
	s8 =	sadd.s32 $0xFFFFFFF2, s0;
	v21 =	vor.u32 v7, v21;
	v23 =	vor.u32 v6, v23  }
0xf0: {  	v39 =	vld.idx.msk [tilespmem:v16+s16+$0x0], $0xffff;
	v16 =	vor.u32 v7, v23;
	v23 =	vshll.u32 v25, $0x3;
	v25 =	vmov s8;
	s8 =	sadd.s32 $0xFFFFFFF4, s0  }
0xf1: {  	v38 =	vld.idx.msk [tilespmem:v17+s16+$0x0], $0xffff;
	v17 =	vor.u32 v6, v23;
	v23 =	vshll.u32 v25, $0x3;
	v25 =	vmov s8  }
0xf2: {  	v36 =	vld.idx.msk [tilespmem:v18+s16+$0x0], $0xffff;
	s8 =	sadd.s32 $0xFFFFFFF6, s0;
	v17 =	vor.u32 v7, v17;
	v18 =	vor.u32 v6, v23;
	v23 =	vshll.u32 v25, $0x3  }
0xf3: {  	v34 =	vld.idx.msk [tilespmem:v19+s16+$0x0], $0xffff;
	v19 =	vor.u32 v6, v23;
	v23 =	vmov s8;
	s8 =	sadd.s32 $0xFFFFFFF8, s0  }
0xf4: {  	v18 =	vor.u32 v7, v18;
	v33 =	vld.idx.msk [tilespmem:v20+s16+$0x0], $0xffff;
	v20 =	vshll.u32 v23, $0x3;
	v23 =	vmov s8;
	s8 =	sadd.s32 $0xFFFFFFFA, s0  }
0xf5: {  	v19 =	vor.u32 v7, v19;
	v32 =	vld.idx.msk [tilespmem:v21+s16+$0x0], $0xffff;
	v21 =	vshll.u32 v23, $0x3;
	v23 =	vmov s8  }
0xf6: {  	v20 =	vor.u32 v6, v20;
	v31 =	vld.idx.msk [tilespmem:v16+s16+$0x0], $0xffff;
	s8 =	sadd.s32 $0xFFFFFFFC, s0;
	v16 =	vor.u32 v6, v21;
	v21 =	vshll.u32 v23, $0x3  }
0xf7: {  	v30 =	vld.idx.msk [tilespmem:v17+s16+$0x0], $0xffff;
	v23 =	vor.u32 v7, v16;
	v16 =	vor.u32 v6, v21;
	v17 =	vmov s8  }
0xf8: {  	v20 =	vor.u32 v7, v20;
	v21 =	vor.u32 v7, v16;
	v17 =	vshll.u32 v17, $0x3;
	v16 =	vld [tilespmem:s1+$0xFFFFFFF0]  }
0xf9: {  	v27 =	vmov s0;
	s8 =	sadd.s32 $0xFFFFFFFE, s0;
	v26 =	vor.u32 v6, v17;
	v17 =	vld [tilespmem:s1+$0x0]  }
0xfa: {  	v27 =	vshll.u32 v27, $0x3;
	v25 =	vmov s8  }
0xfb: {  	v27 =	vor.u32 v6, v27;
	v28 =	vld.idx.msk [tilespmem:v18+s16+$0x0], $0xffff;
	v25 =	vshll.u32 v25, $0x3;
	v18 =	vor.u32 v7, v26  }
0xfc: {  	v27 =	vor.u32 v7, v27;
	v25 =	vor.u32 v6, v25;
	v26 =	vld.idx.msk [tilespmem:v19+s16+$0x0], $0xffff  }
0xfd: {  	v19 =	vor.u32 v7, v25;
	v25 =	vld.idx.msk [tilespmem:v20+s16+$0x0], $0xffff;
	v29 =	vand.u32 $0x3FFF, v16  }
0xfe: {  	v23 =	vld.idx.msk [tilespmem:v23+s16+$0x0], $0xffff;
	v35 =	vand.u32 $0x3FFF, v17  }
0xff: {  	v21 =	vld.idx.msk [tilespmem:v21+s16+$0x0], $0xffff  }
0x100: {  	v20 =	vld.idx.msk [tilespmem:v18+s16+$0x0], $0xffff  }
0x101: {  	v18 =	vld.idx.msk [tilespmem:v27+s16+$0x0], $0xffff  }
0x102: {  	v19 =	vld.idx.msk [tilespmem:v19+s16+$0x0], $0xffff;
	[tilespmem:v29+s28+$0x0] =	vst.idx.msk $0xffff, v1  }
0x103: {  	[tilespmem:v35+s28+$0x0] =	vst.idx.msk $0xffff, v3  }
0x104: {  	v27 =	vld.idx.msk [tilespmem:v29+s28+$0x0], $0xffff  }
0x105: {  	v29 =	vld.idx.msk [tilespmem:v35+s28+$0x0], $0xffff;
	_ =	sdelay $0x4  }
0x106: {  	vm0 =	vne.s32 v27, v1;
	vm1 =	vne.s32 v29, v3  }
0x107: {  	vm0 =	vmor vm0, vm1  }
0x108: {  	v27 =	vsel vm0, $0x1, v5  }
0x109: {  	v27 =	vor.u32 $0x80000000, v27  }
0x10a: {  	(xrf0) =	vmax.scan.msk.u32 $0xffff, v27;
	_ =	sdelay $0x5  }
0x10b: {  	v27, _, _ =	vpop (xrf0)  }
0x10c: {  	(v2sf) =	vpush v27, $0xF;
	_ =	sdelay $0x5  }
0x10d: {  	v49 =	vperm.xlane v22, v4  }
0x10e: {  	v48 =	vperm.xlane v22, v8;
	v47 =	vperm.xlane v22, v9  }
0x10f: {  	v46 =	vperm.xlane v22, v10;
	v45 =	vperm.xlane v22, v11  }
0x110: {  	v44 =	vperm.xlane v22, v13;
	v43 =	vperm.xlane v22, v14  }
0x111: {  	p0 =	slt.u32 s6, $0x80000001;
	v41 =	vperm.xlane v24, v4;
	v40 =	vperm.xlane v24, v8  }
.Ltmp5:
0x112: {  	v37 =	vperm.xlane v24, v9;
	v50 =	vperm.xlane v24, v12;
	(pc) =	sbr.rel @p0 .LBB2_7-.Ltmp5, $4  }
0x113: {  	v51 =	vperm.xlane v24, v13;
	v29 =	vperm.xlane v24, v11  }
0x114: {  	v49 =	vor.u32 v7, v49;
	v27 =	vperm.xlane v22, v12;
	v22 =	vperm.xlane v24, v14  }
0x115: {  	v35 =	vperm.xlane v24, v10;
	v29 =	vor.u32 v7, v29;
	v24 =	vor.u32 v7, v51  }
0x116: {  	v42 =	vor.u32 v7, v27;
	v22 =	vor.u32 v7, v22;
	v27 =	vor.u32 v7, v50;
	s6 =	spop (v2sf)  }
0x117: {  	_ =	sdelay $0x3  }
0x118: {  	v50 =	vld.idx.msk [tilespmem:v49+s29+$0x0], $0xffff  }
0x119: {  	v51 =	vperm.xlane v39, v15;
	v52 =	vperm.xlane v49, v15  }
0x11a: {  	v48 =	vor.u32 v7, v48  }
0x11b: {  	vm0 =	veq.s32 v49, v52;
	v51 =	vmax.f32 v39, v51  }
0x11c: {  	v39 =	vsel vm0, v51, v39  }
0x11d: {  	v39 =	vmax.f32 v50, v39  }
0x11e: {  	[tilespmem:v49+s29+$0x0] =	vst.idx.msk $0xffff, v39  }
0x11f: {  	v39 =	vld.idx.msk [tilespmem:v48+s29+$0x0], $0xffff  }
0x120: {  	v62 =	vperm.xlane v38, v15;
	v63 =	vperm.xlane v48, v15  }
0x121: {  	v47 =	vor.u32 v7, v47  }
0x122: {  	vm13 =	veq.s32 v48, v63;
	v49 =	vmax.f32 v38, v62  }
0x123: {  	v38 =	vsel vm13, v49, v38  }
0x124: {  	v38 =	vmax.f32 v39, v38  }
0x125: {  	[tilespmem:v48+s29+$0x0] =	vst.idx.msk $0xffff, v38  }
0x126: {  	v38 =	vld.idx.msk [tilespmem:v47+s29+$0x0], $0xffff  }
0x127: {  	v53 =	vperm.xlane v47, v15;
	v52 =	vperm.xlane v36, v15  }
0x128: {  	v46 =	vor.u32 v7, v46  }
0x129: {  	vm14 =	veq.s32 v47, v53;
	v39 =	vmax.f32 v36, v52  }
0x12a: {  	v36 =	vsel vm14, v39, v36  }
0x12b: {  	v36 =	vmax.f32 v38, v36  }
0x12c: {  	[tilespmem:v47+s29+$0x0] =	vst.idx.msk $0xffff, v36  }
0x12d: {  	v36 =	vld.idx.msk [tilespmem:v46+s29+$0x0], $0xffff  }
0x12e: {  	v54 =	vperm.xlane v34, v15;
	v55 =	vperm.xlane v46, v15  }
0x12f: {  	v45 =	vor.u32 v7, v45  }
0x130: {  	vm15 =	veq.s32 v46, v55;
	v38 =	vmax.f32 v34, v54  }
0x131: {  	v34 =	vsel vm15, v38, v34  }
0x132: {  	v34 =	vmax.f32 v36, v34  }
0x133: {  	[tilespmem:v46+s29+$0x0] =	vst.idx.msk $0xffff, v34  }
0x134: {  	v34 =	vld.idx.msk [tilespmem:v45+s29+$0x0], $0xffff  }
0x135: {  	v56 =	vperm.xlane v33, v15;
	v57 =	vperm.xlane v45, v15;
	_ =	sdelay $0x1  }
0x136: {  	vm4 =	veq.s32 v45, v57;
	v36 =	vmax.f32 v33, v56  }
0x137: {  	v33 =	vsel vm4, v36, v33  }
0x138: {  	v33 =	vmax.f32 v34, v33  }
0x139: {  	[tilespmem:v45+s29+$0x0] =	vst.idx.msk $0xffff, v33  }
0x13a: {  	v33 =	vld.idx.msk [tilespmem:v42+s29+$0x0], $0xffff  }
0x13b: {  	v58 =	vperm.xlane v32, v15;
	v59 =	vperm.xlane v42, v15  }
0x13c: {  	v60 =	vor.u32 v7, v44  }
0x13d: {  	vm5 =	veq.s32 v42, v59;
	v34 =	vmax.f32 v32, v58  }
0x13e: {  	v32 =	vsel vm5, v34, v32  }
0x13f: {  	v32 =	vmax.f32 v33, v32  }
0x140: {  	[tilespmem:v42+s29+$0x0] =	vst.idx.msk $0xffff, v32  }
0x141: {  	v32 =	vld.idx.msk [tilespmem:v60+s29+$0x0], $0xffff  }
0x142: {  	v61 =	vperm.xlane v31, v15;
	v62 =	vperm.xlane v60, v15  }
0x143: {  	v63 =	vor.u32 v7, v43  }
0x144: {  	vm6 =	veq.s32 v60, v62;
	v33 =	vmax.f32 v31, v61  }
0x145: {  	v31 =	vsel vm6, v33, v31  }
0x146: {  	v31 =	vmax.f32 v32, v31  }
0x147: {  	[tilespmem:v60+s29+$0x0] =	vst.idx.msk $0xffff, v31  }
0x148: {  	v31 =	vld.idx.msk [tilespmem:v63+s29+$0x0], $0xffff  }
0x149: {  	v43 =	vperm.xlane v63, v15;
	v42 =	vperm.xlane v30, v15  }
0x14a: {  	v44 =	vor.u32 v7, v41  }
0x14b: {  	vm7 =	veq.s32 v63, v43;
	v32 =	vmax.f32 v30, v42  }
0x14c: {  	v30 =	vsel vm7, v32, v30  }
0x14d: {  	v30 =	vmax.f32 v31, v30  }
0x14e: {  	[tilespmem:v63+s29+$0x0] =	vst.idx.msk $0xffff, v30  }
0x14f: {  	v30 =	vld.idx.msk [tilespmem:v44+s29+$0x0], $0xffff  }
0x150: {  	v46 =	vperm.xlane v44, v15;
	v45 =	vperm.xlane v28, v15  }
0x151: {  	v47 =	vor.u32 v7, v40  }
0x152: {  	vm8 =	veq.s32 v44, v46;
	v31 =	vmax.f32 v28, v45  }
0x153: {  	v28 =	vsel vm8, v31, v28  }
0x154: {  	v28 =	vmax.f32 v30, v28  }
0x155: {  	[tilespmem:v44+s29+$0x0] =	vst.idx.msk $0xffff, v28  }
0x156: {  	v28 =	vld.idx.msk [tilespmem:v47+s29+$0x0], $0xffff  }
0x157: {  	v48 =	vperm.xlane v26, v15;
	v49 =	vperm.xlane v47, v15  }
0x158: {  	v50 =	vor.u32 v7, v37  }
0x159: {  	vm9 =	veq.s32 v47, v49;
	v30 =	vmax.f32 v26, v48  }
0x15a: {  	v26 =	vsel vm9, v30, v26  }
0x15b: {  	v26 =	vmax.f32 v28, v26  }
0x15c: {  	[tilespmem:v47+s29+$0x0] =	vst.idx.msk $0xffff, v26  }
0x15d: {  	v26 =	vld.idx.msk [tilespmem:v50+s29+$0x0], $0xffff  }
0x15e: {  	v51 =	vperm.xlane v25, v15;
	v52 =	vperm.xlane v50, v15  }
0x15f: {  	v53 =	vor.u32 v7, v35  }
0x160: {  	vm10 =	veq.s32 v50, v52;
	v28 =	vmax.f32 v25, v51  }
0x161: {  	v25 =	vsel vm10, v28, v25  }
0x162: {  	v25 =	vmax.f32 v26, v25  }
0x163: {  	[tilespmem:v50+s29+$0x0] =	vst.idx.msk $0xffff, v25  }
0x164: {  	v25 =	vld.idx.msk [tilespmem:v53+s29+$0x0], $0xffff  }
0x165: {  	v55 =	vperm.xlane v53, v15;
	v54 =	vperm.xlane v23, v15;
	_ =	sdelay $0x1  }
0x166: {  	vm11 =	veq.s32 v53, v55;
	v26 =	vmax.f32 v23, v54  }
0x167: {  	v23 =	vsel vm11, v26, v23  }
0x168: {  	v23 =	vmax.f32 v25, v23  }
0x169: {  	[tilespmem:v53+s29+$0x0] =	vst.idx.msk $0xffff, v23  }
0x16a: {  	v23 =	vld.idx.msk [tilespmem:v29+s29+$0x0], $0xffff  }
0x16b: {  	v57 =	vperm.xlane v29, v15;
	v56 =	vperm.xlane v21, v15;
	_ =	sdelay $0x1  }
0x16c: {  	vm12 =	veq.s32 v29, v57;
	v25 =	vmax.f32 v21, v56  }
0x16d: {  	v21 =	vsel vm12, v25, v21  }
0x16e: {  	v21 =	vmax.f32 v23, v21  }
0x16f: {  	[tilespmem:v29+s29+$0x0] =	vst.idx.msk $0xffff, v21  }
0x170: {  	v21 =	vld.idx.msk [tilespmem:v27+s29+$0x0], $0xffff  }
0x171: {  	v59 =	vperm.xlane v27, v15;
	v58 =	vperm.xlane v20, v15;
	_ =	sdelay $0x1  }
0x172: {  	vm13 =	veq.s32 v27, v59;
	v23 =	vmax.f32 v20, v58  }
0x173: {  	v20 =	vsel vm13, v23, v20  }
0x174: {  	v20 =	vmax.f32 v21, v20  }
0x175: {  	[tilespmem:v27+s29+$0x0] =	vst.idx.msk $0xffff, v20  }
0x176: {  	v20 =	vld.idx.msk [tilespmem:v24+s29+$0x0], $0xffff  }
0x177: {  	v61 =	vperm.xlane v24, v15;
	v60 =	vperm.xlane v19, v15;
	_ =	sdelay $0x1  }
0x178: {  	vm14 =	veq.s32 v24, v61;
	v21 =	vmax.f32 v19, v60  }
0x179: {  	v19 =	vsel vm14, v21, v19  }
0x17a: {  	v19 =	vmax.f32 v20, v19  }
0x17b: {  	[tilespmem:v24+s29+$0x0] =	vst.idx.msk $0xffff, v19  }
0x17c: {  	v19 =	vld.idx.msk [tilespmem:v22+s29+$0x0], $0xffff  }
0x17d: {  	v62 =	vperm.xlane v18, v15;
	v63 =	vperm.xlane v22, v15  }
.Ltmp6:
0x17e: {  	_ = 	snop;
	(pc) =	sbr.rel .LBB2_8-.Ltmp6, $4  }
0x17f: {  	vm15 =	veq.s32 v22, v63;
	v20 =	vmax.f32 v18, v62  }
0x180: {  	v18 =	vsel vm15, v20, v18  }
0x181: {  	v18 =	vmax.f32 v19, v18  }
0x182: {  	[tilespmem:v22+s29+$0x0] =	vst.idx.msk $0xffff, v18  }
.LBB2_9:
0x183: {  	s0 =	sshll.u32 s31, $0x1  }
0x184: {  	s1 =	smin.u32 s0, $0xF7  }
0x185: {  	s1 =	smul.u32 $0x280, s1;
	_ =	sdelay $0x1  }
0x186: {  	s1 =	sshrl.u32 s1, $0x3  }
0x187: {  	s1 =	sadd.s32 $0xA0, s1  }
0x188: {  	s6 =	sadd.s32 s4, s1  }
0x189: {  	[tilespmem:s3], [sflag:$0x1] =	stream.linear.gather [hbm4b:s6+s3], $0x280, $0x38;
	[tilespmem:$0x1AFB0] =	vst v63  }
0x18a: {  	s1 =	sadd.s32 s5, s1  }
0x18b: {  	[tilespmem:s10], [sflag:$0x1] =	stream.linear.gather [hbm4b:s1+s3], $0x280, $0x38;
	[tilespmem:$0x1AFB0] =	vst v63  }
0x18c: {  	_ =	swait.ge [sflag:s30], $0x1400  }
0x18d: {  	[sflag:s30] =	ssyncset.done $0x0  }
0x18e: {  	[sflag:s30] =	ssyncadd.s32 $0xFFFFEC00  }
0x18f: {  	_ =	swait.ge [sflag:s13], $0x280  }
0x190: {  	[sflag:s13] =	ssyncset.done $0x0  }
0x191: {  	[sflag:s13] =	ssyncadd.s32 $0xFFFFFD80  }
0x192: {  	_ =	swait.ge [sflag:s13], $0x280  }
0x193: {  	[sflag:s13] =	ssyncset.done $0x0  }
0x194: {  	[sflag:s13] =	ssyncadd.s32 $0xFFFFFD80  }
0x195: {  	v16 =	vld [tilespmem:$0x0]  }
0x196: {  	v17 =	vld [tilespmem:$0x10]  }
0x197: {  	v18 =	vld [tilespmem:$0x20]  }
0x198: {  	v19 =	vld [tilespmem:$0x30]  }
0x199: {  	v20 =	vld [tilespmem:$0x40]  }
0x19a: {  	v21 =	vld [tilespmem:$0x50];
	v16 =	vshll.u32 v16, $0x5  }
0x19b: {  	v22 =	vld [tilespmem:$0x60];
	v17 =	vshll.u32 v17, $0x5;
	v16 =	vor.u32 v2, v16  }
0x19c: {  	[tilespmem:$0x500] =	vst v16;
	v16 =	vor.u32 v2, v17;
	v17 =	vshll.u32 v18, $0x5;
	v18 =	vld [tilespmem:$0x70]  }
0x19d: {  	[tilespmem:$0x510] =	vst v16;
	v16 =	vor.u32 v2, v17;
	v17 =	vshll.u32 v19, $0x5;
	v19 =	vld [tilespmem:$0x80]  }
0x19e: {  	v45 =	vld [tilespmem:$0x90];
	[tilespmem:$0x520] =	vst v16;
	v16 =	vor.u32 v2, v17;
	v17 =	vshll.u32 v20, $0x5  }
0x19f: {  	v46 =	vld [tilespmem:$0xA0];
	[tilespmem:$0x530] =	vst v16;
	v16 =	vor.u32 v2, v17;
	v17 =	vshll.u32 v21, $0x5  }
0x1a0: {  	v47 =	vld [tilespmem:$0xB0];
	[tilespmem:$0x540] =	vst v16;
	v16 =	vor.u32 v2, v17;
	v17 =	vshll.u32 v22, $0x5  }
0x1a1: {  	[tilespmem:$0x550] =	vst v16;
	v16 =	vor.u32 v2, v17;
	v17 =	vshll.u32 v18, $0x5;
	v18 =	vld [tilespmem:$0xC0]  }
0x1a2: {  	[tilespmem:$0x560] =	vst v16;
	v16 =	vor.u32 v2, v17;
	v17 =	vshll.u32 v19, $0x5;
	v19 =	vld [tilespmem:$0xD0]  }
0x1a3: {  	v48 =	vld [tilespmem:$0xE0];
	[tilespmem:$0x570] =	vst v16;
	v16 =	vor.u32 v2, v17;
	v17 =	vshll.u32 v45, $0x5  }
0x1a4: {  	v49 =	vld [tilespmem:$0xF0];
	[tilespmem:$0x580] =	vst v16;
	v16 =	vor.u32 v2, v17;
	v17 =	vshll.u32 v46, $0x5  }
0x1a5: {  	v50 =	vld [tilespmem:$0x100];
	[tilespmem:$0x590] =	vst v16;
	v16 =	vor.u32 v2, v17;
	v17 =	vshll.u32 v47, $0x5  }
0x1a6: {  	[tilespmem:$0x5A0] =	vst v16;
	v16 =	vor.u32 v2, v17;
	v17 =	vshll.u32 v18, $0x5;
	v18 =	vld [tilespmem:$0x110]  }
0x1a7: {  	[tilespmem:$0x5B0] =	vst v16;
	v16 =	vor.u32 v2, v17;
	v17 =	vshll.u32 v19, $0x5;
	v19 =	vld [tilespmem:$0x120]  }
0x1a8: {  	v51 =	vld [tilespmem:$0x130];
	[tilespmem:$0x5C0] =	vst v16;
	v16 =	vor.u32 v2, v17;
	v17 =	vshll.u32 v48, $0x5  }
0x1a9: {  	v52 =	vld [tilespmem:$0x140];
	[tilespmem:$0x5D0] =	vst v16;
	v16 =	vor.u32 v2, v17;
	v17 =	vshll.u32 v49, $0x5  }
0x1aa: {  	v53 =	vld [tilespmem:$0x150];
	[tilespmem:$0x5E0] =	vst v16;
	v16 =	vor.u32 v2, v17;
	v17 =	vshll.u32 v50, $0x5  }
0x1ab: {  	[tilespmem:$0x5F0] =	vst v16;
	v16 =	vor.u32 v2, v17;
	v17 =	vshll.u32 v18, $0x5;
	v18 =	vld [tilespmem:$0x160]  }
0x1ac: {  	[tilespmem:$0x600] =	vst v16;
	v16 =	vor.u32 v2, v17;
	v17 =	vshll.u32 v19, $0x5;
	v19 =	vld [tilespmem:$0x170]  }
0x1ad: {  	v54 =	vld [tilespmem:$0x180];
	[tilespmem:$0x610] =	vst v16;
	v16 =	vor.u32 v2, v17;
	v17 =	vshll.u32 v51, $0x5  }
0x1ae: {  	v55 =	vld [tilespmem:$0x190];
	[tilespmem:$0x620] =	vst v16;
	v16 =	vor.u32 v2, v17;
	v17 =	vshll.u32 v52, $0x5  }
0x1af: {  	v56 =	vld [tilespmem:$0x1A0];
	[tilespmem:$0x630] =	vst v16;
	v16 =	vor.u32 v2, v17;
	v17 =	vshll.u32 v53, $0x5  }
0x1b0: {  	[tilespmem:$0x640] =	vst v16;
	v16 =	vor.u32 v2, v17;
	v17 =	vshll.u32 v18, $0x5;
	v18 =	vld [tilespmem:$0x1B0]  }
0x1b1: {  	[tilespmem:$0x650] =	vst v16;
	v16 =	vor.u32 v2, v17;
	v17 =	vshll.u32 v19, $0x5;
	v19 =	vld [tilespmem:$0x1C0]  }
0x1b2: {  	v57 =	vld [tilespmem:$0x1D0];
	[tilespmem:$0x660] =	vst v16;
	v16 =	vor.u32 v2, v17;
	v17 =	vshll.u32 v54, $0x5  }
0x1b3: {  	v58 =	vld [tilespmem:$0x1E0];
	[tilespmem:$0x670] =	vst v16;
	v16 =	vor.u32 v2, v17;
	v17 =	vshll.u32 v55, $0x5  }
0x1b4: {  	v59 =	vld [tilespmem:$0x1F0];
	[tilespmem:$0x680] =	vst v16;
	v16 =	vor.u32 v2, v17;
	v17 =	vshll.u32 v56, $0x5  }
0x1b5: {  	[tilespmem:$0x690] =	vst v16;
	v16 =	vor.u32 v2, v17;
	v17 =	vshll.u32 v18, $0x5;
	v18 =	vld [tilespmem:$0x200]  }
0x1b6: {  	[tilespmem:$0x6A0] =	vst v16;
	v16 =	vor.u32 v2, v17;
	v17 =	vshll.u32 v19, $0x5;
	v19 =	vld [tilespmem:$0x210]  }
0x1b7: {  	v60 =	vld [tilespmem:$0x220];
	[tilespmem:$0x6B0] =	vst v16;
	v16 =	vor.u32 v2, v17;
	v17 =	vshll.u32 v57, $0x5  }
0x1b8: {  	v61 =	vld [tilespmem:$0x230];
	[tilespmem:$0x6C0] =	vst v16;
	v16 =	vor.u32 v2, v17;
	v17 =	vshll.u32 v58, $0x5  }
0x1b9: {  	v62 =	vld [tilespmem:$0x240];
	[tilespmem:$0x6D0] =	vst v16;
	v16 =	vor.u32 v2, v17;
	v17 =	vshll.u32 v59, $0x5  }
0x1ba: {  	[tilespmem:$0x6E0] =	vst v16;
	v16 =	vor.u32 v2, v17;
	v17 =	vshll.u32 v18, $0x5;
	v18 =	vld [tilespmem:$0x250]  }
0x1bb: {  	[tilespmem:$0x6F0] =	vst v16;
	v16 =	vor.u32 v2, v17;
	v17 =	vshll.u32 v19, $0x5;
	v19 =	vld [tilespmem:$0x260]  }
0x1bc: {  	v63 =	vld [tilespmem:$0x270];
	[tilespmem:$0x700] =	vst v16;
	v16 =	vor.u32 v2, v17;
	v17 =	vshll.u32 v60, $0x5  }
0x1bd: {  	[tilespmem:$0x710] =	vst v16;
	v16 =	vor.u32 v2, v17;
	v17 =	vshll.u32 v61, $0x5  }
0x1be: {  	[tilespmem:$0x720] =	vst v16;
	v16 =	vor.u32 v2, v17;
	v17 =	vshll.u32 v62, $0x5  }
0x1bf: {  	[tilespmem:$0x730] =	vst v16;
	v16 =	vor.u32 v2, v17;
	v17 =	vshll.u32 v18, $0x5  }
0x1c0: {  	[tilespmem:$0x740] =	vst v16;
	v16 =	vor.u32 v2, v17;
	v17 =	vshll.u32 v19, $0x5  }
0x1c1: {  	[tilespmem:$0x750] =	vst v16;
	v16 =	vor.u32 v2, v17;
	v17 =	vshll.u32 v63, $0x5  }
0x1c2: {  	[tilespmem:$0x760] =	vst v16;
	v16 =	vor.u32 v2, v17  }
0x1c3: {  	[tilespmem:$0x770] =	vst v16  }
0x1c4: {  	[tilespmem:s16], [sflag:$0x3] =	stream.indirect.gather [hbm4b:s2+s14], $0x8, s15, s14, $0xb8;
	[tilespmem:$0x1AFB0] =	vst v63  }
0x1c5: {  	_ = 	snop  }
0x1c6: {  	[tilespmem:s18], [sflag:$0x3] =	stream.indirect.gather [hbm4b:s2+s14], $0x8, s17, s14, $0xb8;
	[tilespmem:$0x1AFB0] =	vst v63  }
0x1c7: {  	_ = 	snop  }
0x1c8: {  	[tilespmem:s20], [sflag:$0x3] =	stream.indirect.gather [hbm4b:s2+s14], $0x8, s19, s14, $0xb8;
	[tilespmem:$0x1AFB0] =	vst v63  }
0x1c9: {  	_ = 	snop  }
0x1ca: {  	[tilespmem:s22], [sflag:$0x3] =	stream.indirect.gather [hbm4b:s2+s14], $0x8, s21, s14, $0xb8;
	[tilespmem:$0x1AFB0] =	vst v63  }
0x1cb: {  	_ = 	snop  }
0x1cc: {  	[tilespmem:s24], [sflag:$0x3] =	stream.indirect.gather [hbm4b:s2+s14], $0x8, s23, s14, $0xb8;
	[tilespmem:$0x1AFB0] =	vst v63  }
0x1cd: {  	v16 =	vld [tilespmem:$0xC80]  }
0x1ce: {  	v17 =	vld [tilespmem:$0xC90];
	_ =	sdelay $0x3  }
0x1cf: {  	v18 =	vand.u32 $0x3FFF, v16  }
0x1d0: {  	v19 =	vand.u32 $0x3FFF, v17;
	_ =	sdelay $0x3  }
0x1d1: {  	[tilespmem:v18+s28+$0x0] =	vst.idx.msk $0xffff, v1  }
0x1d2: {  	[tilespmem:v19+s28+$0x0] =	vst.idx.msk $0xffff, v3  }
0x1d3: {  	v18 =	vld.idx.msk [tilespmem:v18+s28+$0x0], $0xffff  }
0x1d4: {  	v19 =	vld.idx.msk [tilespmem:v19+s28+$0x0], $0xffff;
	_ =	sdelay $0x4  }
0x1d5: {  	vm0 =	vne.s32 v18, v1;
	vm1 =	vne.s32 v19, v3  }
0x1d6: {  	vm0 =	vmor vm0, vm1  }
0x1d7: {  	v18 =	vsel vm0, $0x1, v5  }
0x1d8: {  	v18 =	vor.u32 $0x80000000, v18  }
0x1d9: {  	(xrf0) =	vmax.scan.msk.u32 $0xffff, v18;
	_ =	sdelay $0x5  }
0x1da: {  	v18, _, _ =	vpop (xrf0)  }
0x1db: {  	(v2sf) =	vpush v18, $0xF;
	_ =	sdelay $0xa  }
.Ltmp7:
0x1dc: {  	_ = 	snop;
	(pc) =	sbr.rel .LBB2_10-.Ltmp7, $2  }
0x1dd: {  	_ =	sdelay $0x2  }
0x1de: {  	s6 =	simm.s32 $0xCB0;
	s1 =	simm.s32 $0x280;
	s7 =	spop (v2sf)  }
.LBB2_12:
0x1df: {  	_ = 	snop  }
0x1e0: {  	v48 =	vor.u32 v7, v48  }
0x1e1: {  	v47 =	vor.u32 v7, v47  }
0x1e2: {  	v46 =	vor.u32 v7, v46  }
0x1e3: {  	v45 =	vor.u32 v7, v45;
	v50 =	vld.idx.msk [tilespmem:v49+s29+$0x0], $0xffff  }
0x1e4: {  	v44 =	vor.u32 v7, v44;
	v55 =	vld.idx.msk [tilespmem:v42+s29+$0x0], $0xffff  }
0x1e5: {  	v43 =	vor.u32 v7, v43;
	v51 =	vld.idx.msk [tilespmem:v48+s29+$0x0], $0xffff  }
0x1e6: {  	v52 =	vld.idx.msk [tilespmem:v47+s29+$0x0], $0xffff  }
0x1e7: {  	v53 =	vld.idx.msk [tilespmem:v46+s29+$0x0], $0xffff  }
0x1e8: {  	v54 =	vld.idx.msk [tilespmem:v45+s29+$0x0], $0xffff  }
0x1e9: {  	v56 =	vld.idx.msk [tilespmem:v44+s29+$0x0], $0xffff;
	v39 =	vmax.f32 v50, v39  }
0x1ea: {  	v57 =	vld.idx.msk [tilespmem:v43+s29+$0x0], $0xffff;
	[tilespmem:v49+s29+$0x0] =	vst.idx.msk $0xffff, v39;
	v38 =	vmax.f32 v51, v38  }
0x1eb: {  	v35 =	vmax.f32 v52, v35;
	[tilespmem:v48+s29+$0x0] =	vst.idx.msk $0xffff, v38  }
0x1ec: {  	v34 =	vmax.f32 v53, v34;
	[tilespmem:v47+s29+$0x0] =	vst.idx.msk $0xffff, v35  }
0x1ed: {  	v33 =	vmax.f32 v54, v33;
	v54 =	vor.u32 v7, v41;
	[tilespmem:v46+s29+$0x0] =	vst.idx.msk $0xffff, v34  }
0x1ee: {  	v32 =	vmax.f32 v55, v32;
	v55 =	vor.u32 v7, v40;
	[tilespmem:v45+s29+$0x0] =	vst.idx.msk $0xffff, v33  }
0x1ef: {  	v58 =	vor.u32 v7, v37;
	v31 =	vmax.f32 v56, v31;
	[tilespmem:v42+s29+$0x0] =	vst.idx.msk $0xffff, v32  }
0x1f0: {  	v59 =	vor.u32 v7, v36;
	v29 =	vmax.f32 v57, v29;
	[tilespmem:v44+s29+$0x0] =	vst.idx.msk $0xffff, v31  }
0x1f1: {  	[tilespmem:v43+s29+$0x0] =	vst.idx.msk $0xffff, v29  }
0x1f2: {  	v29 =	vld.idx.msk [tilespmem:v54+s29+$0x0], $0xffff  }
0x1f3: {  	v35 =	vld.idx.msk [tilespmem:v55+s29+$0x0], $0xffff  }
0x1f4: {  	v60 =	vld.idx.msk [tilespmem:v58+s29+$0x0], $0xffff  }
0x1f5: {  	v61 =	vld.idx.msk [tilespmem:v59+s29+$0x0], $0xffff  }
0x1f6: {  	v38 =	vld.idx.msk [tilespmem:v30+s29+$0x0], $0xffff  }
0x1f7: {  	v39 =	vld.idx.msk [tilespmem:v27+s29+$0x0], $0xffff  }
0x1f8: {  	v62 =	vld.idx.msk [tilespmem:v24+s29+$0x0], $0xffff;
	v28 =	vmax.f32 v29, v28  }
0x1f9: {  	v63 =	vld.idx.msk [tilespmem:v22+s29+$0x0], $0xffff;
	v26 =	vmax.f32 v35, v26;
	[tilespmem:v54+s29+$0x0] =	vst.idx.msk $0xffff, v28  }
0x1fa: {  	v25 =	vmax.f32 v60, v25;
	[tilespmem:v55+s29+$0x0] =	vst.idx.msk $0xffff, v26  }
0x1fb: {  	v23 =	vmax.f32 v61, v23;
	[tilespmem:v58+s29+$0x0] =	vst.idx.msk $0xffff, v25  }
0x1fc: {  	v21 =	vmax.f32 v38, v21;
	[tilespmem:v59+s29+$0x0] =	vst.idx.msk $0xffff, v23  }
0x1fd: {  	v20 =	vmax.f32 v39, v20;
	[tilespmem:v30+s29+$0x0] =	vst.idx.msk $0xffff, v21  }
0x1fe: {  	v19 =	vmax.f32 v62, v19;
	[tilespmem:v27+s29+$0x0] =	vst.idx.msk $0xffff, v20  }
0x1ff: {  	v18 =	vmax.f32 v63, v18;
	[tilespmem:v24+s29+$0x0] =	vst.idx.msk $0xffff, v19  }
0x200: {  	[tilespmem:v22+s29+$0x0] =	vst.idx.msk $0xffff, v18  }
.LBB2_13:
0x201: {  	s1 =	sadd.s32 $0x20, s1  }
0x202: {  	p0 =	sne.s32 s1, $0x500  }
.Ltmp8:
0x203: {  	_ = 	snop;
	(pc) =	sbr.rel @!p0 .LBB2_14-.Ltmp8, $2  }
0x204: {  	_ =	sdelay $0x2  }
0x205: {  	s6 =	sadd.s32 $0x20, s6  }
.LBB2_10:
0x206: {  	v18 =	vmov s1  }
0x207: {  	v22 =	vshll.u32 v16, $0x3;
	s8 =	sadd.s32 $0x2, s1;
	v16 =	vshll.u32 v18, $0x3  }
0x208: {  	v24 =	vshll.u32 v17, $0x3;
	v17 =	vmov s8;
	s8 =	sadd.s32 $0x4, s1;
	v16 =	vor.u32 v6, v16  }
0x209: {  	v17 =	vshll.u32 v17, $0x3;
	v18 =	vmov s8;
	s8 =	sadd.s32 $0x6, s1;
	v16 =	vor.u32 v7, v16  }
0x20a: {  	v17 =	vor.u32 v6, v17;
	v18 =	vshll.u32 v18, $0x3;
	v19 =	vmov s8  }
0x20b: {  	s8 =	sadd.s32 $0x8, s1;
	v17 =	vor.u32 v7, v17;
	v18 =	vor.u32 v6, v18;
	v19 =	vshll.u32 v19, $0x3  }
0x20c: {  	v20 =	vmov s8;
	s8 =	sadd.s32 $0xA, s1;
	v18 =	vor.u32 v7, v18;
	v19 =	vor.u32 v6, v19  }
0x20d: {  	v20 =	vshll.u32 v20, $0x3;
	v21 =	vmov s8;
	s8 =	sadd.s32 $0xC, s1;
	v19 =	vor.u32 v7, v19  }
0x20e: {  	v20 =	vor.u32 v6, v20;
	v21 =	vshll.u32 v21, $0x3;
	v23 =	vmov s8  }
0x20f: {  	s8 =	sadd.s32 $0xE, s1;
	v20 =	vor.u32 v7, v20;
	v21 =	vor.u32 v6, v21;
	v23 =	vshll.u32 v23, $0x3  }
0x210: {  	v25 =	vmov s8;
	s8 =	sadd.s32 $0x10, s1;
	v21 =	vor.u32 v7, v21;
	v23 =	vor.u32 v6, v23  }
0x211: {  	v39 =	vld.idx.msk [tilespmem:v16+s16+$0x0], $0xffff;
	v16 =	vor.u32 v7, v23;
	v23 =	vshll.u32 v25, $0x3;
	v25 =	vmov s8;
	s8 =	sadd.s32 $0x12, s1  }
0x212: {  	v38 =	vld.idx.msk [tilespmem:v17+s16+$0x0], $0xffff;
	v17 =	vor.u32 v6, v23;
	v23 =	vshll.u32 v25, $0x3;
	v25 =	vmov s8  }
0x213: {  	v35 =	vld.idx.msk [tilespmem:v18+s16+$0x0], $0xffff;
	s8 =	sadd.s32 $0x14, s1;
	v17 =	vor.u32 v7, v17;
	v18 =	vor.u32 v6, v23;
	v23 =	vshll.u32 v25, $0x3  }
0x214: {  	v34 =	vld.idx.msk [tilespmem:v19+s16+$0x0], $0xffff;
	v19 =	vor.u32 v6, v23;
	v23 =	vmov s8;
	s8 =	sadd.s32 $0x16, s1  }
0x215: {  	v18 =	vor.u32 v7, v18;
	v33 =	vld.idx.msk [tilespmem:v20+s16+$0x0], $0xffff;
	v20 =	vshll.u32 v23, $0x3;
	v23 =	vmov s8;
	s8 =	sadd.s32 $0x18, s1  }
0x216: {  	v19 =	vor.u32 v7, v19;
	v32 =	vld.idx.msk [tilespmem:v21+s16+$0x0], $0xffff;
	v21 =	vshll.u32 v23, $0x3;
	v23 =	vmov s8  }
0x217: {  	v20 =	vor.u32 v6, v20;
	v31 =	vld.idx.msk [tilespmem:v16+s16+$0x0], $0xffff;
	s8 =	sadd.s32 $0x1A, s1;
	v16 =	vor.u32 v6, v21;
	v21 =	vshll.u32 v23, $0x3  }
0x218: {  	v29 =	vld.idx.msk [tilespmem:v17+s16+$0x0], $0xffff;
	v23 =	vor.u32 v7, v16;
	v16 =	vor.u32 v6, v21;
	v17 =	vmov s8  }
0x219: {  	v20 =	vor.u32 v7, v20;
	s8 =	sadd.s32 $0x1C, s1;
	v21 =	vor.u32 v7, v16;
	v17 =	vshll.u32 v17, $0x3;
	v16 =	vld [tilespmem:s6+$0xFFFFFFF0]  }
0x21a: {  	v25 =	vmov s8;
	s8 =	sadd.s32 $0x1E, s1;
	v26 =	vor.u32 v6, v17;
	v17 =	vld [tilespmem:s6+$0x0]  }
0x21b: {  	v25 =	vshll.u32 v25, $0x3;
	v27 =	vmov s8  }
0x21c: {  	v28 =	vld.idx.msk [tilespmem:v18+s16+$0x0], $0xffff;
	v18 =	vor.u32 v7, v26;
	v25 =	vor.u32 v6, v25;
	v27 =	vshll.u32 v27, $0x3  }
0x21d: {  	v26 =	vld.idx.msk [tilespmem:v19+s16+$0x0], $0xffff;
	v19 =	vor.u32 v7, v25;
	v27 =	vor.u32 v6, v27  }
0x21e: {  	v25 =	vld.idx.msk [tilespmem:v20+s16+$0x0], $0xffff;
	v27 =	vor.u32 v7, v27;
	v30 =	vand.u32 $0x3FFF, v16  }
0x21f: {  	v23 =	vld.idx.msk [tilespmem:v23+s16+$0x0], $0xffff;
	v36 =	vand.u32 $0x3FFF, v17  }
0x220: {  	v21 =	vld.idx.msk [tilespmem:v21+s16+$0x0], $0xffff  }
0x221: {  	v20 =	vld.idx.msk [tilespmem:v18+s16+$0x0], $0xffff  }
0x222: {  	v19 =	vld.idx.msk [tilespmem:v19+s16+$0x0], $0xffff  }
0x223: {  	v18 =	vld.idx.msk [tilespmem:v27+s16+$0x0], $0xffff;
	[tilespmem:v30+s28+$0x0] =	vst.idx.msk $0xffff, v1  }
0x224: {  	[tilespmem:v36+s28+$0x0] =	vst.idx.msk $0xffff, v3  }
0x225: {  	v27 =	vld.idx.msk [tilespmem:v30+s28+$0x0], $0xffff  }
0x226: {  	v30 =	vld.idx.msk [tilespmem:v36+s28+$0x0], $0xffff;
	_ =	sdelay $0x4  }
0x227: {  	vm0 =	vne.s32 v27, v1;
	vm1 =	vne.s32 v30, v3  }
0x228: {  	vm0 =	vmor vm0, vm1  }
0x229: {  	v27 =	vsel vm0, $0x1, v5  }
0x22a: {  	v27 =	vor.u32 $0x80000000, v27  }
0x22b: {  	(xrf0) =	vmax.scan.msk.u32 $0xffff, v27;
	_ =	sdelay $0x5  }
0x22c: {  	v27, _, _ =	vpop (xrf0)  }
0x22d: {  	(v2sf) =	vpush v27, $0xF;
	_ =	sdelay $0x5  }
0x22e: {  	v49 =	vperm.xlane v22, v4  }
0x22f: {  	v48 =	vperm.xlane v22, v8;
	v47 =	vperm.xlane v22, v9  }
0x230: {  	v46 =	vperm.xlane v22, v10;
	v45 =	vperm.xlane v22, v11  }
0x231: {  	v44 =	vperm.xlane v22, v13;
	v43 =	vperm.xlane v22, v14  }
0x232: {  	p0 =	slt.u32 s7, $0x80000001;
	v41 =	vperm.xlane v24, v4;
	v40 =	vperm.xlane v24, v8  }
.Ltmp9:
0x233: {  	v37 =	vperm.xlane v24, v9;
	v50 =	vperm.xlane v24, v12;
	(pc) =	sbr.rel @p0 .LBB2_12-.Ltmp9, $4  }
0x234: {  	v51 =	vperm.xlane v24, v13;
	v30 =	vperm.xlane v24, v11  }
0x235: {  	v49 =	vor.u32 v7, v49;
	v27 =	vperm.xlane v22, v12;
	v22 =	vperm.xlane v24, v14  }
0x236: {  	v36 =	vperm.xlane v24, v10;
	v30 =	vor.u32 v7, v30;
	v24 =	vor.u32 v7, v51  }
0x237: {  	v42 =	vor.u32 v7, v27;
	v22 =	vor.u32 v7, v22;
	v27 =	vor.u32 v7, v50;
	s7 =	spop (v2sf)  }
0x238: {  	_ =	sdelay $0x3  }
0x239: {  	v50 =	vld.idx.msk [tilespmem:v49+s29+$0x0], $0xffff  }
0x23a: {  	v51 =	vperm.xlane v39, v15;
	v52 =	vperm.xlane v49, v15  }
0x23b: {  	v48 =	vor.u32 v7, v48  }
0x23c: {  	vm0 =	veq.s32 v49, v52;
	v51 =	vmax.f32 v39, v51  }
0x23d: {  	v39 =	vsel vm0, v51, v39  }
0x23e: {  	v39 =	vmax.f32 v50, v39  }
0x23f: {  	[tilespmem:v49+s29+$0x0] =	vst.idx.msk $0xffff, v39  }
0x240: {  	v39 =	vld.idx.msk [tilespmem:v48+s29+$0x0], $0xffff  }
0x241: {  	v63 =	vperm.xlane v38, v15;
	v52 =	vperm.xlane v48, v15  }
0x242: {  	v47 =	vor.u32 v7, v47  }
0x243: {  	vm13 =	veq.s32 v48, v52;
	v49 =	vmax.f32 v38, v63  }
0x244: {  	v38 =	vsel vm13, v49, v38  }
0x245: {  	v38 =	vmax.f32 v39, v38  }
0x246: {  	[tilespmem:v48+s29+$0x0] =	vst.idx.msk $0xffff, v38  }
0x247: {  	v38 =	vld.idx.msk [tilespmem:v47+s29+$0x0], $0xffff  }
0x248: {  	v53 =	vperm.xlane v35, v15;
	v54 =	vperm.xlane v47, v15  }
0x249: {  	v46 =	vor.u32 v7, v46  }
0x24a: {  	vm14 =	veq.s32 v47, v54;
	v39 =	vmax.f32 v35, v53  }
0x24b: {  	v35 =	vsel vm14, v39, v35  }
0x24c: {  	v35 =	vmax.f32 v38, v35  }
0x24d: {  	[tilespmem:v47+s29+$0x0] =	vst.idx.msk $0xffff, v35  }
0x24e: {  	v35 =	vld.idx.msk [tilespmem:v46+s29+$0x0], $0xffff  }
0x24f: {  	v55 =	vperm.xlane v34, v15;
	v56 =	vperm.xlane v46, v15  }
0x250: {  	v45 =	vor.u32 v7, v45  }
0x251: {  	vm15 =	veq.s32 v46, v56;
	v38 =	vmax.f32 v34, v55  }
0x252: {  	v34 =	vsel vm15, v38, v34  }
0x253: {  	v34 =	vmax.f32 v35, v34  }
0x254: {  	[tilespmem:v46+s29+$0x0] =	vst.idx.msk $0xffff, v34  }
0x255: {  	v34 =	vld.idx.msk [tilespmem:v45+s29+$0x0], $0xffff  }
0x256: {  	v57 =	vperm.xlane v33, v15;
	v58 =	vperm.xlane v45, v15;
	_ =	sdelay $0x1  }
0x257: {  	vm4 =	veq.s32 v45, v58;
	v35 =	vmax.f32 v33, v57  }
0x258: {  	v33 =	vsel vm4, v35, v33  }
0x259: {  	v33 =	vmax.f32 v34, v33  }
0x25a: {  	[tilespmem:v45+s29+$0x0] =	vst.idx.msk $0xffff, v33  }
0x25b: {  	v33 =	vld.idx.msk [tilespmem:v42+s29+$0x0], $0xffff  }
0x25c: {  	v59 =	vperm.xlane v32, v15;
	v60 =	vperm.xlane v42, v15  }
0x25d: {  	v61 =	vor.u32 v7, v44  }
0x25e: {  	vm5 =	veq.s32 v42, v60;
	v34 =	vmax.f32 v32, v59  }
0x25f: {  	v32 =	vsel vm5, v34, v32  }
0x260: {  	v32 =	vmax.f32 v33, v32  }
0x261: {  	[tilespmem:v42+s29+$0x0] =	vst.idx.msk $0xffff, v32  }
0x262: {  	v32 =	vld.idx.msk [tilespmem:v61+s29+$0x0], $0xffff  }
0x263: {  	v62 =	vperm.xlane v31, v15;
	v63 =	vperm.xlane v61, v15  }
0x264: {  	v39 =	vor.u32 v7, v43  }
0x265: {  	vm6 =	veq.s32 v61, v63;
	v33 =	vmax.f32 v31, v62  }
0x266: {  	v31 =	vsel vm6, v33, v31  }
0x267: {  	v31 =	vmax.f32 v32, v31  }
0x268: {  	[tilespmem:v61+s29+$0x0] =	vst.idx.msk $0xffff, v31  }
0x269: {  	v31 =	vld.idx.msk [tilespmem:v39+s29+$0x0], $0xffff  }
0x26a: {  	v43 =	vperm.xlane v39, v15;
	v42 =	vperm.xlane v29, v15  }
0x26b: {  	v44 =	vor.u32 v7, v41  }
0x26c: {  	vm7 =	veq.s32 v39, v43;
	v32 =	vmax.f32 v29, v42  }
0x26d: {  	v29 =	vsel vm7, v32, v29  }
0x26e: {  	v29 =	vmax.f32 v31, v29  }
0x26f: {  	[tilespmem:v39+s29+$0x0] =	vst.idx.msk $0xffff, v29  }
0x270: {  	v29 =	vld.idx.msk [tilespmem:v44+s29+$0x0], $0xffff  }
0x271: {  	v46 =	vperm.xlane v44, v15;
	v45 =	vperm.xlane v28, v15  }
0x272: {  	v47 =	vor.u32 v7, v40  }
0x273: {  	vm8 =	veq.s32 v44, v46;
	v31 =	vmax.f32 v28, v45  }
0x274: {  	v28 =	vsel vm8, v31, v28  }
0x275: {  	v28 =	vmax.f32 v29, v28  }
0x276: {  	[tilespmem:v44+s29+$0x0] =	vst.idx.msk $0xffff, v28  }
0x277: {  	v28 =	vld.idx.msk [tilespmem:v47+s29+$0x0], $0xffff  }
0x278: {  	v48 =	vperm.xlane v26, v15;
	v49 =	vperm.xlane v47, v15  }
0x279: {  	v50 =	vor.u32 v7, v37  }
0x27a: {  	vm9 =	veq.s32 v47, v49;
	v29 =	vmax.f32 v26, v48  }
0x27b: {  	v26 =	vsel vm9, v29, v26  }
0x27c: {  	v26 =	vmax.f32 v28, v26  }
0x27d: {  	[tilespmem:v47+s29+$0x0] =	vst.idx.msk $0xffff, v26  }
0x27e: {  	v26 =	vld.idx.msk [tilespmem:v50+s29+$0x0], $0xffff  }
0x27f: {  	v51 =	vperm.xlane v25, v15;
	v52 =	vperm.xlane v50, v15  }
0x280: {  	v53 =	vor.u32 v7, v36  }
0x281: {  	vm10 =	veq.s32 v50, v52;
	v28 =	vmax.f32 v25, v51  }
0x282: {  	v25 =	vsel vm10, v28, v25  }
0x283: {  	v25 =	vmax.f32 v26, v25  }
0x284: {  	[tilespmem:v50+s29+$0x0] =	vst.idx.msk $0xffff, v25  }
0x285: {  	v25 =	vld.idx.msk [tilespmem:v53+s29+$0x0], $0xffff  }
0x286: {  	v54 =	vperm.xlane v23, v15;
	v55 =	vperm.xlane v53, v15;
	_ =	sdelay $0x1  }
0x287: {  	vm11 =	veq.s32 v53, v55;
	v26 =	vmax.f32 v23, v54  }
0x288: {  	v23 =	vsel vm11, v26, v23  }
0x289: {  	v23 =	vmax.f32 v25, v23  }
0x28a: {  	[tilespmem:v53+s29+$0x0] =	vst.idx.msk $0xffff, v23  }
0x28b: {  	v23 =	vld.idx.msk [tilespmem:v30+s29+$0x0], $0xffff  }
0x28c: {  	v56 =	vperm.xlane v21, v15;
	v57 =	vperm.xlane v30, v15;
	_ =	sdelay $0x1  }
0x28d: {  	vm12 =	veq.s32 v30, v57;
	v25 =	vmax.f32 v21, v56  }
0x28e: {  	v21 =	vsel vm12, v25, v21  }
0x28f: {  	v21 =	vmax.f32 v23, v21  }
0x290: {  	[tilespmem:v30+s29+$0x0] =	vst.idx.msk $0xffff, v21  }
0x291: {  	v21 =	vld.idx.msk [tilespmem:v27+s29+$0x0], $0xffff  }
0x292: {  	v58 =	vperm.xlane v20, v15;
	v59 =	vperm.xlane v27, v15;
	_ =	sdelay $0x1  }
0x293: {  	vm13 =	veq.s32 v27, v59;
	v23 =	vmax.f32 v20, v58  }
0x294: {  	v20 =	vsel vm13, v23, v20  }
0x295: {  	v20 =	vmax.f32 v21, v20  }
0x296: {  	[tilespmem:v27+s29+$0x0] =	vst.idx.msk $0xffff, v20  }
0x297: {  	v20 =	vld.idx.msk [tilespmem:v24+s29+$0x0], $0xffff  }
0x298: {  	v60 =	vperm.xlane v19, v15;
	v61 =	vperm.xlane v24, v15;
	_ =	sdelay $0x1  }
0x299: {  	vm14 =	veq.s32 v24, v61;
	v21 =	vmax.f32 v19, v60  }
0x29a: {  	v19 =	vsel vm14, v21, v19  }
0x29b: {  	v19 =	vmax.f32 v20, v19  }
0x29c: {  	[tilespmem:v24+s29+$0x0] =	vst.idx.msk $0xffff, v19  }
0x29d: {  	v19 =	vld.idx.msk [tilespmem:v22+s29+$0x0], $0xffff  }
0x29e: {  	v63 =	vperm.xlane v22, v15;
	v62 =	vperm.xlane v18, v15  }
.Ltmp10:
0x29f: {  	_ = 	snop;
	(pc) =	sbr.rel .LBB2_13-.Ltmp10, $4  }
0x2a0: {  	vm15 =	veq.s32 v22, v63;
	v20 =	vmax.f32 v18, v62  }
0x2a1: {  	v18 =	vsel vm15, v20, v18  }
0x2a2: {  	v18 =	vmax.f32 v19, v18  }
0x2a3: {  	[tilespmem:v22+s29+$0x0] =	vst.idx.msk $0xffff, v18  }
.LBB2_15:
0x2a4: {  	_ =	swait.ge [sflag:s25], $0x1400  }
0x2a5: {  	[sflag:s25] =	ssyncset.done $0x0  }
0x2a6: {  	[sflag:s25] =	ssyncadd.s32 $0xFFFFEC00  }
0x2a7: {  	_ =	swait.ge [sflag:s26], $0x280  }
0x2a8: {  	[sflag:s26] =	ssyncset.done $0x0  }
0x2a9: {  	[sflag:s26] =	ssyncadd.s32 $0xFFFFFD80  }
0x2aa: {  	_ =	swait.ge [sflag:s26], $0x280  }
0x2ab: {  	[sflag:s26] =	ssyncset.done $0x0  }
0x2ac: {  	s0 =	simm.s32 $0x3750;
	[sflag:s26] =	ssyncadd.s32 $0xFFFFFD80  }
0x2ad: {  	v18 =	vld [tilespmem:s0+$0xFFFFFFE0]  }
0x2ae: {  	v19 =	vld [tilespmem:s0+$0x0]  }
0x2af: {  	v16 =	vld [tilespmem:s0+$0x10]  }
0x2b0: {  	v17 =	vld [tilespmem:s0+$0xFFFFFFF0];
	_ =	sdelay $0x1  }
0x2b1: {  	vm0 =	veq.f32 v18, $-Inf  }
0x2b2: {  	v18 =	vsel vm0, $0x0, v18;
	vm0 =	veq.f32 v19, $-Inf  }
0x2b3: {  	s1 =	simm.s32 $0x0;
	s6 =	simm.s32 $0x3790;
	[tilespmem:s0+$0xFFFFFFE0] =	vst v18;
	v18 =	vsel vm0, $0x0, v19;
	vm0 =	veq.f32 v16, $-Inf  }
.LBB2_16:
0x2b4: {  	v19 =	vld [tilespmem:s6+$0xFFFFFFE0];
	vm1 =	veq.f32 v17, $-Inf;
	[tilespmem:s0+$0x0] =	vst v18;
	v16 =	vsel vm0, $0x0, v16  }
0x2b5: {  	s1 =	sadd.s32 $0x4, s1;
	v18 =	vld [tilespmem:s6+$0x0];
	v17 =	vsel vm1, $0x0, v17;
	[tilespmem:s0+$0x10] =	vst v16  }
0x2b6: {  	p0 =	slt.u32 s1, $0x1384;
	v16 =	vld [tilespmem:s6+$0x10];
	[tilespmem:s0+$0xFFFFFFF0] =	vst v17;
	s0 =	smov.u32 s6  }
.Ltmp11:
0x2b7: {  	v17 =	vld [tilespmem:s6+$0xFFFFFFF0];
	(pc) =	sbr.rel @p0 .LBB2_16-.Ltmp11, $4  }
0x2b8: {  	_ = 	snop  }
0x2b9: {  	vm0 =	veq.f32 v19, $-Inf  }
0x2ba: {  	v19 =	vsel vm0, $0x0, v19;
	vm0 =	veq.f32 v18, $-Inf  }
0x2bb: {  	s6 =	sadd.s32 $0x40, s6;
	[tilespmem:s0+$0xFFFFFFE0] =	vst v19;
	v18 =	vsel vm0, $0x0, v18;
	vm0 =	veq.f32 v16, $-Inf  }
0x2bc: {  	vm1 =	veq.f32 v17, $-Inf;
	[tilespmem:s0+$0x0] =	vst v18;
	v16 =	vsel vm0, $0x0, v16  }
0x2bd: {  	v17 =	vsel vm1, $0x0, v17;
	[tilespmem:s0+$0x10] =	vst v16  }
0x2be: {  	s8 =	rddreg [dreg:$0x5];
	s1 =	simm.s32 $0x5;
	[tilespmem:s0+$0xFFFFFFF0] =	vst v17  }
0x2bf: {  	[hbm4b:s8+s3] =	stream.linear.scatter [tilespmem:s29], [sflag:$0x5], $0x13880, $0x38;
	[tilespmem:$0x1AFB0] =	vst v63  }
0x2c0: {  	_ =	swait.ge [sflag:s1], $0x13880  }
0x2c1: {  	s6 =	rddreg [dreg:$0x7]  }
0x2c2: {  	s31 =	rddreg [dreg:$0x6];
	s6 =	sadd.s32 $0x1, s6  }
0x2c3: {  	p0 =	sne.s32 s6, s31  }
.Ltmp12:
0x2c4: {  	_ = 	snop;
	(pc) =	sbr.rel @p0 .LBB2_1-.Ltmp12, $3  }
0x2c5: {  	_ =	sdelay $0x1  }
0x2c6: {  	[sflag:s1] =	ssyncset.done $0x0  }
0x2c7: {  	[sflag:s1] =	ssyncadd.s32 $0xFFFEC780  }
0x2c8: {  	_ =	sfence.sel $0x180000  }
0x2c9: {  	[bflag:$0x0] =	sbarrier.arrive $0xFFFF  }
0x2ca: {  	_ =	strace $0x90000047  }
0x2cb: {  	s0 =	stileid.u32;
	[bflag:$0x2] =	sbarrier.arrive $0xFFFF  }
0x2cc: {  	p0 =	sne.s32 s0, $0x0;
	s0 =	rddreg [dreg:$0x2]  }
0x2cd: {  	s0 =	sadd.s32 @!p0 $0x100000, s0  }
0x2ce: {  	[sflag:s0] =	ssyncadd.tile.s32 @!p0 $0x1;
	_ =	shalt  }
.Lfunc_end2:
_tile_overlayer_lowered:
.L_overlay_start_2:
0x2cf: {  	(tag) =	ssettag $0x2  }
0x2d0: {  	s0 =	rddreg [dreg:$0x0];
	s2 =	stileid.u32  }
0x2d1: {  	s1 =	rddreg [dreg:$0x1];
	p0 =	sne.s32 s2, $0x0  }
0x2d2: {  	s3 =	rddreg [dreg:$0x2];
	[bflag:$0x3] =	sbarrier.arrive $0xFFFF;
	s2 =	simm.s32 @!p0 $0x1C05  }
0x2d3: {  	[timem:s3], [sflag:s2] =	dma.local @!p0 [hbm:s0], s1  }
0x2d4: {  	s0 =	simm.s32 @!p0 $0x5  }
0x2d5: {  	_ =	swait.ge @!p0 [sflag:s0], s1  }
0x2d6: {  	s1 =	ssub.s32 @!p0 $0x0, s1;
	[sflag:s0] =	ssyncset.done @!p0 $0x0  }
0x2d7: {  	[sflag:s0] =	ssyncadd.s32 @!p0 s1  }
0x2d8: {  	[bflag:$0x3] =	sbarrier.arrive $0xFFFF  }
0x2d9: {  	_ =	shalt  }

</sc_bundles>
